<compile_context>
chip_gen: v7x
topology: tpu7x:2x2x1
jax: 0.10.2.dev20260603
libtpu: 0.0.44.dev20260713+nightly
codegen_flags: <defaults>
</compile_context>

<pallas_src>
import functools
import jax
import jax.numpy as jnp
from jax import lax
from jax.experimental import pallas as pl
from jax.experimental.pallas import tpu as pltpu
from jax.experimental.pallas import tpu_sc as plsc

N = 10000
E = 320000
D_IN = 128
D_H = 256
D_OUT = 128

NC = 2
NS = 16
LANES = 16

NPAD = 10240
STRIPE = NPAD // NS
CB = 128
CHB = 80
EPADB = NC * NS * CHB * CB


def _mesh():
  return plsc.VectorSubcoreMesh(
      core_axis_name="c", subcore_axis_name="s", num_cores=NC,
      num_subcores=NS)


def _unpack_edges(packed, didx, nrows):

  def row(r, _):
    for g in range(CB // LANES):
      p = packed[r, pl.ds(g * LANES, LANES)]
      didx[r, pl.ds(g * LANES, LANES)] = jnp.bitwise_and(p, 16383)
      packed[r, pl.ds(g * LANES, LANES)] = jnp.right_shift(p, 14)
    return 0

  lax.fori_loop(0, nrows, row, 0)


def _zero_stripe(buf2d, zvec, shared2d, shared1ds, s):
  rows = buf2d.shape[0]

  def zrow(i, _):
    for l in range(buf2d.shape[1] // LANES):
      buf2d[i, pl.ds(l * LANES, LANES)] = jnp.zeros((LANES,), jnp.float32)
    return 0

  lax.fori_loop(0, rows, zrow, 0)
  for l in range(zvec.shape[0] // LANES):
    zvec[pl.ds(l * LANES, LANES)] = jnp.zeros((LANES,), jnp.float32)
  for r in range(STRIPE // rows):
    pltpu.sync_copy(buf2d, shared2d.at[pl.ds(s * STRIPE + r * rows, rows)])
  for sh1 in shared1ds:
    pltpu.sync_copy(zvec, sh1.at[pl.ds(s * STRIPE, STRIPE)])


def _sc_layer1(edges_p, nf_pad):
  grid_out = (
      jax.ShapeDtypeStruct((NC, NPAD, D_IN), jnp.float32),
      jax.ShapeDtypeStruct((NC, NPAD), jnp.float32),
      jax.ShapeDtypeStruct((NC, NPAD), jnp.float32),
  )

  @functools.partial(
      pl.kernel,
      out_type=grid_out,
      mesh=_mesh(),
      scratch_types=[
          pltpu.VMEM((CHB, CB), jnp.int32),
          pltpu.VMEM((CHB, CB), jnp.int32),
          pltpu.VMEM((CB, D_IN), jnp.float32),
          pltpu.VMEM((CB,), jnp.float32),
          pltpu.VMEM((STRIPE,), jnp.float32),
          pltpu.VMEM_SHARED((NPAD, D_IN), jnp.float32),
          pltpu.VMEM_SHARED((NPAD,), jnp.float32),
          pltpu.VMEM_SHARED((NPAD,), jnp.float32),
          pltpu.SemaphoreType.DMA,
      ],
  )
  def k(edges_hbm, nf_hbm, neigh_hbm, di_hbm, do_hbm,
        sidx, didx, buf0, ones_v, zvec, acc, hin, hout, sem0):
    c = lax.axis_index("c")
    s = lax.axis_index("s")
    w = c * NS + s

    _zero_stripe(buf0, zvec, acc, [hin, hout], s)

    pltpu.sync_copy(edges_hbm.at[w], sidx)
    _unpack_edges(sidx, didx, CHB)
    for i in range(CB // LANES):
      ones_v[pl.ds(i * LANES, LANES)] = jnp.ones((LANES,), jnp.float32)

    plsc.subcore_barrier()

    pltpu.async_copy(nf_hbm.at[sidx.at[0]], buf0, sem0)

    def body(j, _):
      pltpu.make_async_copy(nf_hbm.at[sidx.at[0]], buf0, sem0).wait()
      pltpu.sync_copy(buf0, acc.at[didx.at[j]], add=True)

      @pl.when(j + 1 < CHB)
      def _():
        pltpu.async_copy(nf_hbm.at[sidx.at[j + 1]], buf0, sem0)

      pltpu.sync_copy(ones_v, hin.at[didx.at[j]], add=True)
      pltpu.sync_copy(ones_v, hout.at[sidx.at[j]], add=True)
      return 0

    lax.fori_loop(0, CHB, body, 0)

    plsc.subcore_barrier()

    rows = pl.ds(s * STRIPE, STRIPE)

    pltpu.sync_copy(acc.at[rows], neigh_hbm.at[c].at[rows])
    pltpu.sync_copy(hin.at[rows], di_hbm.at[c].at[rows])
    pltpu.sync_copy(hout.at[rows], do_hbm.at[c].at[rows])

  return k(edges_p, nf_pad)


def _sc_layer2(edges_p, xs0, xs1, norm_dst):
  DH2 = D_H // 2
  grid_out = (
      jax.ShapeDtypeStruct((NC, NPAD, DH2), jnp.float32),
      jax.ShapeDtypeStruct((NC, NPAD, DH2), jnp.float32),
      jax.ShapeDtypeStruct((NC, NPAD), jnp.float32),
  )

  @functools.partial(
      pl.kernel,
      out_type=grid_out,
      mesh=_mesh(),
      scratch_types=[
          pltpu.VMEM((CHB, CB), jnp.int32),
          pltpu.VMEM((CHB, CB), jnp.int32),
          pltpu.VMEM((CB, DH2), jnp.float32),
          pltpu.VMEM((CB,), jnp.float32),
          pltpu.VMEM((STRIPE,), jnp.float32),
          pltpu.VMEM_SHARED((NPAD, DH2), jnp.float32),
          pltpu.VMEM_SHARED((NPAD,), jnp.float32),
          pltpu.SemaphoreType.DMA,
          pltpu.SemaphoreType.DMA,
      ],
  )
  def k(edges_hbm, xs0_hbm, xs1_hbm, nd_hbm, aggA_hbm, aggB_hbm, sp_hbm,
        sidx, didx, buf0, vals0, zvec, acc, shist, sem0, sem1):
    c = lax.axis_index("c")
    s = lax.axis_index("s")
    w = c * NS + s
    rows = pl.ds(s * STRIPE, STRIPE)

    _zero_stripe(buf0, zvec, acc, [shist], s)
    pltpu.sync_copy(edges_hbm.at[w], sidx)
    _unpack_edges(sidx, didx, CHB)

    plsc.subcore_barrier()

    def feature_phase(xs_hbm):
      def body(j, _):
        pltpu.async_copy(xs_hbm.at[sidx.at[j]], buf0, sem0).wait()
        pltpu.sync_copy(buf0, acc.at[didx.at[j]], add=True)
        return 0

      lax.fori_loop(0, CHB, body, 0)

    pltpu.async_copy(xs0_hbm.at[sidx.at[0]], buf0, sem0)

    def bodyA(j, _):
      pltpu.make_async_copy(xs0_hbm.at[sidx.at[0]], buf0, sem0).wait()
      pltpu.sync_copy(buf0, acc.at[didx.at[j]], add=True)

      @pl.when(j + 1 < CHB)
      def _():
        pltpu.async_copy(xs0_hbm.at[sidx.at[j + 1]], buf0, sem0)

      pltpu.async_copy(nd_hbm.at[didx.at[j]], vals0, sem1).wait()
      pltpu.sync_copy(vals0, shist.at[sidx.at[j]], add=True)
      return 0

    lax.fori_loop(0, CHB, bodyA, 0)
    plsc.subcore_barrier()

    pltpu.sync_copy(acc.at[rows], aggA_hbm.at[c].at[rows])
    pltpu.sync_copy(shist.at[rows], sp_hbm.at[c].at[rows])
    _zero_stripe(buf0, zvec, acc, [], s)
    plsc.subcore_barrier()

    feature_phase(xs1_hbm)
    plsc.subcore_barrier()

    pltpu.sync_copy(acc.at[rows], aggB_hbm.at[c].at[rows])

  return k(edges_p, xs0, xs1, norm_dst)


BM = 640


def _tc_sage(nf_pad, neigh, deg_in, deg_out, W_self, W_neigh, b_sage):
  nsteps = NPAD // BM

  def body(nf_ref, nb_ref, di_ref, do_ref,
           ws_ref, wn_ref, b_ref, xs0_ref, xs1_ref, nd_ref, ns_ref):
    i = pl.program_id(0)
    x = nf_ref[...]
    neigh = nb_ref[0] + nb_ref[1]
    di = di_ref[0] + di_ref[1]
    do = do_ref[0] + do_ref[1]
    inv_deg = 1.0 / jnp.maximum(di, 1.0)
    h_neigh = neigh * inv_deg
    h1 = (jnp.dot(x, ws_ref[...], preferred_element_type=jnp.float32)
          + b_ref[...]
          + jnp.dot(h_neigh, wn_ref[...], preferred_element_type=jnp.float32))
    h1 = jnp.where(h1 >= 0, h1, 0.01 * h1)
    rows = i * BM + lax.broadcasted_iota(jnp.int32, (BM, 1), 0)
    valid = rows < N
    norm_src = jnp.where(valid, lax.rsqrt(jnp.maximum(do, 1.0)), 0.0)
    norm_dst = jnp.where(valid, lax.rsqrt(jnp.maximum(di, 1.0)), 0.0)
    xs = h1 * norm_src
    xs0_ref[...] = xs[:, :D_H // 2]
    xs1_ref[...] = xs[:, D_H // 2:]
    nd_ref[...] = norm_dst
    ns_ref[...] = norm_src

  return pl.pallas_call(
      body,
      grid=(nsteps,),
      in_specs=[
          pl.BlockSpec((BM, D_IN), lambda i: (i, 0)),
          pl.BlockSpec((NC, BM, D_IN), lambda i: (0, i, 0)),
          pl.BlockSpec((NC, BM, 1), lambda i: (0, i, 0)),
          pl.BlockSpec((NC, BM, 1), lambda i: (0, i, 0)),
          pl.BlockSpec((D_IN, D_H), lambda i: (0, 0)),
          pl.BlockSpec((D_IN, D_H), lambda i: (0, 0)),
          pl.BlockSpec((1, D_H), lambda i: (0, 0)),
      ],
      out_specs=[
          pl.BlockSpec((BM, D_H // 2), lambda i: (i, 0)),
          pl.BlockSpec((BM, D_H // 2), lambda i: (i, 0)),
          pl.BlockSpec((BM, 1), lambda i: (i, 0)),
          pl.BlockSpec((BM, 1), lambda i: (i, 0)),
      ],
      out_shape=[
          jax.ShapeDtypeStruct((NPAD, D_H // 2), jnp.float32),
          jax.ShapeDtypeStruct((NPAD, D_H // 2), jnp.float32),
          jax.ShapeDtypeStruct((NPAD, 1), jnp.float32),
          jax.ShapeDtypeStruct((NPAD, 1), jnp.float32),
      ],
  )(nf_pad, neigh, deg_in, deg_out, W_self, W_neigh, b_sage)


def _tc_out(aggA, aggB, norm_dst, norm_src, s_p, W1, b1, W2, b2):
  nsteps = NPAD // BM

  def body(aA_ref, aB_ref, nd_ref, ns_ref, s_ref,
           w1_ref, b1_ref, w2_ref, b2_ref, out_ref, acc_ref):
    i = pl.program_id(0)

    @pl.when(i == 0)
    def _():
      acc_ref[...] = jnp.zeros_like(acc_ref)

    agg = jnp.concatenate([aA_ref[0] + aA_ref[1], aB_ref[0] + aB_ref[1]],
                          axis=1) * nd_ref[...]
    h2 = jnp.dot(agg, w1_ref[...], preferred_element_type=jnp.float32) \
        + b1_ref[...]
    h2 = jnp.where(h2 >= 0, h2, 0.01 * h2)
    cw = ns_ref[...] * (s_ref[0] + s_ref[1])
    acc_ref[...] += jnp.sum(h2 * cw, axis=0, keepdims=True)

    @pl.when(i == nsteps - 1)
    def _():
      mean_agg = acc_ref[...] * (1.0 / N)
      out_ref[...] = jnp.dot(mean_agg, w2_ref[...],
                             preferred_element_type=jnp.float32) + b2_ref[...]

  return pl.pallas_call(
      body,
      grid=(nsteps,),
      in_specs=[
          pl.BlockSpec((NC, BM, D_H // 2), lambda i: (0, i, 0)),
          pl.BlockSpec((NC, BM, D_H // 2), lambda i: (0, i, 0)),
          pl.BlockSpec((BM, 1), lambda i: (i, 0)),
          pl.BlockSpec((BM, 1), lambda i: (i, 0)),
          pl.BlockSpec((NC, BM, 1), lambda i: (0, i, 0)),
          pl.BlockSpec((D_H, D_H), lambda i: (0, 0)),
          pl.BlockSpec((1, D_H), lambda i: (0, 0)),
          pl.BlockSpec((D_H, D_OUT), lambda i: (0, 0)),
          pl.BlockSpec((1, D_OUT), lambda i: (0, 0)),
      ],
      out_specs=pl.BlockSpec((1, D_OUT), lambda i: (0, 0)),
      out_shape=jax.ShapeDtypeStruct((1, D_OUT), jnp.float32),
      scratch_shapes=[pltpu.VMEM((1, D_H), jnp.float32)],
  )(aggA, aggB, norm_dst, norm_src, s_p, W1, b1, W2, b2)


def kernel(n_feat, edge_index, W_self, W_neigh, b_sage, W1, b1, W2, b2):
  f32 = jnp.float32
  src = edge_index[0]
  dst = edge_index[1]

  packed = jnp.left_shift(src, 14) | dst
  padv = jnp.full((), (N << 14) | N, jnp.int32)
  edges_pb = jnp.full((EPADB,), padv, jnp.int32).at[:E].set(packed) \
      .reshape(NC * NS, CHB, CB)

  nf_pad = jnp.zeros((NPAD, D_IN), f32).at[:N].set(n_feat)

  neigh, deg_in, deg_out = _sc_layer1(edges_pb, nf_pad)

  xs0, xs1, norm_dst, norm_src = _tc_sage(
      nf_pad, neigh, deg_in.reshape(NC, NPAD, 1), deg_out.reshape(NC, NPAD, 1),
      W_self, W_neigh, b_sage.reshape(1, D_H))

  aggA, aggB, s_p = _sc_layer2(edges_pb, xs0, xs1, norm_dst.reshape(NPAD))

  out = _tc_out(aggA, aggB, norm_dst, norm_src, s_p.reshape(NC, NPAD, 1),
                W1, b1.reshape(1, D_H), W2, b2.reshape(1, D_OUT))
  return out

# --- scband reference (transcript-rebuilt; emitter-appended) ---
"""Pipeline reference for scband-patch-gcn-34514357191315 (READ-ONLY COPY).

The authoritative reference and input builder live on the scoring server;
editing this copy changes nothing except your own understanding.
"""

import jax, jax.numpy as jnp
import numpy as np

N = 10000
E = 320000
D_IN = 128
D_H = 256
D_OUT = 128


def setup_inputs(seed: int = 0) -> dict:
    key = jax.random.key(seed)
    ks = jax.random.split(key, 10)
    n_feat = jax.random.normal(ks[0], (N, D_IN), dtype=jnp.float32)
    edge_index = jax.random.randint(ks[1], (2, E), 0, N, dtype=jnp.int32)
    # SAGEConv(mean): fc_self (with bias) + fc_neigh (no bias)
    W_self = jax.random.normal(ks[2], (D_IN, D_H), dtype=jnp.float32) * (1.0 / np.sqrt(D_IN))
    W_neigh = jax.random.normal(ks[3], (D_IN, D_H), dtype=jnp.float32) * (1.0 / np.sqrt(D_IN))
    b_sage = jnp.zeros((D_H,), dtype=jnp.float32)
    # middle GraphConv 256 -> 256
    W1 = jax.random.normal(ks[4], (D_H, D_H), dtype=jnp.float32) * (1.0 / np.sqrt(D_H))
    b1 = jnp.zeros((D_H,), dtype=jnp.float32)
    # output GraphConv 256 -> 128
    W2 = jax.random.normal(ks[5], (D_H, D_OUT), dtype=jnp.float32) * (1.0 / np.sqrt(D_H))
    b2 = jnp.zeros((D_OUT,), dtype=jnp.float32)
    return {"n_feat": n_feat, "edge_index": edge_index, "W_self": W_self,
            "W_neigh": W_neigh, "b_sage": b_sage, "W1": W1, "b1": b1,
            "W2": W2, "b2": b2}


def _leaky_relu(x):
    return jnp.where(x >= 0, x, 0.01 * x)


def reference(n_feat, edge_index, W_self, W_neigh, b_sage, W1, b1, W2, b2):
    src = edge_index[0]
    dst = edge_index[1]
    ones_e = jnp.ones((E,), dtype=jnp.float32)
    deg_in = jax.ops.segment_sum(ones_e, dst, num_segments=N)
    deg_out = jax.ops.segment_sum(ones_e, src, num_segments=N)

    # flatten is identity on [N, D]
    h = n_feat

    # ---- SAGEConv, aggregator_type='mean' ----
    neigh_sum = jax.ops.segment_sum(h[src], dst, num_segments=N)
    h_neigh = neigh_sum / jnp.clip(deg_in, 1.0)[:, None]
    h = (h @ W_self + b_sage) + (h_neigh @ W_neigh)
    h = _leaky_relu(h)

    # ---- GraphConv (norm='both'): D_in^{-1/2} A D_out^{-1/2} X W + b ----
    norm_src = jnp.power(jnp.clip(deg_out, 1.0), -0.5)
    norm_dst = jnp.power(jnp.clip(deg_in, 1.0), -0.5)

    def graphconv(x, W, b):
        xs = x * norm_src[:, None]
        agg = jax.ops.segment_sum(xs[src], dst, num_segments=N)
        agg = agg * norm_dst[:, None]
        return agg @ W + b

    # middle layer + LeakyReLU
    h = graphconv(h, W1, b1)
    h = _leaky_relu(h)

    # output layer (no activation)
    h = graphconv(h, W2, b2)

    # dgl.mean_nodes over a single batched graph -> [1, D_OUT]
    return jnp.mean(h, axis=0, keepdims=True)

if __name__ == "__main__":
    import jax
    _d = setup_inputs()
    print(jax.jit(kernel)(*tuple(_d.values())))

</pallas_src>

<mosaic_0001>
#map = affine_map<(d0, d1) -> (0, 0, 0)>
#map1 = affine_map<(d0, d1) -> (0, 0)>
#map2 = affine_map<(d0, d1) -> (0)>
module attributes {stable_mosaic.version = 14 : i64} {
  func.func @k(%arg0: i32, %arg1: i32, %arg2: memref<32x80x128xi32, #tpu.memory_space<hbm>>, %arg3: memref<10240x128xf32, #tpu.memory_space<hbm>>, %arg4: memref<10240x128xf32, #tpu.memory_space<hbm>>, %arg5: memref<10240xf32, #tpu.memory_space<hbm>>, %arg6: memref<2x10240x128xf32, #tpu.memory_space<hbm>>, %arg7: memref<2x10240x128xf32, #tpu.memory_space<hbm>>, %arg8: memref<2x10240xf32, #tpu.memory_space<hbm>>, %arg9: memref<80x128xi32, #tpu.memory_space<vmem>>, %arg10: memref<80x128xi32, #tpu.memory_space<vmem>>, %arg11: memref<128x128xf32, #tpu.memory_space<vmem>>, %arg12: memref<128xf32, #tpu.memory_space<vmem>>, %arg13: memref<640xf32, #tpu.memory_space<vmem>>, %arg14: memref<10240x128xf32, #tpu.memory_space<vmem_shared>>, %arg15: memref<10240xf32, #tpu.memory_space<vmem_shared>>, %arg16: memref<!tpu.dma_semaphore, #tpu.memory_space<semaphore_mem>>, %arg17: memref<!tpu.dma_semaphore, #tpu.memory_space<semaphore_mem>>) attributes {dimension_semantics = [#tpu.dimension_semantics<core_parallel>, #tpu.dimension_semantics<subcore_parallel>], iteration_bounds = array<i64: 2, 16>, scalar_prefetch = 0 : i64, scratch_operands = 9 : i64, tpu.core_type = #tpu.core_type<sc_vector_subcore>, window_params = [{transform_indices = #map}, {transform_indices = #map1}, {transform_indices = #map1}, {transform_indices = #map2}, {transform_indices = #map}, {transform_indices = #map}, {transform_indices = #map1}]} {
    %mul3A = arith.constant 16 : i32
    %mul3A_0 = arith.muli %arg0, %mul3A : i32
    %add3A = arith.addi %mul3A_0, %arg1 : i32
    %mul3A_1 = arith.constant 640 : i32
    %mul3A_2 = arith.muli %arg1, %mul3A_1 : i32
    %scan3A = arith.constant 0 : i32
    %scan3A_3 = arith.constant 0 : i32
    %scan3A_4 = arith.constant 128 : i32
    %scan3A_5 = arith.addi %scan3A_3, %scan3A_4 : i32
    %scan3A_6 = arith.constant 1 : i32
    %scan3A_7 = scf.for %scan3A_566 = %scan3A_3 to %scan3A_5 step %scan3A_6 iter_args(%scan3A_567 = %scan3A) -> (i32)  : i32 {
      %broadcast_in_dim3A_568 = arith.constant 0.000000e+00 : f32
      %broadcast_in_dim3A_569 = vector.broadcast %broadcast_in_dim3A_568 : f32 to vector<16xf32>
      %swap3A_570 = arith.index_cast %scan3A_566 : i32 to index
      %swap3A_571 = arith.constant 0 : index
      %swap3A_572 = tpu.vector_load %arg11[%swap3A_570, %swap3A_571] {strides = array<i32>} : memref<128x128xf32, #tpu.memory_space<vmem>>, vector<1x16xf32>,
      %swap3A_573 = vector.shape_cast %swap3A_572 : vector<1x16xf32> to vector<16xf32>
      %swap3A_574 = vector.shape_cast %broadcast_in_dim3A_569 : vector<16xf32> to vector<1x16xf32>
      tpu.vector_store %arg11[%swap3A_570, %swap3A_571], %swap3A_574 {strides = array<i32>} : memref<128x128xf32, #tpu.memory_space<vmem>>, vector<1x16xf32>,
      %broadcast_in_dim3A_575 = arith.constant 0.000000e+00 : f32
      %broadcast_in_dim3A_576 = vector.broadcast %broadcast_in_dim3A_575 : f32 to vector<16xf32>
      %swap3A_577 = arith.index_cast %scan3A_566 : i32 to index
      %swap3A_578 = arith.constant 16 : index
      %swap3A_579 = tpu.vector_load %arg11[%swap3A_577, %swap3A_578] {strides = array<i32>} : memref<128x128xf32, #tpu.memory_space<vmem>>, vector<1x16xf32>,
      %swap3A_580 = vector.shape_cast %swap3A_579 : vector<1x16xf32> to vector<16xf32>
      %swap3A_581 = vector.shape_cast %broadcast_in_dim3A_576 : vector<16xf32> to vector<1x16xf32>
      tpu.vector_store %arg11[%swap3A_577, %swap3A_578], %swap3A_581 {strides = array<i32>} : memref<128x128xf32, #tpu.memory_space<vmem>>, vector<1x16xf32>,
      %broadcast_in_dim3A_582 = arith.constant 0.000000e+00 : f32
      %broadcast_in_dim3A_583 = vector.broadcast %broadcast_in_dim3A_582 : f32 to vector<16xf32>
      %swap3A_584 = arith.index_cast %scan3A_566 : i32 to index
      %swap3A_585 = arith.constant 32 : index
      %swap3A_586 = tpu.vector_load %arg11[%swap3A_584, %swap3A_585] {strides = array<i32>} : memref<128x128xf32, #tpu.memory_space<vmem>>, vector<1x16xf32>,
      %swap3A_587 = vector.shape_cast %swap3A_586 : vector<1x16xf32> to vector<16xf32>
      %swap3A_588 = vector.shape_cast %broadcast_in_dim3A_583 : vector<16xf32> to vector<1x16xf32>
      tpu.vector_store %arg11[%swap3A_584, %swap3A_585], %swap3A_588 {strides = array<i32>} : memref<128x128xf32, #tpu.memory_space<vmem>>, vector<1x16xf32>,
      %broadcast_in_dim3A_589 = arith.constant 0.000000e+00 : f32
      %broadcast_in_dim3A_590 = vector.broadcast %broadcast_in_dim3A_589 : f32 to vector<16xf32>
      %swap3A_591 = arith.index_cast %scan3A_566 : i32 to index
      %swap3A_592 = arith.constant 48 : index
      %swap3A_593 = tpu.vector_load %arg11[%swap3A_591, %swap3A_592] {strides = array<i32>} : memref<128x128xf32, #tpu.memory_space<vmem>>, vector<1x16xf32>,
      %swap3A_594 = vector.shape_cast %swap3A_593 : vector<1x16xf32> to vector<16xf32>
      %swap3A_595 = vector.shape_cast %broadcast_in_dim3A_590 : vector<16xf32> to vector<1x16xf32>
      tpu.vector_store %arg11[%swap3A_591, %swap3A_592], %swap3A_595 {strides = array<i32>} : memref<128x128xf32, #tpu.memory_space<vmem>>, vector<1x16xf32>,
      %broadcast_in_dim3A_596 = arith.constant 0.000000e+00 : f32
      %broadcast_in_dim3A_597 = vector.broadcast %broadcast_in_dim3A_596 : f32 to vector<16xf32>
      %swap3A_598 = arith.index_cast %scan3A_566 : i32 to index
      %swap3A_599 = arith.constant 64 : index
      %swap3A_600 = tpu.vector_load %arg11[%swap3A_598, %swap3A_599] {strides = array<i32>} : memref<128x128xf32, #tpu.memory_space<vmem>>, vector<1x16xf32>,
      %swap3A_601 = vector.shape_cast %swap3A_600 : vector<1x16xf32> to vector<16xf32>
      %swap3A_602 = vector.shape_cast %broadcast_in_dim3A_597 : vector<16xf32> to vector<1x16xf32>
      tpu.vector_store %arg11[%swap3A_598, %swap3A_599], %swap3A_602 {strides = array<i32>} : memref<128x128xf32, #tpu.memory_space<vmem>>, vector<1x16xf32>,
      %broadcast_in_dim3A_603 = arith.constant 0.000000e+00 : f32
      %broadcast_in_dim3A_604 = vector.broadcast %broadcast_in_dim3A_603 : f32 to vector<16xf32>
      %swap3A_605 = arith.index_cast %scan3A_566 : i32 to index
      %swap3A_606 = arith.constant 80 : index
      %swap3A_607 = tpu.vector_load %arg11[%swap3A_605, %swap3A_606] {strides = array<i32>} : memref<128x128xf32, #tpu.memory_space<vmem>>, vector<1x16xf32>,
      %swap3A_608 = vector.shape_cast %swap3A_607 : vector<1x16xf32> to vector<16xf32>
      %swap3A_609 = vector.shape_cast %broadcast_in_dim3A_604 : vector<16xf32> to vector<1x16xf32>
      tpu.vector_store %arg11[%swap3A_605, %swap3A_606], %swap3A_609 {strides = array<i32>} : memref<128x128xf32, #tpu.memory_space<vmem>>, vector<1x16xf32>,
      %broadcast_in_dim3A_610 = arith.constant 0.000000e+00 : f32
      %broadcast_in_dim3A_611 = vector.broadcast %broadcast_in_dim3A_610 : f32 to vector<16xf32>
      %swap3A_612 = arith.index_cast %scan3A_566 : i32 to index
      %swap3A_613 = arith.constant 96 : index
      %swap3A_614 = tpu.vector_load %arg11[%swap3A_612, %swap3A_613] {strides = array<i32>} : memref<128x128xf32, #tpu.memory_space<vmem>>, vector<1x16xf32>,
      %swap3A_615 = vector.shape_cast %swap3A_614 : vector<1x16xf32> to vector<16xf32>
      %swap3A_616 = vector.shape_cast %broadcast_in_dim3A_611 : vector<16xf32> to vector<1x16xf32>
      tpu.vector_store %arg11[%swap3A_612, %swap3A_613], %swap3A_616 {strides = array<i32>} : memref<128x128xf32, #tpu.memory_space<vmem>>, vector<1x16xf32>,
      %broadcast_in_dim3A_617 = arith.constant 0.000000e+00 : f32
      %broadcast_in_dim3A_618 = vector.broadcast %broadcast_in_dim3A_617 : f32 to vector<16xf32>
      %swap3A_619 = arith.index_cast %scan3A_566 : i32 to index
      %swap3A_620 = arith.constant 112 : index
      %swap3A_621 = tpu.vector_load %arg11[%swap3A_619, %swap3A_620] {strides = array<i32>} : memref<128x128xf32, #tpu.memory_space<vmem>>, vector<1x16xf32>,
      %swap3A_622 = vector.shape_cast %swap3A_621 : vector<1x16xf32> to vector<16xf32>
      %swap3A_623 = vector.shape_cast %broadcast_in_dim3A_618 : vector<16xf32> to vector<1x16xf32>
      tpu.vector_store %arg11[%swap3A_619, %swap3A_620], %swap3A_623 {strides = array<i32>} : memref<128x128xf32, #tpu.memory_space<vmem>>, vector<1x16xf32>,
      %scan3A_624 = arith.constant 0 : i32
      scf.yield %scan3A_624 : i32
    }
    %scan3A_8 = arith.constant 128 : i32
    %broadcast_in_dim3A = arith.constant 0.000000e+00 : f32
    %broadcast_in_dim3A_9 = vector.broadcast %broadcast_in_dim3A : f32 to vector<16xf32>
    %swap3A = arith.constant 0 : index
    %swap3A_10 = tpu.vector_load %arg13[%swap3A] {strides = array<i32>} : memref<640xf32, #tpu.memory_space<vmem>>, vector<16xf32>,
    %swap3A_11 = vector.shape_cast %swap3A_10 : vector<16xf32> to vector<16xf32>
    %swap3A_12 = vector.shape_cast %broadcast_in_dim3A_9 : vector<16xf32> to vector<16xf32>
    tpu.vector_store %arg13[%swap3A], %swap3A_12 {strides = array<i32>} : memref<640xf32, #tpu.memory_space<vmem>>, vector<16xf32>,
    %broadcast_in_dim3A_13 = arith.constant 0.000000e+00 : f32
    %broadcast_in_dim3A_14 = vector.broadcast %broadcast_in_dim3A_13 : f32 to vector<16xf32>
    %swap3A_15 = arith.constant 16 : index
    %swap3A_16 = tpu.vector_load %arg13[%swap3A_15] {strides = array<i32>} : memref<640xf32, #tpu.memory_space<vmem>>, vector<16xf32>,
    %swap3A_17 = vector.shape_cast %swap3A_16 : vector<16xf32> to vector<16xf32>
    %swap3A_18 = vector.shape_cast %broadcast_in_dim3A_14 : vector<16xf32> to vector<16xf32>
    tpu.vector_store %arg13[%swap3A_15], %swap3A_18 {strides = array<i32>} : memref<640xf32, #tpu.memory_space<vmem>>, vector<16xf32>,
    %broadcast_in_dim3A_19 = arith.constant 0.000000e+00 : f32
    %broadcast_in_dim3A_20 = vector.broadcast %broadcast_in_dim3A_19 : f32 to vector<16xf32>
    %swap3A_21 = arith.constant 32 : index
    %swap3A_22 = tpu.vector_load %arg13[%swap3A_21] {strides = array<i32>} : memref<640xf32, #tpu.memory_space<vmem>>, vector<16xf32>,
    %swap3A_23 = vector.shape_cast %swap3A_22 : vector<16xf32> to vector<16xf32>
    %swap3A_24 = vector.shape_cast %broadcast_in_dim3A_20 : vector<16xf32> to vector<16xf32>
    tpu.vector_store %arg13[%swap3A_21], %swap3A_24 {strides = array<i32>} : memref<640xf32, #tpu.memory_space<vmem>>, vector<16xf32>,
    %broadcast_in_dim3A_25 = arith.constant 0.000000e+00 : f32
    %broadcast_in_dim3A_26 = vector.broadcast %broadcast_in_dim3A_25 : f32 to vector<16xf32>
    %swap3A_27 = arith.constant 48 : index
    %swap3A_28 = tpu.vector_load %arg13[%swap3A_27] {strides = array<i32>} : memref<640xf32, #tpu.memory_space<vmem>>, vector<16xf32>,
    %swap3A_29 = vector.shape_cast %swap3A_28 : vector<16xf32> to vector<16xf32>
    %swap3A_30 = vector.shape_cast %broadcast_in_dim3A_26 : vector<16xf32> to vector<16xf32>
    tpu.vector_store %arg13[%swap3A_27], %swap3A_30 {strides = array<i32>} : memref<640xf32, #tpu.memory_space<vmem>>, vector<16xf32>,
    %broadcast_in_dim3A_31 = arith.constant 0.000000e+00 : f32
    %broadcast_in_dim3A_32 = vector.broadcast %broadcast_in_dim3A_31 : f32 to vector<16xf32>
    %swap3A_33 = arith.constant 64 : index
    %swap3A_34 = tpu.vector_load %arg13[%swap3A_33] {strides = array<i32>} : memref<640xf32, #tpu.memory_space<vmem>>, vector<16xf32>,
    %swap3A_35 = vector.shape_cast %swap3A_34 : vector<16xf32> to vector<16xf32>
    %swap3A_36 = vector.shape_cast %broadcast_in_dim3A_32 : vector<16xf32> to vector<16xf32>
    tpu.vector_store %arg13[%swap3A_33], %swap3A_36 {strides = array<i32>} : memref<640xf32, #tpu.memory_space<vmem>>, vector<16xf32>,
    %broadcast_in_dim3A_37 = arith.constant 0.000000e+00 : f32
    %broadcast_in_dim3A_38 = vector.broadcast %broadcast_in_dim3A_37 : f32 to vector<16xf32>
    %swap3A_39 = arith.constant 80 : index
    %swap3A_40 = tpu.vector_load %arg13[%swap3A_39] {strides = array<i32>} : memref<640xf32, #tpu.memory_space<vmem>>, vector<16xf32>,
    %swap3A_41 = vector.shape_cast %swap3A_40 : vector<16xf32> to vector<16xf32>
    %swap3A_42 = vector.shape_cast %broadcast_in_dim3A_38 : vector<16xf32> to vector<16xf32>
    tpu.vector_store %arg13[%swap3A_39], %swap3A_42 {strides = array<i32>} : memref<640xf32, #tpu.memory_space<vmem>>, vector<16xf32>,
    %broadcast_in_dim3A_43 = arith.constant 0.000000e+00 : f32
    %broadcast_in_dim3A_44 = vector.broadcast %broadcast_in_dim3A_43 : f32 to vector<16xf32>
    %swap3A_45 = arith.constant 96 : index
    %swap3A_46 = tpu.vector_load %arg13[%swap3A_45] {strides = array<i32>} : memref<640xf32, #tpu.memory_space<vmem>>, vector<16xf32>,
    %swap3A_47 = vector.shape_cast %swap3A_46 : vector<16xf32> to vector<16xf32>
    %swap3A_48 = vector.shape_cast %broadcast_in_dim3A_44 : vector<16xf32> to vector<16xf32>
    tpu.vector_store %arg13[%swap3A_45], %swap3A_48 {strides = array<i32>} : memref<640xf32, #tpu.memory_space<vmem>>, vector<16xf32>,
    %broadcast_in_dim3A_49 = arith.constant 0.000000e+00 : f32
    %broadcast_in_dim3A_50 = vector.broadcast %broadcast_in_dim3A_49 : f32 to vector<16xf32>
    %swap3A_51 = arith.constant 112 : index
    %swap3A_52 = tpu.vector_load %arg13[%swap3A_51] {strides = array<i32>} : memref<640xf32, #tpu.memory_space<vmem>>, vector<16xf32>,
    %swap3A_53 = vector.shape_cast %swap3A_52 : vector<16xf32> to vector<16xf32>
    %swap3A_54 = vector.shape_cast %broadcast_in_dim3A_50 : vector<16xf32> to vector<16xf32>
    tpu.vector_store %arg13[%swap3A_51], %swap3A_54 {strides = array<i32>} : memref<640xf32, #tpu.memory_space<vmem>>, vector<16xf32>,
    %broadcast_in_dim3A_55 = arith.constant 0.000000e+00 : f32
    %broadcast_in_dim3A_56 = vector.broadcast %broadcast_in_dim3A_55 : f32 to vector<16xf32>
    %swap3A_57 = arith.constant 128 : index
    %swap3A_58 = tpu.vector_load %arg13[%swap3A_57] {strides = array<i32>} : memref<640xf32, #tpu.memory_space<vmem>>, vector<16xf32>,
    %swap3A_59 = vector.shape_cast %swap3A_58 : vector<16xf32> to vector<16xf32>
    %swap3A_60 = vector.shape_cast %broadcast_in_dim3A_56 : vector<16xf32> to vector<16xf32>
    tpu.vector_store %arg13[%swap3A_57], %swap3A_60 {strides = array<i32>} : memref<640xf32, #tpu.memory_space<vmem>>, vector<16xf32>,
    %broadcast_in_dim3A_61 = arith.constant 0.000000e+00 : f32
    %broadcast_in_dim3A_62 = vector.broadcast %broadcast_in_dim3A_61 : f32 to vector<16xf32>
    %swap3A_63 = arith.constant 144 : index
    %swap3A_64 = tpu.vector_load %arg13[%swap3A_63] {strides = array<i32>} : memref<640xf32, #tpu.memory_space<vmem>>, vector<16xf32>,
    %swap3A_65 = vector.shape_cast %swap3A_64 : vector<16xf32> to vector<16xf32>
    %swap3A_66 = vector.shape_cast %broadcast_in_dim3A_62 : vector<16xf32> to vector<16xf32>
    tpu.vector_store %arg13[%swap3A_63], %swap3A_66 {strides = array<i32>} : memref<640xf32, #tpu.memory_space<vmem>>, vector<16xf32>,
    %broadcast_in_dim3A_67 = arith.constant 0.000000e+00 : f32
    %broadcast_in_dim3A_68 = vector.broadcast %broadcast_in_dim3A_67 : f32 to vector<16xf32>
    %swap3A_69 = arith.constant 160 : index
    %swap3A_70 = tpu.vector_load %arg13[%swap3A_69] {strides = array<i32>} : memref<640xf32, #tpu.memory_space<vmem>>, vector<16xf32>,
    %swap3A_71 = vector.shape_cast %swap3A_70 : vector<16xf32> to vector<16xf32>
    %swap3A_72 = vector.shape_cast %broadcast_in_dim3A_68 : vector<16xf32> to vector<16xf32>
    tpu.vector_store %arg13[%swap3A_69], %swap3A_72 {strides = array<i32>} : memref<640xf32, #tpu.memory_space<vmem>>, vector<16xf32>,
    %broadcast_in_dim3A_73 = arith.constant 0.000000e+00 : f32
    %broadcast_in_dim3A_74 = vector.broadcast %broadcast_in_dim3A_73 : f32 to vector<16xf32>
    %swap3A_75 = arith.constant 176 : index
    %swap3A_76 = tpu.vector_load %arg13[%swap3A_75] {strides = array<i32>} : memref<640xf32, #tpu.memory_space<vmem>>, vector<16xf32>,
    %swap3A_77 = vector.shape_cast %swap3A_76 : vector<16xf32> to vector<16xf32>
    %swap3A_78 = vector.shape_cast %broadcast_in_dim3A_74 : vector<16xf32> to vector<16xf32>
    tpu.vector_store %arg13[%swap3A_75], %swap3A_78 {strides = array<i32>} : memref<640xf32, #tpu.memory_space<vmem>>, vector<16xf32>,
    %broadcast_in_dim3A_79 = arith.constant 0.000000e+00 : f32
    %broadcast_in_dim3A_80 = vector.broadcast %broadcast_in_dim3A_79 : f32 to vector<16xf32>
    %swap3A_81 = arith.constant 192 : index
    %swap3A_82 = tpu.vector_load %arg13[%swap3A_81] {strides = array<i32>} : memref<640xf32, #tpu.memory_space<vmem>>, vector<16xf32>,
    %swap3A_83 = vector.shape_cast %swap3A_82 : vector<16xf32> to vector<16xf32>
    %swap3A_84 = vector.shape_cast %broadcast_in_dim3A_80 : vector<16xf32> to vector<16xf32>
    tpu.vector_store %arg13[%swap3A_81], %swap3A_84 {strides = array<i32>} : memref<640xf32, #tpu.memory_space<vmem>>, vector<16xf32>,
    %broadcast_in_dim3A_85 = arith.constant 0.000000e+00 : f32
    %broadcast_in_dim3A_86 = vector.broadcast %broadcast_in_dim3A_85 : f32 to vector<16xf32>
    %swap3A_87 = arith.constant 208 : index
    %swap3A_88 = tpu.vector_load %arg13[%swap3A_87] {strides = array<i32>} : memref<640xf32, #tpu.memory_space<vmem>>, vector<16xf32>,
    %swap3A_89 = vector.shape_cast %swap3A_88 : vector<16xf32> to vector<16xf32>
    %swap3A_90 = vector.shape_cast %broadcast_in_dim3A_86 : vector<16xf32> to vector<16xf32>
    tpu.vector_store %arg13[%swap3A_87], %swap3A_90 {strides = array<i32>} : memref<640xf32, #tpu.memory_space<vmem>>, vector<16xf32>,
    %broadcast_in_dim3A_91 = arith.constant 0.000000e+00 : f32
    %broadcast_in_dim3A_92 = vector.broadcast %broadcast_in_dim3A_91 : f32 to vector<16xf32>
    %swap3A_93 = arith.constant 224 : index
    %swap3A_94 = tpu.vector_load %arg13[%swap3A_93] {strides = array<i32>} : memref<640xf32, #tpu.memory_space<vmem>>, vector<16xf32>,
    %swap3A_95 = vector.shape_cast %swap3A_94 : vector<16xf32> to vector<16xf32>
    %swap3A_96 = vector.shape_cast %broadcast_in_dim3A_92 : vector<16xf32> to vector<16xf32>
    tpu.vector_store %arg13[%swap3A_93], %swap3A_96 {strides = array<i32>} : memref<640xf32, #tpu.memory_space<vmem>>, vector<16xf32>,
    %broadcast_in_dim3A_97 = arith.constant 0.000000e+00 : f32
    %broadcast_in_dim3A_98 = vector.broadcast %broadcast_in_dim3A_97 : f32 to vector<16xf32>
    %swap3A_99 = arith.constant 240 : index
    %swap3A_100 = tpu.vector_load %arg13[%swap3A_99] {strides = array<i32>} : memref<640xf32, #tpu.memory_space<vmem>>, vector<16xf32>,
    %swap3A_101 = vector.shape_cast %swap3A_100 : vector<16xf32> to vector<16xf32>
    %swap3A_102 = vector.shape_cast %broadcast_in_dim3A_98 : vector<16xf32> to vector<16xf32>
    tpu.vector_store %arg13[%swap3A_99], %swap3A_102 {strides = array<i32>} : memref<640xf32, #tpu.memory_space<vmem>>, vector<16xf32>,
    %broadcast_in_dim3A_103 = arith.constant 0.000000e+00 : f32
    %broadcast_in_dim3A_104 = vector.broadcast %broadcast_in_dim3A_103 : f32 to vector<16xf32>
    %swap3A_105 = arith.constant 256 : index
    %swap3A_106 = tpu.vector_load %arg13[%swap3A_105] {strides = array<i32>} : memref<640xf32, #tpu.memory_space<vmem>>, vector<16xf32>,
    %swap3A_107 = vector.shape_cast %swap3A_106 : vector<16xf32> to vector<16xf32>
    %swap3A_108 = vector.shape_cast %broadcast_in_dim3A_104 : vector<16xf32> to vector<16xf32>
    tpu.vector_store %arg13[%swap3A_105], %swap3A_108 {strides = array<i32>} : memref<640xf32, #tpu.memory_space<vmem>>, vector<16xf32>,
    %broadcast_in_dim3A_109 = arith.constant 0.000000e+00 : f32
    %broadcast_in_dim3A_110 = vector.broadcast %broadcast_in_dim3A_109 : f32 to vector<16xf32>
    %swap3A_111 = arith.constant 272 : index
    %swap3A_112 = tpu.vector_load %arg13[%swap3A_111] {strides = array<i32>} : memref<640xf32, #tpu.memory_space<vmem>>, vector<16xf32>,
    %swap3A_113 = vector.shape_cast %swap3A_112 : vector<16xf32> to vector<16xf32>
    %swap3A_114 = vector.shape_cast %broadcast_in_dim3A_110 : vector<16xf32> to vector<16xf32>
    tpu.vector_store %arg13[%swap3A_111], %swap3A_114 {strides = array<i32>} : memref<640xf32, #tpu.memory_space<vmem>>, vector<16xf32>,
    %broadcast_in_dim3A_115 = arith.constant 0.000000e+00 : f32
    %broadcast_in_dim3A_116 = vector.broadcast %broadcast_in_dim3A_115 : f32 to vector<16xf32>
    %swap3A_117 = arith.constant 288 : index
    %swap3A_118 = tpu.vector_load %arg13[%swap3A_117] {strides = array<i32>} : memref<640xf32, #tpu.memory_space<vmem>>, vector<16xf32>,
    %swap3A_119 = vector.shape_cast %swap3A_118 : vector<16xf32> to vector<16xf32>
    %swap3A_120 = vector.shape_cast %broadcast_in_dim3A_116 : vector<16xf32> to vector<16xf32>
    tpu.vector_store %arg13[%swap3A_117], %swap3A_120 {strides = array<i32>} : memref<640xf32, #tpu.memory_space<vmem>>, vector<16xf32>,
    %broadcast_in_dim3A_121 = arith.constant 0.000000e+00 : f32
    %broadcast_in_dim3A_122 = vector.broadcast %broadcast_in_dim3A_121 : f32 to vector<16xf32>
    %swap3A_123 = arith.constant 304 : index
    %swap3A_124 = tpu.vector_load %arg13[%swap3A_123] {strides = array<i32>} : memref<640xf32, #tpu.memory_space<vmem>>, vector<16xf32>,
    %swap3A_125 = vector.shape_cast %swap3A_124 : vector<16xf32> to vector<16xf32>
    %swap3A_126 = vector.shape_cast %broadcast_in_dim3A_122 : vector<16xf32> to vector<16xf32>
    tpu.vector_store %arg13[%swap3A_123], %swap3A_126 {strides = array<i32>} : memref<640xf32, #tpu.memory_space<vmem>>, vector<16xf32>,
    %broadcast_in_dim3A_127 = arith.constant 0.000000e+00 : f32
    %broadcast_in_dim3A_128 = vector.broadcast %broadcast_in_dim3A_127 : f32 to vector<16xf32>
    %swap3A_129 = arith.constant 320 : index
    %swap3A_130 = tpu.vector_load %arg13[%swap3A_129] {strides = array<i32>} : memref<640xf32, #tpu.memory_space<vmem>>, vector<16xf32>,
    %swap3A_131 = vector.shape_cast %swap3A_130 : vector<16xf32> to vector<16xf32>
    %swap3A_132 = vector.shape_cast %broadcast_in_dim3A_128 : vector<16xf32> to vector<16xf32>
    tpu.vector_store %arg13[%swap3A_129], %swap3A_132 {strides = array<i32>} : memref<640xf32, #tpu.memory_space<vmem>>, vector<16xf32>,
    %broadcast_in_dim3A_133 = arith.constant 0.000000e+00 : f32
    %broadcast_in_dim3A_134 = vector.broadcast %broadcast_in_dim3A_133 : f32 to vector<16xf32>
    %swap3A_135 = arith.constant 336 : index
    %swap3A_136 = tpu.vector_load %arg13[%swap3A_135] {strides = array<i32>} : memref<640xf32, #tpu.memory_space<vmem>>, vector<16xf32>,
    %swap3A_137 = vector.shape_cast %swap3A_136 : vector<16xf32> to vector<16xf32>
    %swap3A_138 = vector.shape_cast %broadcast_in_dim3A_134 : vector<16xf32> to vector<16xf32>
    tpu.vector_store %arg13[%swap3A_135], %swap3A_138 {strides = array<i32>} : memref<640xf32, #tpu.memory_space<vmem>>, vector<16xf32>,
    %broadcast_in_dim3A_139 = arith.constant 0.000000e+00 : f32
    %broadcast_in_dim3A_140 = vector.broadcast %broadcast_in_dim3A_139 : f32 to vector<16xf32>
    %swap3A_141 = arith.constant 352 : index
    %swap3A_142 = tpu.vector_load %arg13[%swap3A_141] {strides = array<i32>} : memref<640xf32, #tpu.memory_space<vmem>>, vector<16xf32>,
    %swap3A_143 = vector.shape_cast %swap3A_142 : vector<16xf32> to vector<16xf32>
    %swap3A_144 = vector.shape_cast %broadcast_in_dim3A_140 : vector<16xf32> to vector<16xf32>
    tpu.vector_store %arg13[%swap3A_141], %swap3A_144 {strides = array<i32>} : memref<640xf32, #tpu.memory_space<vmem>>, vector<16xf32>,
    %broadcast_in_dim3A_145 = arith.constant 0.000000e+00 : f32
    %broadcast_in_dim3A_146 = vector.broadcast %broadcast_in_dim3A_145 : f32 to vector<16xf32>
    %swap3A_147 = arith.constant 368 : index
    %swap3A_148 = tpu.vector_load %arg13[%swap3A_147] {strides = array<i32>} : memref<640xf32, #tpu.memory_space<vmem>>, vector<16xf32>,
    %swap3A_149 = vector.shape_cast %swap3A_148 : vector<16xf32> to vector<16xf32>
    %swap3A_150 = vector.shape_cast %broadcast_in_dim3A_146 : vector<16xf32> to vector<16xf32>
    tpu.vector_store %arg13[%swap3A_147], %swap3A_150 {strides = array<i32>} : memref<640xf32, #tpu.memory_space<vmem>>, vector<16xf32>,
    %broadcast_in_dim3A_151 = arith.constant 0.000000e+00 : f32
    %broadcast_in_dim3A_152 = vector.broadcast %broadcast_in_dim3A_151 : f32 to vector<16xf32>
    %swap3A_153 = arith.constant 384 : index
    %swap3A_154 = tpu.vector_load %arg13[%swap3A_153] {strides = array<i32>} : memref<640xf32, #tpu.memory_space<vmem>>, vector<16xf32>,
    %swap3A_155 = vector.shape_cast %swap3A_154 : vector<16xf32> to vector<16xf32>
    %swap3A_156 = vector.shape_cast %broadcast_in_dim3A_152 : vector<16xf32> to vector<16xf32>
    tpu.vector_store %arg13[%swap3A_153], %swap3A_156 {strides = array<i32>} : memref<640xf32, #tpu.memory_space<vmem>>, vector<16xf32>,
    %broadcast_in_dim3A_157 = arith.constant 0.000000e+00 : f32
    %broadcast_in_dim3A_158 = vector.broadcast %broadcast_in_dim3A_157 : f32 to vector<16xf32>
    %swap3A_159 = arith.constant 400 : index
    %swap3A_160 = tpu.vector_load %arg13[%swap3A_159] {strides = array<i32>} : memref<640xf32, #tpu.memory_space<vmem>>, vector<16xf32>,
    %swap3A_161 = vector.shape_cast %swap3A_160 : vector<16xf32> to vector<16xf32>
    %swap3A_162 = vector.shape_cast %broadcast_in_dim3A_158 : vector<16xf32> to vector<16xf32>
    tpu.vector_store %arg13[%swap3A_159], %swap3A_162 {strides = array<i32>} : memref<640xf32, #tpu.memory_space<vmem>>, vector<16xf32>,
    %broadcast_in_dim3A_163 = arith.constant 0.000000e+00 : f32
    %broadcast_in_dim3A_164 = vector.broadcast %broadcast_in_dim3A_163 : f32 to vector<16xf32>
    %swap3A_165 = arith.constant 416 : index
    %swap3A_166 = tpu.vector_load %arg13[%swap3A_165] {strides = array<i32>} : memref<640xf32, #tpu.memory_space<vmem>>, vector<16xf32>,
    %swap3A_167 = vector.shape_cast %swap3A_166 : vector<16xf32> to vector<16xf32>
    %swap3A_168 = vector.shape_cast %broadcast_in_dim3A_164 : vector<16xf32> to vector<16xf32>
    tpu.vector_store %arg13[%swap3A_165], %swap3A_168 {strides = array<i32>} : memref<640xf32, #tpu.memory_space<vmem>>, vector<16xf32>,
    %broadcast_in_dim3A_169 = arith.constant 0.000000e+00 : f32
    %broadcast_in_dim3A_170 = vector.broadcast %broadcast_in_dim3A_169 : f32 to vector<16xf32>
    %swap3A_171 = arith.constant 432 : index
    %swap3A_172 = tpu.vector_load %arg13[%swap3A_171] {strides = array<i32>} : memref<640xf32, #tpu.memory_space<vmem>>, vector<16xf32>,
    %swap3A_173 = vector.shape_cast %swap3A_172 : vector<16xf32> to vector<16xf32>
    %swap3A_174 = vector.shape_cast %broadcast_in_dim3A_170 : vector<16xf32> to vector<16xf32>
    tpu.vector_store %arg13[%swap3A_171], %swap3A_174 {strides = array<i32>} : memref<640xf32, #tpu.memory_space<vmem>>, vector<16xf32>,
    %broadcast_in_dim3A_175 = arith.constant 0.000000e+00 : f32
    %broadcast_in_dim3A_176 = vector.broadcast %broadcast_in_dim3A_175 : f32 to vector<16xf32>
    %swap3A_177 = arith.constant 448 : index
    %swap3A_178 = tpu.vector_load %arg13[%swap3A_177] {strides = array<i32>} : memref<640xf32, #tpu.memory_space<vmem>>, vector<16xf32>,
    %swap3A_179 = vector.shape_cast %swap3A_178 : vector<16xf32> to vector<16xf32>
    %swap3A_180 = vector.shape_cast %broadcast_in_dim3A_176 : vector<16xf32> to vector<16xf32>
    tpu.vector_store %arg13[%swap3A_177], %swap3A_180 {strides = array<i32>} : memref<640xf32, #tpu.memory_space<vmem>>, vector<16xf32>,
    %broadcast_in_dim3A_181 = arith.constant 0.000000e+00 : f32
    %broadcast_in_dim3A_182 = vector.broadcast %broadcast_in_dim3A_181 : f32 to vector<16xf32>
    %swap3A_183 = arith.constant 464 : index
    %swap3A_184 = tpu.vector_load %arg13[%swap3A_183] {strides = array<i32>} : memref<640xf32, #tpu.memory_space<vmem>>, vector<16xf32>,
    %swap3A_185 = vector.shape_cast %swap3A_184 : vector<16xf32> to vector<16xf32>
    %swap3A_186 = vector.shape_cast %broadcast_in_dim3A_182 : vector<16xf32> to vector<16xf32>
    tpu.vector_store %arg13[%swap3A_183], %swap3A_186 {strides = array<i32>} : memref<640xf32, #tpu.memory_space<vmem>>, vector<16xf32>,
    %broadcast_in_dim3A_187 = arith.constant 0.000000e+00 : f32
    %broadcast_in_dim3A_188 = vector.broadcast %broadcast_in_dim3A_187 : f32 to vector<16xf32>
    %swap3A_189 = arith.constant 480 : index
    %swap3A_190 = tpu.vector_load %arg13[%swap3A_189] {strides = array<i32>} : memref<640xf32, #tpu.memory_space<vmem>>, vector<16xf32>,
    %swap3A_191 = vector.shape_cast %swap3A_190 : vector<16xf32> to vector<16xf32>
    %swap3A_192 = vector.shape_cast %broadcast_in_dim3A_188 : vector<16xf32> to vector<16xf32>
    tpu.vector_store %arg13[%swap3A_189], %swap3A_192 {strides = array<i32>} : memref<640xf32, #tpu.memory_space<vmem>>, vector<16xf32>,
    %broadcast_in_dim3A_193 = arith.constant 0.000000e+00 : f32
    %broadcast_in_dim3A_194 = vector.broadcast %broadcast_in_dim3A_193 : f32 to vector<16xf32>
    %swap3A_195 = arith.constant 496 : index
    %swap3A_196 = tpu.vector_load %arg13[%swap3A_195] {strides = array<i32>} : memref<640xf32, #tpu.memory_space<vmem>>, vector<16xf32>,
    %swap3A_197 = vector.shape_cast %swap3A_196 : vector<16xf32> to vector<16xf32>
    %swap3A_198 = vector.shape_cast %broadcast_in_dim3A_194 : vector<16xf32> to vector<16xf32>
    tpu.vector_store %arg13[%swap3A_195], %swap3A_198 {strides = array<i32>} : memref<640xf32, #tpu.memory_space<vmem>>, vector<16xf32>,
    %broadcast_in_dim3A_199 = arith.constant 0.000000e+00 : f32
    %broadcast_in_dim3A_200 = vector.broadcast %broadcast_in_dim3A_199 : f32 to vector<16xf32>
    %swap3A_201 = arith.constant 512 : index
    %swap3A_202 = tpu.vector_load %arg13[%swap3A_201] {strides = array<i32>} : memref<640xf32, #tpu.memory_space<vmem>>, vector<16xf32>,
    %swap3A_203 = vector.shape_cast %swap3A_202 : vector<16xf32> to vector<16xf32>
    %swap3A_204 = vector.shape_cast %broadcast_in_dim3A_200 : vector<16xf32> to vector<16xf32>
    tpu.vector_store %arg13[%swap3A_201], %swap3A_204 {strides = array<i32>} : memref<640xf32, #tpu.memory_space<vmem>>, vector<16xf32>,
    %broadcast_in_dim3A_205 = arith.constant 0.000000e+00 : f32
    %broadcast_in_dim3A_206 = vector.broadcast %broadcast_in_dim3A_205 : f32 to vector<16xf32>
    %swap3A_207 = arith.constant 528 : index
    %swap3A_208 = tpu.vector_load %arg13[%swap3A_207] {strides = array<i32>} : memref<640xf32, #tpu.memory_space<vmem>>, vector<16xf32>,
    %swap3A_209 = vector.shape_cast %swap3A_208 : vector<16xf32> to vector<16xf32>
    %swap3A_210 = vector.shape_cast %broadcast_in_dim3A_206 : vector<16xf32> to vector<16xf32>
    tpu.vector_store %arg13[%swap3A_207], %swap3A_210 {strides = array<i32>} : memref<640xf32, #tpu.memory_space<vmem>>, vector<16xf32>,
    %broadcast_in_dim3A_211 = arith.constant 0.000000e+00 : f32
    %broadcast_in_dim3A_212 = vector.broadcast %broadcast_in_dim3A_211 : f32 to vector<16xf32>
    %swap3A_213 = arith.constant 544 : index
    %swap3A_214 = tpu.vector_load %arg13[%swap3A_213] {strides = array<i32>} : memref<640xf32, #tpu.memory_space<vmem>>, vector<16xf32>,
    %swap3A_215 = vector.shape_cast %swap3A_214 : vector<16xf32> to vector<16xf32>
    %swap3A_216 = vector.shape_cast %broadcast_in_dim3A_212 : vector<16xf32> to vector<16xf32>
    tpu.vector_store %arg13[%swap3A_213], %swap3A_216 {strides = array<i32>} : memref<640xf32, #tpu.memory_space<vmem>>, vector<16xf32>,
    %broadcast_in_dim3A_217 = arith.constant 0.000000e+00 : f32
    %broadcast_in_dim3A_218 = vector.broadcast %broadcast_in_dim3A_217 : f32 to vector<16xf32>
    %swap3A_219 = arith.constant 560 : index
    %swap3A_220 = tpu.vector_load %arg13[%swap3A_219] {strides = array<i32>} : memref<640xf32, #tpu.memory_space<vmem>>, vector<16xf32>,
    %swap3A_221 = vector.shape_cast %swap3A_220 : vector<16xf32> to vector<16xf32>
    %swap3A_222 = vector.shape_cast %broadcast_in_dim3A_218 : vector<16xf32> to vector<16xf32>
    tpu.vector_store %arg13[%swap3A_219], %swap3A_222 {strides = array<i32>} : memref<640xf32, #tpu.memory_space<vmem>>, vector<16xf32>,
    %broadcast_in_dim3A_223 = arith.constant 0.000000e+00 : f32
    %broadcast_in_dim3A_224 = vector.broadcast %broadcast_in_dim3A_223 : f32 to vector<16xf32>
    %swap3A_225 = arith.constant 576 : index
    %swap3A_226 = tpu.vector_load %arg13[%swap3A_225] {strides = array<i32>} : memref<640xf32, #tpu.memory_space<vmem>>, vector<16xf32>,
    %swap3A_227 = vector.shape_cast %swap3A_226 : vector<16xf32> to vector<16xf32>
    %swap3A_228 = vector.shape_cast %broadcast_in_dim3A_224 : vector<16xf32> to vector<16xf32>
    tpu.vector_store %arg13[%swap3A_225], %swap3A_228 {strides = array<i32>} : memref<640xf32, #tpu.memory_space<vmem>>, vector<16xf32>,
    %broadcast_in_dim3A_229 = arith.constant 0.000000e+00 : f32
    %broadcast_in_dim3A_230 = vector.broadcast %broadcast_in_dim3A_229 : f32 to vector<16xf32>
    %swap3A_231 = arith.constant 592 : index
    %swap3A_232 = tpu.vector_load %arg13[%swap3A_231] {strides = array<i32>} : memref<640xf32, #tpu.memory_space<vmem>>, vector<16xf32>,
    %swap3A_233 = vector.shape_cast %swap3A_232 : vector<16xf32> to vector<16xf32>
    %swap3A_234 = vector.shape_cast %broadcast_in_dim3A_230 : vector<16xf32> to vector<16xf32>
    tpu.vector_store %arg13[%swap3A_231], %swap3A_234 {strides = array<i32>} : memref<640xf32, #tpu.memory_space<vmem>>, vector<16xf32>,
    %broadcast_in_dim3A_235 = arith.constant 0.000000e+00 : f32
    %broadcast_in_dim3A_236 = vector.broadcast %broadcast_in_dim3A_235 : f32 to vector<16xf32>
    %swap3A_237 = arith.constant 608 : index
    %swap3A_238 = tpu.vector_load %arg13[%swap3A_237] {strides = array<i32>} : memref<640xf32, #tpu.memory_space<vmem>>, vector<16xf32>,
    %swap3A_239 = vector.shape_cast %swap3A_238 : vector<16xf32> to vector<16xf32>
    %swap3A_240 = vector.shape_cast %broadcast_in_dim3A_236 : vector<16xf32> to vector<16xf32>
    tpu.vector_store %arg13[%swap3A_237], %swap3A_240 {strides = array<i32>} : memref<640xf32, #tpu.memory_space<vmem>>, vector<16xf32>,
    %broadcast_in_dim3A_241 = arith.constant 0.000000e+00 : f32
    %broadcast_in_dim3A_242 = vector.broadcast %broadcast_in_dim3A_241 : f32 to vector<16xf32>
    %swap3A_243 = arith.constant 624 : index
    %swap3A_244 = tpu.vector_load %arg13[%swap3A_243] {strides = array<i32>} : memref<640xf32, #tpu.memory_space<vmem>>, vector<16xf32>,
    %swap3A_245 = vector.shape_cast %swap3A_244 : vector<16xf32> to vector<16xf32>
    %swap3A_246 = vector.shape_cast %broadcast_in_dim3A_242 : vector<16xf32> to vector<16xf32>
    tpu.vector_store %arg13[%swap3A_243], %swap3A_246 {strides = array<i32>} : memref<640xf32, #tpu.memory_space<vmem>>, vector<16xf32>,
    %mul3A_247 = arith.constant 640 : i32
    %mul3A_248 = arith.muli %arg1, %mul3A_247 : i32
    %add3A_249 = arith.constant 0 : i32
    %add3A_250 = arith.addi %mul3A_248, %add3A_249 : i32
    "tpu.region"() ({
      %run_scoped3A = tpu.sem_alloc : memref<!tpu.dma_semaphore, #tpu.memory_space<semaphore_mem>>
      %dma_start3A_566 = arith.constant 0 : i32
      %dma_start3A_567 = tpu.memref_slice %arg14[%add3A_250, %dma_start3A_566] : memref<10240x128xf32, #tpu.memory_space<vmem_shared>> -> memref<128x128xf32, #tpu.memory_space<vmem_shared>>
      %dma_start3A_568 = arith.constant 0 : i32
      %dma_start3A_569 = tpu.memref_slice %arg14[%add3A_250, %dma_start3A_568] : memref<10240x128xf32, #tpu.memory_space<vmem_shared>> -> memref<128x128xf32, #tpu.memory_space<vmem_shared>>
      tpu.enqueue_dma source(%arg11 : memref<128x128xf32, #tpu.memory_space<vmem>>) target(%dma_start3A_569 : memref<128x128xf32, #tpu.memory_space<vmem_shared>>) target_semaphore(%run_scoped3A : memref<!tpu.dma_semaphore, #tpu.memory_space<semaphore_mem>>)
      %dma_wait3A = arith.constant 0 : i32
      %dma_wait3A_570 = tpu.memref_slice %arg14[%add3A_250, %dma_wait3A] : memref<10240x128xf32, #tpu.memory_space<vmem_shared>> -> memref<128x128xf32, #tpu.memory_space<vmem_shared>>
      %dma_wait3A_571 = arith.constant 0 : i32
      %dma_wait3A_572 = tpu.memref_slice %arg14[%add3A_250, %dma_wait3A_571] : memref<10240x128xf32, #tpu.memory_space<vmem_shared>> -> memref<128x128xf32, #tpu.memory_space<vmem_shared>>
      tpu.wait_dma2 semaphore(%run_scoped3A : memref<!tpu.dma_semaphore, #tpu.memory_space<semaphore_mem>>) src(%arg11 : memref<128x128xf32, #tpu.memory_space<vmem>>) dst(%dma_wait3A_572 : memref<128x128xf32, #tpu.memory_space<vmem_shared>>)
      tpu.yield
    }) : () -> ()
    %mul3A_251 = arith.constant 640 : i32
    %mul3A_252 = arith.muli %arg1, %mul3A_251 : i32
    %add3A_253 = arith.constant 128 : i32
    %add3A_254 = arith.addi %mul3A_252, %add3A_253 : i32
    "tpu.region"() ({
      %run_scoped3A = tpu.sem_alloc : memref<!tpu.dma_semaphore, #tpu.memory_space<semaphore_mem>>
      %dma_start3A_566 = arith.constant 0 : i32
      %dma_start3A_567 = tpu.memref_slice %arg14[%add3A_254, %dma_start3A_566] : memref<10240x128xf32, #tpu.memory_space<vmem_shared>> -> memref<128x128xf32, #tpu.memory_space<vmem_shared>>
      %dma_start3A_568 = arith.constant 0 : i32
      %dma_start3A_569 = tpu.memref_slice %arg14[%add3A_254, %dma_start3A_568] : memref<10240x128xf32, #tpu.memory_space<vmem_shared>> -> memref<128x128xf32, #tpu.memory_space<vmem_shared>>
      tpu.enqueue_dma source(%arg11 : memref<128x128xf32, #tpu.memory_space<vmem>>) target(%dma_start3A_569 : memref<128x128xf32, #tpu.memory_space<vmem_shared>>) target_semaphore(%run_scoped3A : memref<!tpu.dma_semaphore, #tpu.memory_space<semaphore_mem>>)
      %dma_wait3A = arith.constant 0 : i32
      %dma_wait3A_570 = tpu.memref_slice %arg14[%add3A_254, %dma_wait3A] : memref<10240x128xf32, #tpu.memory_space<vmem_shared>> -> memref<128x128xf32, #tpu.memory_space<vmem_shared>>
      %dma_wait3A_571 = arith.constant 0 : i32
      %dma_wait3A_572 = tpu.memref_slice %arg14[%add3A_254, %dma_wait3A_571] : memref<10240x128xf32, #tpu.memory_space<vmem_shared>> -> memref<128x128xf32, #tpu.memory_space<vmem_shared>>
      tpu.wait_dma2 semaphore(%run_scoped3A : memref<!tpu.dma_semaphore, #tpu.memory_space<semaphore_mem>>) src(%arg11 : memref<128x128xf32, #tpu.memory_space<vmem>>) dst(%dma_wait3A_572 : memref<128x128xf32, #tpu.memory_space<vmem_shared>>)
      tpu.yield
    }) : () -> ()
    %mul3A_255 = arith.constant 640 : i32
    %mul3A_256 = arith.muli %arg1, %mul3A_255 : i32
    %add3A_257 = arith.constant 256 : i32
    %add3A_258 = arith.addi %mul3A_256, %add3A_257 : i32
    "tpu.region"() ({
      %run_scoped3A = tpu.sem_alloc : memref<!tpu.dma_semaphore, #tpu.memory_space<semaphore_mem>>
      %dma_start3A_566 = arith.constant 0 : i32
      %dma_start3A_567 = tpu.memref_slice %arg14[%add3A_258, %dma_start3A_566] : memref<10240x128xf32, #tpu.memory_space<vmem_shared>> -> memref<128x128xf32, #tpu.memory_space<vmem_shared>>
      %dma_start3A_568 = arith.constant 0 : i32
      %dma_start3A_569 = tpu.memref_slice %arg14[%add3A_258, %dma_start3A_568] : memref<10240x128xf32, #tpu.memory_space<vmem_shared>> -> memref<128x128xf32, #tpu.memory_space<vmem_shared>>
      tpu.enqueue_dma source(%arg11 : memref<128x128xf32, #tpu.memory_space<vmem>>) target(%dma_start3A_569 : memref<128x128xf32, #tpu.memory_space<vmem_shared>>) target_semaphore(%run_scoped3A : memref<!tpu.dma_semaphore, #tpu.memory_space<semaphore_mem>>)
      %dma_wait3A = arith.constant 0 : i32
      %dma_wait3A_570 = tpu.memref_slice %arg14[%add3A_258, %dma_wait3A] : memref<10240x128xf32, #tpu.memory_space<vmem_shared>> -> memref<128x128xf32, #tpu.memory_space<vmem_shared>>
      %dma_wait3A_571 = arith.constant 0 : i32
      %dma_wait3A_572 = tpu.memref_slice %arg14[%add3A_258, %dma_wait3A_571] : memref<10240x128xf32, #tpu.memory_space<vmem_shared>> -> memref<128x128xf32, #tpu.memory_space<vmem_shared>>
      tpu.wait_dma2 semaphore(%run_scoped3A : memref<!tpu.dma_semaphore, #tpu.memory_space<semaphore_mem>>) src(%arg11 : memref<128x128xf32, #tpu.memory_space<vmem>>) dst(%dma_wait3A_572 : memref<128x128xf32, #tpu.memory_space<vmem_shared>>)
      tpu.yield
    }) : () -> ()
    %mul3A_259 = arith.constant 640 : i32
    %mul3A_260 = arith.muli %arg1, %mul3A_259 : i32
    %add3A_261 = arith.constant 384 : i32
    %add3A_262 = arith.addi %mul3A_260, %add3A_261 : i32
    "tpu.region"() ({
      %run_scoped3A = tpu.sem_alloc : memref<!tpu.dma_semaphore, #tpu.memory_space<semaphore_mem>>
      %dma_start3A_566 = arith.constant 0 : i32
      %dma_start3A_567 = tpu.memref_slice %arg14[%add3A_262, %dma_start3A_566] : memref<10240x128xf32, #tpu.memory_space<vmem_shared>> -> memref<128x128xf32, #tpu.memory_space<vmem_shared>>
      %dma_start3A_568 = arith.constant 0 : i32
      %dma_start3A_569 = tpu.memref_slice %arg14[%add3A_262, %dma_start3A_568] : memref<10240x128xf32, #tpu.memory_space<vmem_shared>> -> memref<128x128xf32, #tpu.memory_space<vmem_shared>>
      tpu.enqueue_dma source(%arg11 : memref<128x128xf32, #tpu.memory_space<vmem>>) target(%dma_start3A_569 : memref<128x128xf32, #tpu.memory_space<vmem_shared>>) target_semaphore(%run_scoped3A : memref<!tpu.dma_semaphore, #tpu.memory_space<semaphore_mem>>)
      %dma_wait3A = arith.constant 0 : i32
      %dma_wait3A_570 = tpu.memref_slice %arg14[%add3A_262, %dma_wait3A] : memref<10240x128xf32, #tpu.memory_space<vmem_shared>> -> memref<128x128xf32, #tpu.memory_space<vmem_shared>>
      %dma_wait3A_571 = arith.constant 0 : i32
      %dma_wait3A_572 = tpu.memref_slice %arg14[%add3A_262, %dma_wait3A_571] : memref<10240x128xf32, #tpu.memory_space<vmem_shared>> -> memref<128x128xf32, #tpu.memory_space<vmem_shared>>
      tpu.wait_dma2 semaphore(%run_scoped3A : memref<!tpu.dma_semaphore, #tpu.memory_space<semaphore_mem>>) src(%arg11 : memref<128x128xf32, #tpu.memory_space<vmem>>) dst(%dma_wait3A_572 : memref<128x128xf32, #tpu.memory_space<vmem_shared>>)
      tpu.yield
    }) : () -> ()
    %mul3A_263 = arith.constant 640 : i32
    %mul3A_264 = arith.muli %arg1, %mul3A_263 : i32
    %add3A_265 = arith.constant 512 : i32
    %add3A_266 = arith.addi %mul3A_264, %add3A_265 : i32
    "tpu.region"() ({
      %run_scoped3A = tpu.sem_alloc : memref<!tpu.dma_semaphore, #tpu.memory_space<semaphore_mem>>
      %dma_start3A_566 = arith.constant 0 : i32
      %dma_start3A_567 = tpu.memref_slice %arg14[%add3A_266, %dma_start3A_566] : memref<10240x128xf32, #tpu.memory_space<vmem_shared>> -> memref<128x128xf32, #tpu.memory_space<vmem_shared>>
      %dma_start3A_568 = arith.constant 0 : i32
      %dma_start3A_569 = tpu.memref_slice %arg14[%add3A_266, %dma_start3A_568] : memref<10240x128xf32, #tpu.memory_space<vmem_shared>> -> memref<128x128xf32, #tpu.memory_space<vmem_shared>>
      tpu.enqueue_dma source(%arg11 : memref<128x128xf32, #tpu.memory_space<vmem>>) target(%dma_start3A_569 : memref<128x128xf32, #tpu.memory_space<vmem_shared>>) target_semaphore(%run_scoped3A : memref<!tpu.dma_semaphore, #tpu.memory_space<semaphore_mem>>)
      %dma_wait3A = arith.constant 0 : i32
      %dma_wait3A_570 = tpu.memref_slice %arg14[%add3A_266, %dma_wait3A] : memref<10240x128xf32, #tpu.memory_space<vmem_shared>> -> memref<128x128xf32, #tpu.memory_space<vmem_shared>>
      %dma_wait3A_571 = arith.constant 0 : i32
      %dma_wait3A_572 = tpu.memref_slice %arg14[%add3A_266, %dma_wait3A_571] : memref<10240x128xf32, #tpu.memory_space<vmem_shared>> -> memref<128x128xf32, #tpu.memory_space<vmem_shared>>
      tpu.wait_dma2 semaphore(%run_scoped3A : memref<!tpu.dma_semaphore, #tpu.memory_space<semaphore_mem>>) src(%arg11 : memref<128x128xf32, #tpu.memory_space<vmem>>) dst(%dma_wait3A_572 : memref<128x128xf32, #tpu.memory_space<vmem_shared>>)
      tpu.yield
    }) : () -> ()
    %mul3A_267 = arith.constant 640 : i32
    %mul3A_268 = arith.muli %arg1, %mul3A_267 : i32
    "tpu.region"() ({
      %run_scoped3A = tpu.sem_alloc : memref<!tpu.dma_semaphore, #tpu.memory_space<semaphore_mem>>
      %dma_start3A_566 = tpu.memref_slice %arg15[%mul3A_268] : memref<10240xf32, #tpu.memory_space<vmem_shared>> -> memref<640xf32, #tpu.memory_space<vmem_shared>>
      %dma_start3A_567 = tpu.memref_slice %arg15[%mul3A_268] : memref<10240xf32, #tpu.memory_space<vmem_shared>> -> memref<640xf32, #tpu.memory_space<vmem_shared>>
      tpu.enqueue_dma source(%arg13 : memref<640xf32, #tpu.memory_space<vmem>>) target(%dma_start3A_567 : memref<640xf32, #tpu.memory_space<vmem_shared>>) target_semaphore(%run_scoped3A : memref<!tpu.dma_semaphore, #tpu.memory_space<semaphore_mem>>)
      %dma_wait3A = tpu.memref_slice %arg15[%mul3A_268] : memref<10240xf32, #tpu.memory_space<vmem_shared>> -> memref<640xf32, #tpu.memory_space<vmem_shared>>
      %dma_wait3A_568 = tpu.memref_slice %arg15[%mul3A_268] : memref<10240xf32, #tpu.memory_space<vmem_shared>> -> memref<640xf32, #tpu.memory_space<vmem_shared>>
      tpu.wait_dma2 semaphore(%run_scoped3A : memref<!tpu.dma_semaphore, #tpu.memory_space<semaphore_mem>>) src(%arg13 : memref<640xf32, #tpu.memory_space<vmem>>) dst(%dma_wait3A_568 : memref<640xf32, #tpu.memory_space<vmem_shared>>)
      tpu.yield
    }) : () -> ()
    "tpu.region"() ({
      %run_scoped3A = tpu.sem_alloc : memref<!tpu.dma_semaphore, #tpu.memory_space<semaphore_mem>>
      %dma_start3A_566 = arith.constant 0 : i32
      %dma_start3A_567 = arith.constant 0 : i32
      %dma_start3A_568 = tpu.memref_slice %arg2[%add3A, %dma_start3A_566, %dma_start3A_567] : memref<32x80x128xi32, #tpu.memory_space<hbm>> -> memref<1x80x128xi32, #tpu.memory_space<hbm>>
      %dma_start3A_569 = tpu.memref_squeeze %dma_start3A_568 : memref<1x80x128xi32, #tpu.memory_space<hbm>> -> memref<80x128xi32, #tpu.memory_space<hbm>>
      %dma_start3A_570 = arith.constant 0 : i32
      %dma_start3A_571 = arith.constant 0 : i32
      %dma_start3A_572 = tpu.memref_slice %arg2[%add3A, %dma_start3A_570, %dma_start3A_571] : memref<32x80x128xi32, #tpu.memory_space<hbm>> -> memref<1x80x128xi32, #tpu.memory_space<hbm>>
      %dma_start3A_573 = tpu.memref_squeeze %dma_start3A_572 : memref<1x80x128xi32, #tpu.memory_space<hbm>> -> memref<80x128xi32, #tpu.memory_space<hbm>>
      tpu.enqueue_dma source(%dma_start3A_573 : memref<80x128xi32, #tpu.memory_space<hbm>>) target(%arg9 : memref<80x128xi32, #tpu.memory_space<vmem>>) target_semaphore(%run_scoped3A : memref<!tpu.dma_semaphore, #tpu.memory_space<semaphore_mem>>)
      %dma_wait3A = arith.constant 0 : i32
      %dma_wait3A_574 = arith.constant 0 : i32
      %dma_wait3A_575 = tpu.memref_slice %arg2[%add3A, %dma_wait3A, %dma_wait3A_574] : memref<32x80x128xi32, #tpu.memory_space<hbm>> -> memref<1x80x128xi32, #tpu.memory_space<hbm>>
      %dma_wait3A_576 = tpu.memref_squeeze %dma_wait3A_575 : memref<1x80x128xi32, #tpu.memory_space<hbm>> -> memref<80x128xi32, #tpu.memory_space<hbm>>
      %dma_wait3A_577 = arith.constant 0 : i32
      %dma_wait3A_578 = arith.constant 0 : i32
      %dma_wait3A_579 = tpu.memref_slice %arg2[%add3A, %dma_wait3A_577, %dma_wait3A_578] : memref<32x80x128xi32, #tpu.memory_space<hbm>> -> memref<1x80x128xi32, #tpu.memory_space<hbm>>
      %dma_wait3A_580 = tpu.memref_squeeze %dma_wait3A_579 : memref<1x80x128xi32, #tpu.memory_space<hbm>> -> memref<80x128xi32, #tpu.memory_space<hbm>>
      tpu.wait_dma2 semaphore(%run_scoped3A : memref<!tpu.dma_semaphore, #tpu.memory_space<semaphore_mem>>) src(%dma_wait3A_580 : memref<80x128xi32, #tpu.memory_space<hbm>>) dst(%arg9 : memref<80x128xi32, #tpu.memory_space<vmem>>)
      tpu.yield
    }) : () -> ()
    %scan3A_269 = arith.constant 0 : i32
    %scan3A_270 = arith.constant 0 : i32
    %scan3A_271 = arith.constant 80 : i32
    %scan3A_272 = arith.addi %scan3A_270, %scan3A_271 : i32
    %scan3A_273 = arith.constant 1 : i32
    %scan3A_274 = scf.for %scan3A_566 = %scan3A_270 to %scan3A_272 step %scan3A_273 iter_args(%scan3A_567 = %scan3A_269) -> (i32)  : i32 {
      %get3A = arith.index_cast %scan3A_566 : i32 to index
      %get3A_568 = arith.constant 0 : index
      %get3A_569 = tpu.vector_load %arg9[%get3A, %get3A_568] {strides = array<i32>} : memref<80x128xi32, #tpu.memory_space<vmem>>, vector<1x16xi32>,
      %get3A_570 = vector.shape_cast %get3A_569 : vector<1x16xi32> to vector<16xi32>
      %and3A = arith.constant 16383 : i32
      %and3A_571 = vector.broadcast %and3A : i32 to vector<16xi32>
      %and3A_572 = arith.andi %get3A_570, %and3A_571 : vector<16xi32>
      %swap3A_573 = arith.index_cast %scan3A_566 : i32 to index
      %swap3A_574 = arith.constant 0 : index
      %swap3A_575 = tpu.vector_load %arg10[%swap3A_573, %swap3A_574] {strides = array<i32>} : memref<80x128xi32, #tpu.memory_space<vmem>>, vector<1x16xi32>,
      %swap3A_576 = vector.shape_cast %swap3A_575 : vector<1x16xi32> to vector<16xi32>
      %swap3A_577 = vector.shape_cast %and3A_572 : vector<16xi32> to vector<1x16xi32>
      tpu.vector_store %arg10[%swap3A_573, %swap3A_574], %swap3A_577 {strides = array<i32>} : memref<80x128xi32, #tpu.memory_space<vmem>>, vector<1x16xi32>,
      %shift_right_arithmetic3A = arith.constant 14 : i32
      %shift_right_arithmetic3A_578 = vector.broadcast %shift_right_arithmetic3A : i32 to vector<16xi32>
      %shift_right_arithmetic3A_579 = arith.shrsi %get3A_570, %shift_right_arithmetic3A_578 : vector<16xi32>
      %swap3A_580 = arith.index_cast %scan3A_566 : i32 to index
      %swap3A_581 = arith.constant 0 : index
      %swap3A_582 = tpu.vector_load %arg9[%swap3A_580, %swap3A_581] {strides = array<i32>} : memref<80x128xi32, #tpu.memory_space<vmem>>, vector<1x16xi32>,
      %swap3A_583 = vector.shape_cast %swap3A_582 : vector<1x16xi32> to vector<16xi32>
      %swap3A_584 = vector.shape_cast %shift_right_arithmetic3A_579 : vector<16xi32> to vector<1x16xi32>
      tpu.vector_store %arg9[%swap3A_580, %swap3A_581], %swap3A_584 {strides = array<i32>} : memref<80x128xi32, #tpu.memory_space<vmem>>, vector<1x16xi32>,
      %get3A_585 = arith.index_cast %scan3A_566 : i32 to index
      %get3A_586 = arith.constant 16 : index
      %get3A_587 = tpu.vector_load %arg9[%get3A_585, %get3A_586] {strides = array<i32>} : memref<80x128xi32, #tpu.memory_space<vmem>>, vector<1x16xi32>,
      %get3A_588 = vector.shape_cast %get3A_587 : vector<1x16xi32> to vector<16xi32>
      %and3A_589 = arith.constant 16383 : i32
      %and3A_590 = vector.broadcast %and3A_589 : i32 to vector<16xi32>
      %and3A_591 = arith.andi %get3A_588, %and3A_590 : vector<16xi32>
      %swap3A_592 = arith.index_cast %scan3A_566 : i32 to index
      %swap3A_593 = arith.constant 16 : index
      %swap3A_594 = tpu.vector_load %arg10[%swap3A_592, %swap3A_593] {strides = array<i32>} : memref<80x128xi32, #tpu.memory_space<vmem>>, vector<1x16xi32>,
      %swap3A_595 = vector.shape_cast %swap3A_594 : vector<1x16xi32> to vector<16xi32>
      %swap3A_596 = vector.shape_cast %and3A_591 : vector<16xi32> to vector<1x16xi32>
      tpu.vector_store %arg10[%swap3A_592, %swap3A_593], %swap3A_596 {strides = array<i32>} : memref<80x128xi32, #tpu.memory_space<vmem>>, vector<1x16xi32>,
      %shift_right_arithmetic3A_597 = arith.constant 14 : i32
      %shift_right_arithmetic3A_598 = vector.broadcast %shift_right_arithmetic3A_597 : i32 to vector<16xi32>
      %shift_right_arithmetic3A_599 = arith.shrsi %get3A_588, %shift_right_arithmetic3A_598 : vector<16xi32>
      %swap3A_600 = arith.index_cast %scan3A_566 : i32 to index
      %swap3A_601 = arith.constant 16 : index
      %swap3A_602 = tpu.vector_load %arg9[%swap3A_600, %swap3A_601] {strides = array<i32>} : memref<80x128xi32, #tpu.memory_space<vmem>>, vector<1x16xi32>,
      %swap3A_603 = vector.shape_cast %swap3A_602 : vector<1x16xi32> to vector<16xi32>
      %swap3A_604 = vector.shape_cast %shift_right_arithmetic3A_599 : vector<16xi32> to vector<1x16xi32>
      tpu.vector_store %arg9[%swap3A_600, %swap3A_601], %swap3A_604 {strides = array<i32>} : memref<80x128xi32, #tpu.memory_space<vmem>>, vector<1x16xi32>,
      %get3A_605 = arith.index_cast %scan3A_566 : i32 to index
      %get3A_606 = arith.constant 32 : index
      %get3A_607 = tpu.vector_load %arg9[%get3A_605, %get3A_606] {strides = array<i32>} : memref<80x128xi32, #tpu.memory_space<vmem>>, vector<1x16xi32>,
      %get3A_608 = vector.shape_cast %get3A_607 : vector<1x16xi32> to vector<16xi32>
      %and3A_609 = arith.constant 16383 : i32
      %and3A_610 = vector.broadcast %and3A_609 : i32 to vector<16xi32>
      %and3A_611 = arith.andi %get3A_608, %and3A_610 : vector<16xi32>
      %swap3A_612 = arith.index_cast %scan3A_566 : i32 to index
      %swap3A_613 = arith.constant 32 : index
      %swap3A_614 = tpu.vector_load %arg10[%swap3A_612, %swap3A_613] {strides = array<i32>} : memref<80x128xi32, #tpu.memory_space<vmem>>, vector<1x16xi32>,
      %swap3A_615 = vector.shape_cast %swap3A_614 : vector<1x16xi32> to vector<16xi32>
      %swap3A_616 = vector.shape_cast %and3A_611 : vector<16xi32> to vector<1x16xi32>
      tpu.vector_store %arg10[%swap3A_612, %swap3A_613], %swap3A_616 {strides = array<i32>} : memref<80x128xi32, #tpu.memory_space<vmem>>, vector<1x16xi32>,
      %shift_right_arithmetic3A_617 = arith.constant 14 : i32
      %shift_right_arithmetic3A_618 = vector.broadcast %shift_right_arithmetic3A_617 : i32 to vector<16xi32>
      %shift_right_arithmetic3A_619 = arith.shrsi %get3A_608, %shift_right_arithmetic3A_618 : vector<16xi32>
      %swap3A_620 = arith.index_cast %scan3A_566 : i32 to index
      %swap3A_621 = arith.constant 32 : index
      %swap3A_622 = tpu.vector_load %arg9[%swap3A_620, %swap3A_621] {strides = array<i32>} : memref<80x128xi32, #tpu.memory_space<vmem>>, vector<1x16xi32>,
      %swap3A_623 = vector.shape_cast %swap3A_622 : vector<1x16xi32> to vector<16xi32>
      %swap3A_624 = vector.shape_cast %shift_right_arithmetic3A_619 : vector<16xi32> to vector<1x16xi32>
      tpu.vector_store %arg9[%swap3A_620, %swap3A_621], %swap3A_624 {strides = array<i32>} : memref<80x128xi32, #tpu.memory_space<vmem>>, vector<1x16xi32>,
      %get3A_625 = arith.index_cast %scan3A_566 : i32 to index
      %get3A_626 = arith.constant 48 : index
      %get3A_627 = tpu.vector_load %arg9[%get3A_625, %get3A_626] {strides = array<i32>} : memref<80x128xi32, #tpu.memory_space<vmem>>, vector<1x16xi32>,
      %get3A_628 = vector.shape_cast %get3A_627 : vector<1x16xi32> to vector<16xi32>
      %and3A_629 = arith.constant 16383 : i32
      %and3A_630 = vector.broadcast %and3A_629 : i32 to vector<16xi32>
      %and3A_631 = arith.andi %get3A_628, %and3A_630 : vector<16xi32>
      %swap3A_632 = arith.index_cast %scan3A_566 : i32 to index
      %swap3A_633 = arith.constant 48 : index
      %swap3A_634 = tpu.vector_load %arg10[%swap3A_632, %swap3A_633] {strides = array<i32>} : memref<80x128xi32, #tpu.memory_space<vmem>>, vector<1x16xi32>,
      %swap3A_635 = vector.shape_cast %swap3A_634 : vector<1x16xi32> to vector<16xi32>
      %swap3A_636 = vector.shape_cast %and3A_631 : vector<16xi32> to vector<1x16xi32>
      tpu.vector_store %arg10[%swap3A_632, %swap3A_633], %swap3A_636 {strides = array<i32>} : memref<80x128xi32, #tpu.memory_space<vmem>>, vector<1x16xi32>,
      %shift_right_arithmetic3A_637 = arith.constant 14 : i32
      %shift_right_arithmetic3A_638 = vector.broadcast %shift_right_arithmetic3A_637 : i32 to vector<16xi32>
      %shift_right_arithmetic3A_639 = arith.shrsi %get3A_628, %shift_right_arithmetic3A_638 : vector<16xi32>
      %swap3A_640 = arith.index_cast %scan3A_566 : i32 to index
      %swap3A_641 = arith.constant 48 : index
      %swap3A_642 = tpu.vector_load %arg9[%swap3A_640, %swap3A_641] {strides = array<i32>} : memref<80x128xi32, #tpu.memory_space<vmem>>, vector<1x16xi32>,
      %swap3A_643 = vector.shape_cast %swap3A_642 : vector<1x16xi32> to vector<16xi32>
      %swap3A_644 = vector.shape_cast %shift_right_arithmetic3A_639 : vector<16xi32> to vector<1x16xi32>
      tpu.vector_store %arg9[%swap3A_640, %swap3A_641], %swap3A_644 {strides = array<i32>} : memref<80x128xi32, #tpu.memory_space<vmem>>, vector<1x16xi32>,
      %get3A_645 = arith.index_cast %scan3A_566 : i32 to index
      %get3A_646 = arith.constant 64 : index
      %get3A_647 = tpu.vector_load %arg9[%get3A_645, %get3A_646] {strides = array<i32>} : memref<80x128xi32, #tpu.memory_space<vmem>>, vector<1x16xi32>,
      %get3A_648 = vector.shape_cast %get3A_647 : vector<1x16xi32> to vector<16xi32>
      %and3A_649 = arith.constant 16383 : i32
      %and3A_650 = vector.broadcast %and3A_649 : i32 to vector<16xi32>
      %and3A_651 = arith.andi %get3A_648, %and3A_650 : vector<16xi32>
      %swap3A_652 = arith.index_cast %scan3A_566 : i32 to index
      %swap3A_653 = arith.constant 64 : index
      %swap3A_654 = tpu.vector_load %arg10[%swap3A_652, %swap3A_653] {strides = array<i32>} : memref<80x128xi32, #tpu.memory_space<vmem>>, vector<1x16xi32>,
      %swap3A_655 = vector.shape_cast %swap3A_654 : vector<1x16xi32> to vector<16xi32>
      %swap3A_656 = vector.shape_cast %and3A_651 : vector<16xi32> to vector<1x16xi32>
      tpu.vector_store %arg10[%swap3A_652, %swap3A_653], %swap3A_656 {strides = array<i32>} : memref<80x128xi32, #tpu.memory_space<vmem>>, vector<1x16xi32>,
      %shift_right_arithmetic3A_657 = arith.constant 14 : i32
      %shift_right_arithmetic3A_658 = vector.broadcast %shift_right_arithmetic3A_657 : i32 to vector<16xi32>
      %shift_right_arithmetic3A_659 = arith.shrsi %get3A_648, %shift_right_arithmetic3A_658 : vector<16xi32>
      %swap3A_660 = arith.index_cast %scan3A_566 : i32 to index
      %swap3A_661 = arith.constant 64 : index
      %swap3A_662 = tpu.vector_load %arg9[%swap3A_660, %swap3A_661] {strides = array<i32>} : memref<80x128xi32, #tpu.memory_space<vmem>>, vector<1x16xi32>,
      %swap3A_663 = vector.shape_cast %swap3A_662 : vector<1x16xi32> to vector<16xi32>
      %swap3A_664 = vector.shape_cast %shift_right_arithmetic3A_659 : vector<16xi32> to vector<1x16xi32>
      tpu.vector_store %arg9[%swap3A_660, %swap3A_661], %swap3A_664 {strides = array<i32>} : memref<80x128xi32, #tpu.memory_space<vmem>>, vector<1x16xi32>,
      %get3A_665 = arith.index_cast %scan3A_566 : i32 to index
      %get3A_666 = arith.constant 80 : index
      %get3A_667 = tpu.vector_load %arg9[%get3A_665, %get3A_666] {strides = array<i32>} : memref<80x128xi32, #tpu.memory_space<vmem>>, vector<1x16xi32>,
      %get3A_668 = vector.shape_cast %get3A_667 : vector<1x16xi32> to vector<16xi32>
      %and3A_669 = arith.constant 16383 : i32
      %and3A_670 = vector.broadcast %and3A_669 : i32 to vector<16xi32>
      %and3A_671 = arith.andi %get3A_668, %and3A_670 : vector<16xi32>
      %swap3A_672 = arith.index_cast %scan3A_566 : i32 to index
      %swap3A_673 = arith.constant 80 : index
      %swap3A_674 = tpu.vector_load %arg10[%swap3A_672, %swap3A_673] {strides = array<i32>} : memref<80x128xi32, #tpu.memory_space<vmem>>, vector<1x16xi32>,
      %swap3A_675 = vector.shape_cast %swap3A_674 : vector<1x16xi32> to vector<16xi32>
      %swap3A_676 = vector.shape_cast %and3A_671 : vector<16xi32> to vector<1x16xi32>
      tpu.vector_store %arg10[%swap3A_672, %swap3A_673], %swap3A_676 {strides = array<i32>} : memref<80x128xi32, #tpu.memory_space<vmem>>, vector<1x16xi32>,
      %shift_right_arithmetic3A_677 = arith.constant 14 : i32
      %shift_right_arithmetic3A_678 = vector.broadcast %shift_right_arithmetic3A_677 : i32 to vector<16xi32>
      %shift_right_arithmetic3A_679 = arith.shrsi %get3A_668, %shift_right_arithmetic3A_678 : vector<16xi32>
      %swap3A_680 = arith.index_cast %scan3A_566 : i32 to index
      %swap3A_681 = arith.constant 80 : index
      %swap3A_682 = tpu.vector_load %arg9[%swap3A_680, %swap3A_681] {strides = array<i32>} : memref<80x128xi32, #tpu.memory_space<vmem>>, vector<1x16xi32>,
      %swap3A_683 = vector.shape_cast %swap3A_682 : vector<1x16xi32> to vector<16xi32>
      %swap3A_684 = vector.shape_cast %shift_right_arithmetic3A_679 : vector<16xi32> to vector<1x16xi32>
      tpu.vector_store %arg9[%swap3A_680, %swap3A_681], %swap3A_684 {strides = array<i32>} : memref<80x128xi32, #tpu.memory_space<vmem>>, vector<1x16xi32>,
      %get3A_685 = arith.index_cast %scan3A_566 : i32 to index
      %get3A_686 = arith.constant 96 : index
      %get3A_687 = tpu.vector_load %arg9[%get3A_685, %get3A_686] {strides = array<i32>} : memref<80x128xi32, #tpu.memory_space<vmem>>, vector<1x16xi32>,
      %get3A_688 = vector.shape_cast %get3A_687 : vector<1x16xi32> to vector<16xi32>
      %and3A_689 = arith.constant 16383 : i32
      %and3A_690 = vector.broadcast %and3A_689 : i32 to vector<16xi32>
      %and3A_691 = arith.andi %get3A_688, %and3A_690 : vector<16xi32>
      %swap3A_692 = arith.index_cast %scan3A_566 : i32 to index
      %swap3A_693 = arith.constant 96 : index
      %swap3A_694 = tpu.vector_load %arg10[%swap3A_692, %swap3A_693] {strides = array<i32>} : memref<80x128xi32, #tpu.memory_space<vmem>>, vector<1x16xi32>,
      %swap3A_695 = vector.shape_cast %swap3A_694 : vector<1x16xi32> to vector<16xi32>
      %swap3A_696 = vector.shape_cast %and3A_691 : vector<16xi32> to vector<1x16xi32>
      tpu.vector_store %arg10[%swap3A_692, %swap3A_693], %swap3A_696 {strides = array<i32>} : memref<80x128xi32, #tpu.memory_space<vmem>>, vector<1x16xi32>,
      %shift_right_arithmetic3A_697 = arith.constant 14 : i32
      %shift_right_arithmetic3A_698 = vector.broadcast %shift_right_arithmetic3A_697 : i32 to vector<16xi32>
      %shift_right_arithmetic3A_699 = arith.shrsi %get3A_688, %shift_right_arithmetic3A_698 : vector<16xi32>
      %swap3A_700 = arith.index_cast %scan3A_566 : i32 to index
      %swap3A_701 = arith.constant 96 : index
      %swap3A_702 = tpu.vector_load %arg9[%swap3A_700, %swap3A_701] {strides = array<i32>} : memref<80x128xi32, #tpu.memory_space<vmem>>, vector<1x16xi32>,
      %swap3A_703 = vector.shape_cast %swap3A_702 : vector<1x16xi32> to vector<16xi32>
      %swap3A_704 = vector.shape_cast %shift_right_arithmetic3A_699 : vector<16xi32> to vector<1x16xi32>
      tpu.vector_store %arg9[%swap3A_700, %swap3A_701], %swap3A_704 {strides = array<i32>} : memref<80x128xi32, #tpu.memory_space<vmem>>, vector<1x16xi32>,
      %get3A_705 = arith.index_cast %scan3A_566 : i32 to index
      %get3A_706 = arith.constant 112 : index
      %get3A_707 = tpu.vector_load %arg9[%get3A_705, %get3A_706] {strides = array<i32>} : memref<80x128xi32, #tpu.memory_space<vmem>>, vector<1x16xi32>,
      %get3A_708 = vector.shape_cast %get3A_707 : vector<1x16xi32> to vector<16xi32>
      %and3A_709 = arith.constant 16383 : i32
      %and3A_710 = vector.broadcast %and3A_709 : i32 to vector<16xi32>
      %and3A_711 = arith.andi %get3A_708, %and3A_710 : vector<16xi32>
      %swap3A_712 = arith.index_cast %scan3A_566 : i32 to index
      %swap3A_713 = arith.constant 112 : index
      %swap3A_714 = tpu.vector_load %arg10[%swap3A_712, %swap3A_713] {strides = array<i32>} : memref<80x128xi32, #tpu.memory_space<vmem>>, vector<1x16xi32>,
      %swap3A_715 = vector.shape_cast %swap3A_714 : vector<1x16xi32> to vector<16xi32>
      %swap3A_716 = vector.shape_cast %and3A_711 : vector<16xi32> to vector<1x16xi32>
      tpu.vector_store %arg10[%swap3A_712, %swap3A_713], %swap3A_716 {strides = array<i32>} : memref<80x128xi32, #tpu.memory_space<vmem>>, vector<1x16xi32>,
      %shift_right_arithmetic3A_717 = arith.constant 14 : i32
      %shift_right_arithmetic3A_718 = vector.broadcast %shift_right_arithmetic3A_717 : i32 to vector<16xi32>
      %shift_right_arithmetic3A_719 = arith.shrsi %get3A_708, %shift_right_arithmetic3A_718 : vector<16xi32>
      %swap3A_720 = arith.index_cast %scan3A_566 : i32 to index
      %swap3A_721 = arith.constant 112 : index
      %swap3A_722 = tpu.vector_load %arg9[%swap3A_720, %swap3A_721] {strides = array<i32>} : memref<80x128xi32, #tpu.memory_space<vmem>>, vector<1x16xi32>,
      %swap3A_723 = vector.shape_cast %swap3A_722 : vector<1x16xi32> to vector<16xi32>
      %swap3A_724 = vector.shape_cast %shift_right_arithmetic3A_719 : vector<16xi32> to vector<1x16xi32>
      tpu.vector_store %arg9[%swap3A_720, %swap3A_721], %swap3A_724 {strides = array<i32>} : memref<80x128xi32, #tpu.memory_space<vmem>>, vector<1x16xi32>,
      %scan3A_725 = arith.constant 0 : i32
      scf.yield %scan3A_725 : i32
    }
    %scan3A_275 = arith.constant 80 : i32
    %barrier3A = arith.constant 0 : index
    tpu.barrier barrier_id(%barrier3A)
    %dma_start3A = arith.constant 0 : i32
    %dma_start3A_276 = arith.constant 0 : i32
    %dma_start3A_277 = tpu.memref_slice %arg9[%dma_start3A, %dma_start3A_276] : memref<80x128xi32, #tpu.memory_space<vmem>> -> memref<1x128xi32, #tpu.memory_space<vmem>>
    %dma_start3A_278 = tpu.memref_squeeze %dma_start3A_277 : memref<1x128xi32, #tpu.memory_space<vmem>> -> memref<128xi32, #tpu.memory_space<vmem>>
    %dma_start3A_279 = arith.constant 0 : i32
    %dma_start3A_280 = arith.constant 0 : i32
    %dma_start3A_281 = tpu.memref_slice %arg3[%dma_start3A_279, %dma_start3A_280] : memref<10240x128xf32, #tpu.memory_space<hbm>> -> memref<10240x128xf32, #tpu.memory_space<hbm>>
    tpu.enqueue_indirect_dma source(%dma_start3A_281 : memref<10240x128xf32, #tpu.memory_space<hbm>>) target(%arg11 : memref<128x128xf32, #tpu.memory_space<vmem>>) offsets(%dma_start3A_278 : memref<128xi32, #tpu.memory_space<vmem>>) semaphore(%arg16 : memref<!tpu.dma_semaphore, #tpu.memory_space<semaphore_mem>>)
    %scan3A_282 = arith.constant 0 : i32
    %scan3A_283 = arith.constant 0 : i32
    %scan3A_284 = arith.constant 80 : i32
    %scan3A_285 = arith.addi %scan3A_283, %scan3A_284 : i32
    %scan3A_286 = arith.constant 1 : i32
    %scan3A_287 = scf.for %scan3A_566 = %scan3A_283 to %scan3A_285 step %scan3A_286 iter_args(%scan3A_567 = %scan3A_282) -> (i32)  : i32 {
      %dma_wait3A = arith.constant 0 : i32
      %dma_wait3A_568 = arith.constant 0 : i32
      %dma_wait3A_569 = tpu.memref_slice %arg9[%dma_wait3A, %dma_wait3A_568] : memref<80x128xi32, #tpu.memory_space<vmem>> -> memref<1x128xi32, #tpu.memory_space<vmem>>
      %dma_wait3A_570 = tpu.memref_squeeze %dma_wait3A_569 : memref<1x128xi32, #tpu.memory_space<vmem>> -> memref<128xi32, #tpu.memory_space<vmem>>
      %dma_wait3A_571 = arith.constant 0 : i32
      %dma_wait3A_572 = arith.constant 0 : i32
      %dma_wait3A_573 = tpu.memref_slice %arg3[%dma_wait3A_571, %dma_wait3A_572] : memref<10240x128xf32, #tpu.memory_space<hbm>> -> memref<10240x128xf32, #tpu.memory_space<hbm>>
      tpu.wait_indirect_dma semaphore(%arg16 : memref<!tpu.dma_semaphore, #tpu.memory_space<semaphore_mem>>) src(%dma_wait3A_573 : memref<10240x128xf32, #tpu.memory_space<hbm>>) dst(%arg11 : memref<128x128xf32, #tpu.memory_space<vmem>>)
      "tpu.region"() ({
        %run_scoped3A = tpu.sem_alloc : memref<!tpu.dma_semaphore, #tpu.memory_space<semaphore_mem>>
        %dma_start3A_589 = arith.constant 0 : i32
        %dma_start3A_590 = tpu.memref_slice %arg10[%scan3A_566, %dma_start3A_589] : memref<80x128xi32, #tpu.memory_space<vmem>> -> memref<1x128xi32, #tpu.memory_space<vmem>>
        %dma_start3A_591 = tpu.memref_squeeze %dma_start3A_590 : memref<1x128xi32, #tpu.memory_space<vmem>> -> memref<128xi32, #tpu.memory_space<vmem>>
        %dma_start3A_592 = arith.constant 0 : i32
        %dma_start3A_593 = arith.constant 0 : i32
        %dma_start3A_594 = tpu.memref_slice %arg14[%dma_start3A_592, %dma_start3A_593] : memref<10240x128xf32, #tpu.memory_space<vmem_shared>> -> memref<10240x128xf32, #tpu.memory_space<vmem_shared>>
        tpu.enqueue_indirect_dma source(%arg11 : memref<128x128xf32, #tpu.memory_space<vmem>>) target(%dma_start3A_594 : memref<10240x128xf32, #tpu.memory_space<vmem_shared>>) offsets(%dma_start3A_591 : memref<128xi32, #tpu.memory_space<vmem>>) semaphore(%run_scoped3A : memref<!tpu.dma_semaphore, #tpu.memory_space<semaphore_mem>>) {add = true}
        %dma_wait3A_595 = arith.constant 0 : i32
        %dma_wait3A_596 = tpu.memref_slice %arg10[%scan3A_566, %dma_wait3A_595] : memref<80x128xi32, #tpu.memory_space<vmem>> -> memref<1x128xi32, #tpu.memory_space<vmem>>
        %dma_wait3A_597 = tpu.memref_squeeze %dma_wait3A_596 : memref<1x128xi32, #tpu.memory_space<vmem>> -> memref<128xi32, #tpu.memory_space<vmem>>
        %dma_wait3A_598 = arith.constant 0 : i32
        %dma_wait3A_599 = arith.constant 0 : i32
        %dma_wait3A_600 = tpu.memref_slice %arg14[%dma_wait3A_598, %dma_wait3A_599] : memref<10240x128xf32, #tpu.memory_space<vmem_shared>> -> memref<10240x128xf32, #tpu.memory_space<vmem_shared>>
        tpu.wait_indirect_dma semaphore(%run_scoped3A : memref<!tpu.dma_semaphore, #tpu.memory_space<semaphore_mem>>) src(%arg11 : memref<128x128xf32, #tpu.memory_space<vmem>>) dst(%dma_wait3A_600 : memref<10240x128xf32, #tpu.memory_space<vmem_shared>>)
        tpu.yield
      }) : () -> ()
      %add3A_574 = arith.constant 1 : i32
      %add3A_575 = arith.addi %scan3A_566, %add3A_574 : i32
      %lt3A = arith.constant 80 : i32
      %lt3A_576 = arith.cmpi slt, %add3A_575, %lt3A : i32
      %convert_element_type3A = arith.extui %lt3A_576 : i1 to i32
      %cond3A = arith.constant 0 : i32
      %cond3A_577 = arith.cmpi ne, %convert_element_type3A, %cond3A : i32
      scf.if %cond3A_577 {
        %add3A_589 = arith.constant 1 : i32
        %add3A_590 = arith.addi %scan3A_566, %add3A_589 : i32
        %dma_start3A_591 = arith.constant 0 : i32
        %dma_start3A_592 = tpu.memref_slice %arg9[%add3A_590, %dma_start3A_591] : memref<80x128xi32, #tpu.memory_space<vmem>> -> memref<1x128xi32, #tpu.memory_space<vmem>>
        %dma_start3A_593 = tpu.memref_squeeze %dma_start3A_592 : memref<1x128xi32, #tpu.memory_space<vmem>> -> memref<128xi32, #tpu.memory_space<vmem>>
        %dma_start3A_594 = arith.constant 0 : i32
        %dma_start3A_595 = arith.constant 0 : i32
        %dma_start3A_596 = tpu.memref_slice %arg3[%dma_start3A_594, %dma_start3A_595] : memref<10240x128xf32, #tpu.memory_space<hbm>> -> memref<10240x128xf32, #tpu.memory_space<hbm>>
        tpu.enqueue_indirect_dma source(%dma_start3A_596 : memref<10240x128xf32, #tpu.memory_space<hbm>>) target(%arg11 : memref<128x128xf32, #tpu.memory_space<vmem>>) offsets(%dma_start3A_593 : memref<128xi32, #tpu.memory_space<vmem>>) semaphore(%arg16 : memref<!tpu.dma_semaphore, #tpu.memory_space<semaphore_mem>>)
      } else {
      }
      %dma_start3A_578 = arith.constant 0 : i32
      %dma_start3A_579 = tpu.memref_slice %arg10[%scan3A_566, %dma_start3A_578] : memref<80x128xi32, #tpu.memory_space<vmem>> -> memref<1x128xi32, #tpu.memory_space<vmem>>
      %dma_start3A_580 = tpu.memref_squeeze %dma_start3A_579 : memref<1x128xi32, #tpu.memory_space<vmem>> -> memref<128xi32, #tpu.memory_space<vmem>>
      %dma_start3A_581 = arith.constant 0 : i32
      %dma_start3A_582 = tpu.memref_slice %arg5[%dma_start3A_581] : memref<10240xf32, #tpu.memory_space<hbm>> -> memref<10240xf32, #tpu.memory_space<hbm>>
      tpu.enqueue_indirect_dma source(%dma_start3A_582 : memref<10240xf32, #tpu.memory_space<hbm>>) target(%arg12 : memref<128xf32, #tpu.memory_space<vmem>>) offsets(%dma_start3A_580 : memref<128xi32, #tpu.memory_space<vmem>>) semaphore(%arg17 : memref<!tpu.dma_semaphore, #tpu.memory_space<semaphore_mem>>)
      %dma_wait3A_583 = arith.constant 0 : i32
      %dma_wait3A_584 = tpu.memref_slice %arg10[%scan3A_566, %dma_wait3A_583] : memref<80x128xi32, #tpu.memory_space<vmem>> -> memref<1x128xi32, #tpu.memory_space<vmem>>
      %dma_wait3A_585 = tpu.memref_squeeze %dma_wait3A_584 : memref<1x128xi32, #tpu.memory_space<vmem>> -> memref<128xi32, #tpu.memory_space<vmem>>
      %dma_wait3A_586 = arith.constant 0 : i32
      %dma_wait3A_587 = tpu.memref_slice %arg5[%dma_wait3A_586] : memref<10240xf32, #tpu.memory_space<hbm>> -> memref<10240xf32, #tpu.memory_space<hbm>>
      tpu.wait_indirect_dma semaphore(%arg17 : memref<!tpu.dma_semaphore, #tpu.memory_space<semaphore_mem>>) src(%dma_wait3A_587 : memref<10240xf32, #tpu.memory_space<hbm>>) dst(%arg12 : memref<128xf32, #tpu.memory_space<vmem>>)
      "tpu.region"() ({
        %run_scoped3A = tpu.sem_alloc : memref<!tpu.dma_semaphore, #tpu.memory_space<semaphore_mem>>
        %dma_start3A_589 = arith.constant 0 : i32
        %dma_start3A_590 = tpu.memref_slice %arg9[%scan3A_566, %dma_start3A_589] : memref<80x128xi32, #tpu.memory_space<vmem>> -> memref<1x128xi32, #tpu.memory_space<vmem>>
        %dma_start3A_591 = tpu.memref_squeeze %dma_start3A_590 : memref<1x128xi32, #tpu.memory_space<vmem>> -> memref<128xi32, #tpu.memory_space<vmem>>
        %dma_start3A_592 = arith.constant 0 : i32
        %dma_start3A_593 = tpu.memref_slice %arg15[%dma_start3A_592] : memref<10240xf32, #tpu.memory_space<vmem_shared>> -> memref<10240xf32, #tpu.memory_space<vmem_shared>>
        tpu.enqueue_indirect_dma source(%arg12 : memref<128xf32, #tpu.memory_space<vmem>>) target(%dma_start3A_593 : memref<10240xf32, #tpu.memory_space<vmem_shared>>) offsets(%dma_start3A_591 : memref<128xi32, #tpu.memory_space<vmem>>) semaphore(%run_scoped3A : memref<!tpu.dma_semaphore, #tpu.memory_space<semaphore_mem>>) {add = true}
        %dma_wait3A_594 = arith.constant 0 : i32
        %dma_wait3A_595 = tpu.memref_slice %arg9[%scan3A_566, %dma_wait3A_594] : memref<80x128xi32, #tpu.memory_space<vmem>> -> memref<1x128xi32, #tpu.memory_space<vmem>>
        %dma_wait3A_596 = tpu.memref_squeeze %dma_wait3A_595 : memref<1x128xi32, #tpu.memory_space<vmem>> -> memref<128xi32, #tpu.memory_space<vmem>>
        %dma_wait3A_597 = arith.constant 0 : i32
        %dma_wait3A_598 = tpu.memref_slice %arg15[%dma_wait3A_597] : memref<10240xf32, #tpu.memory_space<vmem_shared>> -> memref<10240xf32, #tpu.memory_space<vmem_shared>>
        tpu.wait_indirect_dma semaphore(%run_scoped3A : memref<!tpu.dma_semaphore, #tpu.memory_space<semaphore_mem>>) src(%arg12 : memref<128xf32, #tpu.memory_space<vmem>>) dst(%dma_wait3A_598 : memref<10240xf32, #tpu.memory_space<vmem_shared>>)
        tpu.yield
      }) : () -> ()
      %scan3A_588 = arith.constant 0 : i32
      scf.yield %scan3A_588 : i32
    }
    %scan3A_288 = arith.constant 80 : i32
    %barrier3A_289 = arith.constant 0 : index
    tpu.barrier barrier_id(%barrier3A_289)
    "tpu.region"() ({
      %run_scoped3A = tpu.sem_alloc : memref<!tpu.dma_semaphore, #tpu.memory_space<semaphore_mem>>
      %dma_start3A_566 = arith.constant 0 : i32
      %dma_start3A_567 = arith.constant 0 : i32
      %dma_start3A_568 = tpu.memref_slice %arg6[%arg0, %dma_start3A_566, %dma_start3A_567] : memref<2x10240x128xf32, #tpu.memory_space<hbm>> -> memref<1x10240x128xf32, #tpu.memory_space<hbm>>
      %dma_start3A_569 = tpu.memref_squeeze %dma_start3A_568 : memref<1x10240x128xf32, #tpu.memory_space<hbm>> -> memref<10240x128xf32, #tpu.memory_space<hbm>>
      %dma_start3A_570 = arith.constant 0 : i32
      %dma_start3A_571 = tpu.memref_slice %dma_start3A_569[%mul3A_2, %dma_start3A_570] : memref<10240x128xf32, #tpu.memory_space<hbm>> -> memref<640x128xf32, #tpu.memory_space<hbm>>
      %dma_start3A_572 = arith.constant 0 : i32
      %dma_start3A_573 = tpu.memref_slice %arg14[%mul3A_2, %dma_start3A_572] : memref<10240x128xf32, #tpu.memory_space<vmem_shared>> -> memref<640x128xf32, #tpu.memory_space<vmem_shared>>
      tpu.enqueue_dma source(%dma_start3A_573 : memref<640x128xf32, #tpu.memory_space<vmem_shared>>) target(%dma_start3A_571 : memref<640x128xf32, #tpu.memory_space<hbm>>) target_semaphore(%run_scoped3A : memref<!tpu.dma_semaphore, #tpu.memory_space<semaphore_mem>>)
      %dma_wait3A = arith.constant 0 : i32
      %dma_wait3A_574 = arith.constant 0 : i32
      %dma_wait3A_575 = tpu.memref_slice %arg6[%arg0, %dma_wait3A, %dma_wait3A_574] : memref<2x10240x128xf32, #tpu.memory_space<hbm>> -> memref<1x10240x128xf32, #tpu.memory_space<hbm>>
      %dma_wait3A_576 = tpu.memref_squeeze %dma_wait3A_575 : memref<1x10240x128xf32, #tpu.memory_space<hbm>> -> memref<10240x128xf32, #tpu.memory_space<hbm>>
      %dma_wait3A_577 = arith.constant 0 : i32
      %dma_wait3A_578 = tpu.memref_slice %dma_wait3A_576[%mul3A_2, %dma_wait3A_577] : memref<10240x128xf32, #tpu.memory_space<hbm>> -> memref<640x128xf32, #tpu.memory_space<hbm>>
      %dma_wait3A_579 = arith.constant 0 : i32
      %dma_wait3A_580 = tpu.memref_slice %arg14[%mul3A_2, %dma_wait3A_579] : memref<10240x128xf32, #tpu.memory_space<vmem_shared>> -> memref<640x128xf32, #tpu.memory_space<vmem_shared>>
      tpu.wait_dma2 semaphore(%run_scoped3A : memref<!tpu.dma_semaphore, #tpu.memory_space<semaphore_mem>>) src(%dma_wait3A_580 : memref<640x128xf32, #tpu.memory_space<vmem_shared>>) dst(%dma_wait3A_578 : memref<640x128xf32, #tpu.memory_space<hbm>>)
      tpu.yield
    }) : () -> ()
    "tpu.region"() ({
      %run_scoped3A = tpu.sem_alloc : memref<!tpu.dma_semaphore, #tpu.memory_space<semaphore_mem>>
      %dma_start3A_566 = arith.constant 0 : i32
      %dma_start3A_567 = tpu.memref_slice %arg8[%arg0, %dma_start3A_566] : memref<2x10240xf32, #tpu.memory_space<hbm>> -> memref<1x10240xf32, #tpu.memory_space<hbm>>
      %dma_start3A_568 = tpu.memref_squeeze %dma_start3A_567 : memref<1x10240xf32, #tpu.memory_space<hbm>> -> memref<10240xf32, #tpu.memory_space<hbm>>
      %dma_start3A_569 = tpu.memref_slice %dma_start3A_568[%mul3A_2] : memref<10240xf32, #tpu.memory_space<hbm>> -> memref<640xf32, #tpu.memory_space<hbm>>
      %dma_start3A_570 = tpu.memref_slice %arg15[%mul3A_2] : memref<10240xf32, #tpu.memory_space<vmem_shared>> -> memref<640xf32, #tpu.memory_space<vmem_shared>>
      tpu.enqueue_dma source(%dma_start3A_570 : memref<640xf32, #tpu.memory_space<vmem_shared>>) target(%dma_start3A_569 : memref<640xf32, #tpu.memory_space<hbm>>) target_semaphore(%run_scoped3A : memref<!tpu.dma_semaphore, #tpu.memory_space<semaphore_mem>>)
      %dma_wait3A = arith.constant 0 : i32
      %dma_wait3A_571 = tpu.memref_slice %arg8[%arg0, %dma_wait3A] : memref<2x10240xf32, #tpu.memory_space<hbm>> -> memref<1x10240xf32, #tpu.memory_space<hbm>>
      %dma_wait3A_572 = tpu.memref_squeeze %dma_wait3A_571 : memref<1x10240xf32, #tpu.memory_space<hbm>> -> memref<10240xf32, #tpu.memory_space<hbm>>
      %dma_wait3A_573 = tpu.memref_slice %dma_wait3A_572[%mul3A_2] : memref<10240xf32, #tpu.memory_space<hbm>> -> memref<640xf32, #tpu.memory_space<hbm>>
      %dma_wait3A_574 = tpu.memref_slice %arg15[%mul3A_2] : memref<10240xf32, #tpu.memory_space<vmem_shared>> -> memref<640xf32, #tpu.memory_space<vmem_shared>>
      tpu.wait_dma2 semaphore(%run_scoped3A : memref<!tpu.dma_semaphore, #tpu.memory_space<semaphore_mem>>) src(%dma_wait3A_574 : memref<640xf32, #tpu.memory_space<vmem_shared>>) dst(%dma_wait3A_573 : memref<640xf32, #tpu.memory_space<hbm>>)
      tpu.yield
    }) : () -> ()
    %scan3A_290 = arith.constant 0 : i32
    %scan3A_291 = arith.constant 0 : i32
    %scan3A_292 = arith.constant 128 : i32
    %scan3A_293 = arith.addi %scan3A_291, %scan3A_292 : i32
    %scan3A_294 = arith.constant 1 : i32
    %scan3A_295 = scf.for %scan3A_566 = %scan3A_291 to %scan3A_293 step %scan3A_294 iter_args(%scan3A_567 = %scan3A_290) -> (i32)  : i32 {
      %broadcast_in_dim3A_568 = arith.constant 0.000000e+00 : f32
      %broadcast_in_dim3A_569 = vector.broadcast %broadcast_in_dim3A_568 : f32 to vector<16xf32>
      %swap3A_570 = arith.index_cast %scan3A_566 : i32 to index
      %swap3A_571 = arith.constant 0 : index
      %swap3A_572 = tpu.vector_load %arg11[%swap3A_570, %swap3A_571] {strides = array<i32>} : memref<128x128xf32, #tpu.memory_space<vmem>>, vector<1x16xf32>,
      %swap3A_573 = vector.shape_cast %swap3A_572 : vector<1x16xf32> to vector<16xf32>
      %swap3A_574 = vector.shape_cast %broadcast_in_dim3A_569 : vector<16xf32> to vector<1x16xf32>
      tpu.vector_store %arg11[%swap3A_570, %swap3A_571], %swap3A_574 {strides = array<i32>} : memref<128x128xf32, #tpu.memory_space<vmem>>, vector<1x16xf32>,
      %broadcast_in_dim3A_575 = arith.constant 0.000000e+00 : f32
      %broadcast_in_dim3A_576 = vector.broadcast %broadcast_in_dim3A_575 : f32 to vector<16xf32>
      %swap3A_577 = arith.index_cast %scan3A_566 : i32 to index
      %swap3A_578 = arith.constant 16 : index
      %swap3A_579 = tpu.vector_load %arg11[%swap3A_577, %swap3A_578] {strides = array<i32>} : memref<128x128xf32, #tpu.memory_space<vmem>>, vector<1x16xf32>,
      %swap3A_580 = vector.shape_cast %swap3A_579 : vector<1x16xf32> to vector<16xf32>
      %swap3A_581 = vector.shape_cast %broadcast_in_dim3A_576 : vector<16xf32> to vector<1x16xf32>
      tpu.vector_store %arg11[%swap3A_577, %swap3A_578], %swap3A_581 {strides = array<i32>} : memref<128x128xf32, #tpu.memory_space<vmem>>, vector<1x16xf32>,
      %broadcast_in_dim3A_582 = arith.constant 0.000000e+00 : f32
      %broadcast_in_dim3A_583 = vector.broadcast %broadcast_in_dim3A_582 : f32 to vector<16xf32>
      %swap3A_584 = arith.index_cast %scan3A_566 : i32 to index
      %swap3A_585 = arith.constant 32 : index
      %swap3A_586 = tpu.vector_load %arg11[%swap3A_584, %swap3A_585] {strides = array<i32>} : memref<128x128xf32, #tpu.memory_space<vmem>>, vector<1x16xf32>,
      %swap3A_587 = vector.shape_cast %swap3A_586 : vector<1x16xf32> to vector<16xf32>
      %swap3A_588 = vector.shape_cast %broadcast_in_dim3A_583 : vector<16xf32> to vector<1x16xf32>
      tpu.vector_store %arg11[%swap3A_584, %swap3A_585], %swap3A_588 {strides = array<i32>} : memref<128x128xf32, #tpu.memory_space<vmem>>, vector<1x16xf32>,
      %broadcast_in_dim3A_589 = arith.constant 0.000000e+00 : f32
      %broadcast_in_dim3A_590 = vector.broadcast %broadcast_in_dim3A_589 : f32 to vector<16xf32>
      %swap3A_591 = arith.index_cast %scan3A_566 : i32 to index
      %swap3A_592 = arith.constant 48 : index
      %swap3A_593 = tpu.vector_load %arg11[%swap3A_591, %swap3A_592] {strides = array<i32>} : memref<128x128xf32, #tpu.memory_space<vmem>>, vector<1x16xf32>,
      %swap3A_594 = vector.shape_cast %swap3A_593 : vector<1x16xf32> to vector<16xf32>
      %swap3A_595 = vector.shape_cast %broadcast_in_dim3A_590 : vector<16xf32> to vector<1x16xf32>
      tpu.vector_store %arg11[%swap3A_591, %swap3A_592], %swap3A_595 {strides = array<i32>} : memref<128x128xf32, #tpu.memory_space<vmem>>, vector<1x16xf32>,
      %broadcast_in_dim3A_596 = arith.constant 0.000000e+00 : f32
      %broadcast_in_dim3A_597 = vector.broadcast %broadcast_in_dim3A_596 : f32 to vector<16xf32>
      %swap3A_598 = arith.index_cast %scan3A_566 : i32 to index
      %swap3A_599 = arith.constant 64 : index
      %swap3A_600 = tpu.vector_load %arg11[%swap3A_598, %swap3A_599] {strides = array<i32>} : memref<128x128xf32, #tpu.memory_space<vmem>>, vector<1x16xf32>,
      %swap3A_601 = vector.shape_cast %swap3A_600 : vector<1x16xf32> to vector<16xf32>
      %swap3A_602 = vector.shape_cast %broadcast_in_dim3A_597 : vector<16xf32> to vector<1x16xf32>
      tpu.vector_store %arg11[%swap3A_598, %swap3A_599], %swap3A_602 {strides = array<i32>} : memref<128x128xf32, #tpu.memory_space<vmem>>, vector<1x16xf32>,
      %broadcast_in_dim3A_603 = arith.constant 0.000000e+00 : f32
      %broadcast_in_dim3A_604 = vector.broadcast %broadcast_in_dim3A_603 : f32 to vector<16xf32>
      %swap3A_605 = arith.index_cast %scan3A_566 : i32 to index
      %swap3A_606 = arith.constant 80 : index
      %swap3A_607 = tpu.vector_load %arg11[%swap3A_605, %swap3A_606] {strides = array<i32>} : memref<128x128xf32, #tpu.memory_space<vmem>>, vector<1x16xf32>,
      %swap3A_608 = vector.shape_cast %swap3A_607 : vector<1x16xf32> to vector<16xf32>
      %swap3A_609 = vector.shape_cast %broadcast_in_dim3A_604 : vector<16xf32> to vector<1x16xf32>
      tpu.vector_store %arg11[%swap3A_605, %swap3A_606], %swap3A_609 {strides = array<i32>} : memref<128x128xf32, #tpu.memory_space<vmem>>, vector<1x16xf32>,
      %broadcast_in_dim3A_610 = arith.constant 0.000000e+00 : f32
      %broadcast_in_dim3A_611 = vector.broadcast %broadcast_in_dim3A_610 : f32 to vector<16xf32>
      %swap3A_612 = arith.index_cast %scan3A_566 : i32 to index
      %swap3A_613 = arith.constant 96 : index
      %swap3A_614 = tpu.vector_load %arg11[%swap3A_612, %swap3A_613] {strides = array<i32>} : memref<128x128xf32, #tpu.memory_space<vmem>>, vector<1x16xf32>,
      %swap3A_615 = vector.shape_cast %swap3A_614 : vector<1x16xf32> to vector<16xf32>
      %swap3A_616 = vector.shape_cast %broadcast_in_dim3A_611 : vector<16xf32> to vector<1x16xf32>
      tpu.vector_store %arg11[%swap3A_612, %swap3A_613], %swap3A_616 {strides = array<i32>} : memref<128x128xf32, #tpu.memory_space<vmem>>, vector<1x16xf32>,
      %broadcast_in_dim3A_617 = arith.constant 0.000000e+00 : f32
      %broadcast_in_dim3A_618 = vector.broadcast %broadcast_in_dim3A_617 : f32 to vector<16xf32>
      %swap3A_619 = arith.index_cast %scan3A_566 : i32 to index
      %swap3A_620 = arith.constant 112 : index
      %swap3A_621 = tpu.vector_load %arg11[%swap3A_619, %swap3A_620] {strides = array<i32>} : memref<128x128xf32, #tpu.memory_space<vmem>>, vector<1x16xf32>,
      %swap3A_622 = vector.shape_cast %swap3A_621 : vector<1x16xf32> to vector<16xf32>
      %swap3A_623 = vector.shape_cast %broadcast_in_dim3A_618 : vector<16xf32> to vector<1x16xf32>
      tpu.vector_store %arg11[%swap3A_619, %swap3A_620], %swap3A_623 {strides = array<i32>} : memref<128x128xf32, #tpu.memory_space<vmem>>, vector<1x16xf32>,
      %scan3A_624 = arith.constant 0 : i32
      scf.yield %scan3A_624 : i32
    }
    %scan3A_296 = arith.constant 128 : i32
    %broadcast_in_dim3A_297 = arith.constant 0.000000e+00 : f32
    %broadcast_in_dim3A_298 = vector.broadcast %broadcast_in_dim3A_297 : f32 to vector<16xf32>
    %swap3A_299 = arith.constant 0 : index
    %swap3A_300 = tpu.vector_load %arg13[%swap3A_299] {strides = array<i32>} : memref<640xf32, #tpu.memory_space<vmem>>, vector<16xf32>,
    %swap3A_301 = vector.shape_cast %swap3A_300 : vector<16xf32> to vector<16xf32>
    %swap3A_302 = vector.shape_cast %broadcast_in_dim3A_298 : vector<16xf32> to vector<16xf32>
    tpu.vector_store %arg13[%swap3A_299], %swap3A_302 {strides = array<i32>} : memref<640xf32, #tpu.memory_space<vmem>>, vector<16xf32>,
    %broadcast_in_dim3A_303 = arith.constant 0.000000e+00 : f32
    %broadcast_in_dim3A_304 = vector.broadcast %broadcast_in_dim3A_303 : f32 to vector<16xf32>
    %swap3A_305 = arith.constant 16 : index
    %swap3A_306 = tpu.vector_load %arg13[%swap3A_305] {strides = array<i32>} : memref<640xf32, #tpu.memory_space<vmem>>, vector<16xf32>,
    %swap3A_307 = vector.shape_cast %swap3A_306 : vector<16xf32> to vector<16xf32>
    %swap3A_308 = vector.shape_cast %broadcast_in_dim3A_304 : vector<16xf32> to vector<16xf32>
    tpu.vector_store %arg13[%swap3A_305], %swap3A_308 {strides = array<i32>} : memref<640xf32, #tpu.memory_space<vmem>>, vector<16xf32>,
    %broadcast_in_dim3A_309 = arith.constant 0.000000e+00 : f32
    %broadcast_in_dim3A_310 = vector.broadcast %broadcast_in_dim3A_309 : f32 to vector<16xf32>
    %swap3A_311 = arith.constant 32 : index
    %swap3A_312 = tpu.vector_load %arg13[%swap3A_311] {strides = array<i32>} : memref<640xf32, #tpu.memory_space<vmem>>, vector<16xf32>,
    %swap3A_313 = vector.shape_cast %swap3A_312 : vector<16xf32> to vector<16xf32>
    %swap3A_314 = vector.shape_cast %broadcast_in_dim3A_310 : vector<16xf32> to vector<16xf32>
    tpu.vector_store %arg13[%swap3A_311], %swap3A_314 {strides = array<i32>} : memref<640xf32, #tpu.memory_space<vmem>>, vector<16xf32>,
    %broadcast_in_dim3A_315 = arith.constant 0.000000e+00 : f32
    %broadcast_in_dim3A_316 = vector.broadcast %broadcast_in_dim3A_315 : f32 to vector<16xf32>
    %swap3A_317 = arith.constant 48 : index
    %swap3A_318 = tpu.vector_load %arg13[%swap3A_317] {strides = array<i32>} : memref<640xf32, #tpu.memory_space<vmem>>, vector<16xf32>,
    %swap3A_319 = vector.shape_cast %swap3A_318 : vector<16xf32> to vector<16xf32>
    %swap3A_320 = vector.shape_cast %broadcast_in_dim3A_316 : vector<16xf32> to vector<16xf32>
    tpu.vector_store %arg13[%swap3A_317], %swap3A_320 {strides = array<i32>} : memref<640xf32, #tpu.memory_space<vmem>>, vector<16xf32>,
    %broadcast_in_dim3A_321 = arith.constant 0.000000e+00 : f32
    %broadcast_in_dim3A_322 = vector.broadcast %broadcast_in_dim3A_321 : f32 to vector<16xf32>
    %swap3A_323 = arith.constant 64 : index
    %swap3A_324 = tpu.vector_load %arg13[%swap3A_323] {strides = array<i32>} : memref<640xf32, #tpu.memory_space<vmem>>, vector<16xf32>,
    %swap3A_325 = vector.shape_cast %swap3A_324 : vector<16xf32> to vector<16xf32>
    %swap3A_326 = vector.shape_cast %broadcast_in_dim3A_322 : vector<16xf32> to vector<16xf32>
    tpu.vector_store %arg13[%swap3A_323], %swap3A_326 {strides = array<i32>} : memref<640xf32, #tpu.memory_space<vmem>>, vector<16xf32>,
    %broadcast_in_dim3A_327 = arith.constant 0.000000e+00 : f32
    %broadcast_in_dim3A_328 = vector.broadcast %broadcast_in_dim3A_327 : f32 to vector<16xf32>
    %swap3A_329 = arith.constant 80 : index
    %swap3A_330 = tpu.vector_load %arg13[%swap3A_329] {strides = array<i32>} : memref<640xf32, #tpu.memory_space<vmem>>, vector<16xf32>,
    %swap3A_331 = vector.shape_cast %swap3A_330 : vector<16xf32> to vector<16xf32>
    %swap3A_332 = vector.shape_cast %broadcast_in_dim3A_328 : vector<16xf32> to vector<16xf32>
    tpu.vector_store %arg13[%swap3A_329], %swap3A_332 {strides = array<i32>} : memref<640xf32, #tpu.memory_space<vmem>>, vector<16xf32>,
    %broadcast_in_dim3A_333 = arith.constant 0.000000e+00 : f32
    %broadcast_in_dim3A_334 = vector.broadcast %broadcast_in_dim3A_333 : f32 to vector<16xf32>
    %swap3A_335 = arith.constant 96 : index
    %swap3A_336 = tpu.vector_load %arg13[%swap3A_335] {strides = array<i32>} : memref<640xf32, #tpu.memory_space<vmem>>, vector<16xf32>,
    %swap3A_337 = vector.shape_cast %swap3A_336 : vector<16xf32> to vector<16xf32>
    %swap3A_338 = vector.shape_cast %broadcast_in_dim3A_334 : vector<16xf32> to vector<16xf32>
    tpu.vector_store %arg13[%swap3A_335], %swap3A_338 {strides = array<i32>} : memref<640xf32, #tpu.memory_space<vmem>>, vector<16xf32>,
    %broadcast_in_dim3A_339 = arith.constant 0.000000e+00 : f32
    %broadcast_in_dim3A_340 = vector.broadcast %broadcast_in_dim3A_339 : f32 to vector<16xf32>
    %swap3A_341 = arith.constant 112 : index
    %swap3A_342 = tpu.vector_load %arg13[%swap3A_341] {strides = array<i32>} : memref<640xf32, #tpu.memory_space<vmem>>, vector<16xf32>,
    %swap3A_343 = vector.shape_cast %swap3A_342 : vector<16xf32> to vector<16xf32>
    %swap3A_344 = vector.shape_cast %broadcast_in_dim3A_340 : vector<16xf32> to vector<16xf32>
    tpu.vector_store %arg13[%swap3A_341], %swap3A_344 {strides = array<i32>} : memref<640xf32, #tpu.memory_space<vmem>>, vector<16xf32>,
    %broadcast_in_dim3A_345 = arith.constant 0.000000e+00 : f32
    %broadcast_in_dim3A_346 = vector.broadcast %broadcast_in_dim3A_345 : f32 to vector<16xf32>
    %swap3A_347 = arith.constant 128 : index
    %swap3A_348 = tpu.vector_load %arg13[%swap3A_347] {strides = array<i32>} : memref<640xf32, #tpu.memory_space<vmem>>, vector<16xf32>,
    %swap3A_349 = vector.shape_cast %swap3A_348 : vector<16xf32> to vector<16xf32>
    %swap3A_350 = vector.shape_cast %broadcast_in_dim3A_346 : vector<16xf32> to vector<16xf32>
    tpu.vector_store %arg13[%swap3A_347], %swap3A_350 {strides = array<i32>} : memref<640xf32, #tpu.memory_space<vmem>>, vector<16xf32>,
    %broadcast_in_dim3A_351 = arith.constant 0.000000e+00 : f32
    %broadcast_in_dim3A_352 = vector.broadcast %broadcast_in_dim3A_351 : f32 to vector<16xf32>
    %swap3A_353 = arith.constant 144 : index
    %swap3A_354 = tpu.vector_load %arg13[%swap3A_353] {strides = array<i32>} : memref<640xf32, #tpu.memory_space<vmem>>, vector<16xf32>,
    %swap3A_355 = vector.shape_cast %swap3A_354 : vector<16xf32> to vector<16xf32>
    %swap3A_356 = vector.shape_cast %broadcast_in_dim3A_352 : vector<16xf32> to vector<16xf32>
    tpu.vector_store %arg13[%swap3A_353], %swap3A_356 {strides = array<i32>} : memref<640xf32, #tpu.memory_space<vmem>>, vector<16xf32>,
    %broadcast_in_dim3A_357 = arith.constant 0.000000e+00 : f32
    %broadcast_in_dim3A_358 = vector.broadcast %broadcast_in_dim3A_357 : f32 to vector<16xf32>
    %swap3A_359 = arith.constant 160 : index
    %swap3A_360 = tpu.vector_load %arg13[%swap3A_359] {strides = array<i32>} : memref<640xf32, #tpu.memory_space<vmem>>, vector<16xf32>,
    %swap3A_361 = vector.shape_cast %swap3A_360 : vector<16xf32> to vector<16xf32>
    %swap3A_362 = vector.shape_cast %broadcast_in_dim3A_358 : vector<16xf32> to vector<16xf32>
    tpu.vector_store %arg13[%swap3A_359], %swap3A_362 {strides = array<i32>} : memref<640xf32, #tpu.memory_space<vmem>>, vector<16xf32>,
    %broadcast_in_dim3A_363 = arith.constant 0.000000e+00 : f32
    %broadcast_in_dim3A_364 = vector.broadcast %broadcast_in_dim3A_363 : f32 to vector<16xf32>
    %swap3A_365 = arith.constant 176 : index
    %swap3A_366 = tpu.vector_load %arg13[%swap3A_365] {strides = array<i32>} : memref<640xf32, #tpu.memory_space<vmem>>, vector<16xf32>,
    %swap3A_367 = vector.shape_cast %swap3A_366 : vector<16xf32> to vector<16xf32>
    %swap3A_368 = vector.shape_cast %broadcast_in_dim3A_364 : vector<16xf32> to vector<16xf32>
    tpu.vector_store %arg13[%swap3A_365], %swap3A_368 {strides = array<i32>} : memref<640xf32, #tpu.memory_space<vmem>>, vector<16xf32>,
    %broadcast_in_dim3A_369 = arith.constant 0.000000e+00 : f32
    %broadcast_in_dim3A_370 = vector.broadcast %broadcast_in_dim3A_369 : f32 to vector<16xf32>
    %swap3A_371 = arith.constant 192 : index
    %swap3A_372 = tpu.vector_load %arg13[%swap3A_371] {strides = array<i32>} : memref<640xf32, #tpu.memory_space<vmem>>, vector<16xf32>,
    %swap3A_373 = vector.shape_cast %swap3A_372 : vector<16xf32> to vector<16xf32>
    %swap3A_374 = vector.shape_cast %broadcast_in_dim3A_370 : vector<16xf32> to vector<16xf32>
    tpu.vector_store %arg13[%swap3A_371], %swap3A_374 {strides = array<i32>} : memref<640xf32, #tpu.memory_space<vmem>>, vector<16xf32>,
    %broadcast_in_dim3A_375 = arith.constant 0.000000e+00 : f32
    %broadcast_in_dim3A_376 = vector.broadcast %broadcast_in_dim3A_375 : f32 to vector<16xf32>
    %swap3A_377 = arith.constant 208 : index
    %swap3A_378 = tpu.vector_load %arg13[%swap3A_377] {strides = array<i32>} : memref<640xf32, #tpu.memory_space<vmem>>, vector<16xf32>,
    %swap3A_379 = vector.shape_cast %swap3A_378 : vector<16xf32> to vector<16xf32>
    %swap3A_380 = vector.shape_cast %broadcast_in_dim3A_376 : vector<16xf32> to vector<16xf32>
    tpu.vector_store %arg13[%swap3A_377], %swap3A_380 {strides = array<i32>} : memref<640xf32, #tpu.memory_space<vmem>>, vector<16xf32>,
    %broadcast_in_dim3A_381 = arith.constant 0.000000e+00 : f32
    %broadcast_in_dim3A_382 = vector.broadcast %broadcast_in_dim3A_381 : f32 to vector<16xf32>
    %swap3A_383 = arith.constant 224 : index
    %swap3A_384 = tpu.vector_load %arg13[%swap3A_383] {strides = array<i32>} : memref<640xf32, #tpu.memory_space<vmem>>, vector<16xf32>,
    %swap3A_385 = vector.shape_cast %swap3A_384 : vector<16xf32> to vector<16xf32>
    %swap3A_386 = vector.shape_cast %broadcast_in_dim3A_382 : vector<16xf32> to vector<16xf32>
    tpu.vector_store %arg13[%swap3A_383], %swap3A_386 {strides = array<i32>} : memref<640xf32, #tpu.memory_space<vmem>>, vector<16xf32>,
    %broadcast_in_dim3A_387 = arith.constant 0.000000e+00 : f32
    %broadcast_in_dim3A_388 = vector.broadcast %broadcast_in_dim3A_387 : f32 to vector<16xf32>
    %swap3A_389 = arith.constant 240 : index
    %swap3A_390 = tpu.vector_load %arg13[%swap3A_389] {strides = array<i32>} : memref<640xf32, #tpu.memory_space<vmem>>, vector<16xf32>,
    %swap3A_391 = vector.shape_cast %swap3A_390 : vector<16xf32> to vector<16xf32>
    %swap3A_392 = vector.shape_cast %broadcast_in_dim3A_388 : vector<16xf32> to vector<16xf32>
    tpu.vector_store %arg13[%swap3A_389], %swap3A_392 {strides = array<i32>} : memref<640xf32, #tpu.memory_space<vmem>>, vector<16xf32>,
    %broadcast_in_dim3A_393 = arith.constant 0.000000e+00 : f32
    %broadcast_in_dim3A_394 = vector.broadcast %broadcast_in_dim3A_393 : f32 to vector<16xf32>
    %swap3A_395 = arith.constant 256 : index
    %swap3A_396 = tpu.vector_load %arg13[%swap3A_395] {strides = array<i32>} : memref<640xf32, #tpu.memory_space<vmem>>, vector<16xf32>,
    %swap3A_397 = vector.shape_cast %swap3A_396 : vector<16xf32> to vector<16xf32>
    %swap3A_398 = vector.shape_cast %broadcast_in_dim3A_394 : vector<16xf32> to vector<16xf32>
    tpu.vector_store %arg13[%swap3A_395], %swap3A_398 {strides = array<i32>} : memref<640xf32, #tpu.memory_space<vmem>>, vector<16xf32>,
    %broadcast_in_dim3A_399 = arith.constant 0.000000e+00 : f32
    %broadcast_in_dim3A_400 = vector.broadcast %broadcast_in_dim3A_399 : f32 to vector<16xf32>
    %swap3A_401 = arith.constant 272 : index
    %swap3A_402 = tpu.vector_load %arg13[%swap3A_401] {strides = array<i32>} : memref<640xf32, #tpu.memory_space<vmem>>, vector<16xf32>,
    %swap3A_403 = vector.shape_cast %swap3A_402 : vector<16xf32> to vector<16xf32>
    %swap3A_404 = vector.shape_cast %broadcast_in_dim3A_400 : vector<16xf32> to vector<16xf32>
    tpu.vector_store %arg13[%swap3A_401], %swap3A_404 {strides = array<i32>} : memref<640xf32, #tpu.memory_space<vmem>>, vector<16xf32>,
    %broadcast_in_dim3A_405 = arith.constant 0.000000e+00 : f32
    %broadcast_in_dim3A_406 = vector.broadcast %broadcast_in_dim3A_405 : f32 to vector<16xf32>
    %swap3A_407 = arith.constant 288 : index
    %swap3A_408 = tpu.vector_load %arg13[%swap3A_407] {strides = array<i32>} : memref<640xf32, #tpu.memory_space<vmem>>, vector<16xf32>,
    %swap3A_409 = vector.shape_cast %swap3A_408 : vector<16xf32> to vector<16xf32>
    %swap3A_410 = vector.shape_cast %broadcast_in_dim3A_406 : vector<16xf32> to vector<16xf32>
    tpu.vector_store %arg13[%swap3A_407], %swap3A_410 {strides = array<i32>} : memref<640xf32, #tpu.memory_space<vmem>>, vector<16xf32>,
    %broadcast_in_dim3A_411 = arith.constant 0.000000e+00 : f32
    %broadcast_in_dim3A_412 = vector.broadcast %broadcast_in_dim3A_411 : f32 to vector<16xf32>
    %swap3A_413 = arith.constant 304 : index
    %swap3A_414 = tpu.vector_load %arg13[%swap3A_413] {strides = array<i32>} : memref<640xf32, #tpu.memory_space<vmem>>, vector<16xf32>,
    %swap3A_415 = vector.shape_cast %swap3A_414 : vector<16xf32> to vector<16xf32>
    %swap3A_416 = vector.shape_cast %broadcast_in_dim3A_412 : vector<16xf32> to vector<16xf32>
    tpu.vector_store %arg13[%swap3A_413], %swap3A_416 {strides = array<i32>} : memref<640xf32, #tpu.memory_space<vmem>>, vector<16xf32>,
    %broadcast_in_dim3A_417 = arith.constant 0.000000e+00 : f32
    %broadcast_in_dim3A_418 = vector.broadcast %broadcast_in_dim3A_417 : f32 to vector<16xf32>
    %swap3A_419 = arith.constant 320 : index
    %swap3A_420 = tpu.vector_load %arg13[%swap3A_419] {strides = array<i32>} : memref<640xf32, #tpu.memory_space<vmem>>, vector<16xf32>,
    %swap3A_421 = vector.shape_cast %swap3A_420 : vector<16xf32> to vector<16xf32>
    %swap3A_422 = vector.shape_cast %broadcast_in_dim3A_418 : vector<16xf32> to vector<16xf32>
    tpu.vector_store %arg13[%swap3A_419], %swap3A_422 {strides = array<i32>} : memref<640xf32, #tpu.memory_space<vmem>>, vector<16xf32>,
    %broadcast_in_dim3A_423 = arith.constant 0.000000e+00 : f32
    %broadcast_in_dim3A_424 = vector.broadcast %broadcast_in_dim3A_423 : f32 to vector<16xf32>
    %swap3A_425 = arith.constant 336 : index
    %swap3A_426 = tpu.vector_load %arg13[%swap3A_425] {strides = array<i32>} : memref<640xf32, #tpu.memory_space<vmem>>, vector<16xf32>,
    %swap3A_427 = vector.shape_cast %swap3A_426 : vector<16xf32> to vector<16xf32>
    %swap3A_428 = vector.shape_cast %broadcast_in_dim3A_424 : vector<16xf32> to vector<16xf32>
    tpu.vector_store %arg13[%swap3A_425], %swap3A_428 {strides = array<i32>} : memref<640xf32, #tpu.memory_space<vmem>>, vector<16xf32>,
    %broadcast_in_dim3A_429 = arith.constant 0.000000e+00 : f32
    %broadcast_in_dim3A_430 = vector.broadcast %broadcast_in_dim3A_429 : f32 to vector<16xf32>
    %swap3A_431 = arith.constant 352 : index
    %swap3A_432 = tpu.vector_load %arg13[%swap3A_431] {strides = array<i32>} : memref<640xf32, #tpu.memory_space<vmem>>, vector<16xf32>,
    %swap3A_433 = vector.shape_cast %swap3A_432 : vector<16xf32> to vector<16xf32>
    %swap3A_434 = vector.shape_cast %broadcast_in_dim3A_430 : vector<16xf32> to vector<16xf32>
    tpu.vector_store %arg13[%swap3A_431], %swap3A_434 {strides = array<i32>} : memref<640xf32, #tpu.memory_space<vmem>>, vector<16xf32>,
    %broadcast_in_dim3A_435 = arith.constant 0.000000e+00 : f32
    %broadcast_in_dim3A_436 = vector.broadcast %broadcast_in_dim3A_435 : f32 to vector<16xf32>
    %swap3A_437 = arith.constant 368 : index
    %swap3A_438 = tpu.vector_load %arg13[%swap3A_437] {strides = array<i32>} : memref<640xf32, #tpu.memory_space<vmem>>, vector<16xf32>,
    %swap3A_439 = vector.shape_cast %swap3A_438 : vector<16xf32> to vector<16xf32>
    %swap3A_440 = vector.shape_cast %broadcast_in_dim3A_436 : vector<16xf32> to vector<16xf32>
    tpu.vector_store %arg13[%swap3A_437], %swap3A_440 {strides = array<i32>} : memref<640xf32, #tpu.memory_space<vmem>>, vector<16xf32>,
    %broadcast_in_dim3A_441 = arith.constant 0.000000e+00 : f32
    %broadcast_in_dim3A_442 = vector.broadcast %broadcast_in_dim3A_441 : f32 to vector<16xf32>
    %swap3A_443 = arith.constant 384 : index
    %swap3A_444 = tpu.vector_load %arg13[%swap3A_443] {strides = array<i32>} : memref<640xf32, #tpu.memory_space<vmem>>, vector<16xf32>,
    %swap3A_445 = vector.shape_cast %swap3A_444 : vector<16xf32> to vector<16xf32>
    %swap3A_446 = vector.shape_cast %broadcast_in_dim3A_442 : vector<16xf32> to vector<16xf32>
    tpu.vector_store %arg13[%swap3A_443], %swap3A_446 {strides = array<i32>} : memref<640xf32, #tpu.memory_space<vmem>>, vector<16xf32>,
    %broadcast_in_dim3A_447 = arith.constant 0.000000e+00 : f32
    %broadcast_in_dim3A_448 = vector.broadcast %broadcast_in_dim3A_447 : f32 to vector<16xf32>
    %swap3A_449 = arith.constant 400 : index
    %swap3A_450 = tpu.vector_load %arg13[%swap3A_449] {strides = array<i32>} : memref<640xf32, #tpu.memory_space<vmem>>, vector<16xf32>,
    %swap3A_451 = vector.shape_cast %swap3A_450 : vector<16xf32> to vector<16xf32>
    %swap3A_452 = vector.shape_cast %broadcast_in_dim3A_448 : vector<16xf32> to vector<16xf32>
    tpu.vector_store %arg13[%swap3A_449], %swap3A_452 {strides = array<i32>} : memref<640xf32, #tpu.memory_space<vmem>>, vector<16xf32>,
    %broadcast_in_dim3A_453 = arith.constant 0.000000e+00 : f32
    %broadcast_in_dim3A_454 = vector.broadcast %broadcast_in_dim3A_453 : f32 to vector<16xf32>
    %swap3A_455 = arith.constant 416 : index
    %swap3A_456 = tpu.vector_load %arg13[%swap3A_455] {strides = array<i32>} : memref<640xf32, #tpu.memory_space<vmem>>, vector<16xf32>,
    %swap3A_457 = vector.shape_cast %swap3A_456 : vector<16xf32> to vector<16xf32>
    %swap3A_458 = vector.shape_cast %broadcast_in_dim3A_454 : vector<16xf32> to vector<16xf32>
    tpu.vector_store %arg13[%swap3A_455], %swap3A_458 {strides = array<i32>} : memref<640xf32, #tpu.memory_space<vmem>>, vector<16xf32>,
    %broadcast_in_dim3A_459 = arith.constant 0.000000e+00 : f32
    %broadcast_in_dim3A_460 = vector.broadcast %broadcast_in_dim3A_459 : f32 to vector<16xf32>
    %swap3A_461 = arith.constant 432 : index
    %swap3A_462 = tpu.vector_load %arg13[%swap3A_461] {strides = array<i32>} : memref<640xf32, #tpu.memory_space<vmem>>, vector<16xf32>,
    %swap3A_463 = vector.shape_cast %swap3A_462 : vector<16xf32> to vector<16xf32>
    %swap3A_464 = vector.shape_cast %broadcast_in_dim3A_460 : vector<16xf32> to vector<16xf32>
    tpu.vector_store %arg13[%swap3A_461], %swap3A_464 {strides = array<i32>} : memref<640xf32, #tpu.memory_space<vmem>>, vector<16xf32>,
    %broadcast_in_dim3A_465 = arith.constant 0.000000e+00 : f32
    %broadcast_in_dim3A_466 = vector.broadcast %broadcast_in_dim3A_465 : f32 to vector<16xf32>
    %swap3A_467 = arith.constant 448 : index
    %swap3A_468 = tpu.vector_load %arg13[%swap3A_467] {strides = array<i32>} : memref<640xf32, #tpu.memory_space<vmem>>, vector<16xf32>,
    %swap3A_469 = vector.shape_cast %swap3A_468 : vector<16xf32> to vector<16xf32>
    %swap3A_470 = vector.shape_cast %broadcast_in_dim3A_466 : vector<16xf32> to vector<16xf32>
    tpu.vector_store %arg13[%swap3A_467], %swap3A_470 {strides = array<i32>} : memref<640xf32, #tpu.memory_space<vmem>>, vector<16xf32>,
    %broadcast_in_dim3A_471 = arith.constant 0.000000e+00 : f32
    %broadcast_in_dim3A_472 = vector.broadcast %broadcast_in_dim3A_471 : f32 to vector<16xf32>
    %swap3A_473 = arith.constant 464 : index
    %swap3A_474 = tpu.vector_load %arg13[%swap3A_473] {strides = array<i32>} : memref<640xf32, #tpu.memory_space<vmem>>, vector<16xf32>,
    %swap3A_475 = vector.shape_cast %swap3A_474 : vector<16xf32> to vector<16xf32>
    %swap3A_476 = vector.shape_cast %broadcast_in_dim3A_472 : vector<16xf32> to vector<16xf32>
    tpu.vector_store %arg13[%swap3A_473], %swap3A_476 {strides = array<i32>} : memref<640xf32, #tpu.memory_space<vmem>>, vector<16xf32>,
    %broadcast_in_dim3A_477 = arith.constant 0.000000e+00 : f32
    %broadcast_in_dim3A_478 = vector.broadcast %broadcast_in_dim3A_477 : f32 to vector<16xf32>
    %swap3A_479 = arith.constant 480 : index
    %swap3A_480 = tpu.vector_load %arg13[%swap3A_479] {strides = array<i32>} : memref<640xf32, #tpu.memory_space<vmem>>, vector<16xf32>,
    %swap3A_481 = vector.shape_cast %swap3A_480 : vector<16xf32> to vector<16xf32>
    %swap3A_482 = vector.shape_cast %broadcast_in_dim3A_478 : vector<16xf32> to vector<16xf32>
    tpu.vector_store %arg13[%swap3A_479], %swap3A_482 {strides = array<i32>} : memref<640xf32, #tpu.memory_space<vmem>>, vector<16xf32>,
    %broadcast_in_dim3A_483 = arith.constant 0.000000e+00 : f32
    %broadcast_in_dim3A_484 = vector.broadcast %broadcast_in_dim3A_483 : f32 to vector<16xf32>
    %swap3A_485 = arith.constant 496 : index
    %swap3A_486 = tpu.vector_load %arg13[%swap3A_485] {strides = array<i32>} : memref<640xf32, #tpu.memory_space<vmem>>, vector<16xf32>,
    %swap3A_487 = vector.shape_cast %swap3A_486 : vector<16xf32> to vector<16xf32>
    %swap3A_488 = vector.shape_cast %broadcast_in_dim3A_484 : vector<16xf32> to vector<16xf32>
    tpu.vector_store %arg13[%swap3A_485], %swap3A_488 {strides = array<i32>} : memref<640xf32, #tpu.memory_space<vmem>>, vector<16xf32>,
    %broadcast_in_dim3A_489 = arith.constant 0.000000e+00 : f32
    %broadcast_in_dim3A_490 = vector.broadcast %broadcast_in_dim3A_489 : f32 to vector<16xf32>
    %swap3A_491 = arith.constant 512 : index
    %swap3A_492 = tpu.vector_load %arg13[%swap3A_491] {strides = array<i32>} : memref<640xf32, #tpu.memory_space<vmem>>, vector<16xf32>,
    %swap3A_493 = vector.shape_cast %swap3A_492 : vector<16xf32> to vector<16xf32>
    %swap3A_494 = vector.shape_cast %broadcast_in_dim3A_490 : vector<16xf32> to vector<16xf32>
    tpu.vector_store %arg13[%swap3A_491], %swap3A_494 {strides = array<i32>} : memref<640xf32, #tpu.memory_space<vmem>>, vector<16xf32>,
    %broadcast_in_dim3A_495 = arith.constant 0.000000e+00 : f32
    %broadcast_in_dim3A_496 = vector.broadcast %broadcast_in_dim3A_495 : f32 to vector<16xf32>
    %swap3A_497 = arith.constant 528 : index
    %swap3A_498 = tpu.vector_load %arg13[%swap3A_497] {strides = array<i32>} : memref<640xf32, #tpu.memory_space<vmem>>, vector<16xf32>,
    %swap3A_499 = vector.shape_cast %swap3A_498 : vector<16xf32> to vector<16xf32>
    %swap3A_500 = vector.shape_cast %broadcast_in_dim3A_496 : vector<16xf32> to vector<16xf32>
    tpu.vector_store %arg13[%swap3A_497], %swap3A_500 {strides = array<i32>} : memref<640xf32, #tpu.memory_space<vmem>>, vector<16xf32>,
    %broadcast_in_dim3A_501 = arith.constant 0.000000e+00 : f32
    %broadcast_in_dim3A_502 = vector.broadcast %broadcast_in_dim3A_501 : f32 to vector<16xf32>
    %swap3A_503 = arith.constant 544 : index
    %swap3A_504 = tpu.vector_load %arg13[%swap3A_503] {strides = array<i32>} : memref<640xf32, #tpu.memory_space<vmem>>, vector<16xf32>,
    %swap3A_505 = vector.shape_cast %swap3A_504 : vector<16xf32> to vector<16xf32>
    %swap3A_506 = vector.shape_cast %broadcast_in_dim3A_502 : vector<16xf32> to vector<16xf32>
    tpu.vector_store %arg13[%swap3A_503], %swap3A_506 {strides = array<i32>} : memref<640xf32, #tpu.memory_space<vmem>>, vector<16xf32>,
    %broadcast_in_dim3A_507 = arith.constant 0.000000e+00 : f32
    %broadcast_in_dim3A_508 = vector.broadcast %broadcast_in_dim3A_507 : f32 to vector<16xf32>
    %swap3A_509 = arith.constant 560 : index
    %swap3A_510 = tpu.vector_load %arg13[%swap3A_509] {strides = array<i32>} : memref<640xf32, #tpu.memory_space<vmem>>, vector<16xf32>,
    %swap3A_511 = vector.shape_cast %swap3A_510 : vector<16xf32> to vector<16xf32>
    %swap3A_512 = vector.shape_cast %broadcast_in_dim3A_508 : vector<16xf32> to vector<16xf32>
    tpu.vector_store %arg13[%swap3A_509], %swap3A_512 {strides = array<i32>} : memref<640xf32, #tpu.memory_space<vmem>>, vector<16xf32>,
    %broadcast_in_dim3A_513 = arith.constant 0.000000e+00 : f32
    %broadcast_in_dim3A_514 = vector.broadcast %broadcast_in_dim3A_513 : f32 to vector<16xf32>
    %swap3A_515 = arith.constant 576 : index
    %swap3A_516 = tpu.vector_load %arg13[%swap3A_515] {strides = array<i32>} : memref<640xf32, #tpu.memory_space<vmem>>, vector<16xf32>,
    %swap3A_517 = vector.shape_cast %swap3A_516 : vector<16xf32> to vector<16xf32>
    %swap3A_518 = vector.shape_cast %broadcast_in_dim3A_514 : vector<16xf32> to vector<16xf32>
    tpu.vector_store %arg13[%swap3A_515], %swap3A_518 {strides = array<i32>} : memref<640xf32, #tpu.memory_space<vmem>>, vector<16xf32>,
    %broadcast_in_dim3A_519 = arith.constant 0.000000e+00 : f32
    %broadcast_in_dim3A_520 = vector.broadcast %broadcast_in_dim3A_519 : f32 to vector<16xf32>
    %swap3A_521 = arith.constant 592 : index
    %swap3A_522 = tpu.vector_load %arg13[%swap3A_521] {strides = array<i32>} : memref<640xf32, #tpu.memory_space<vmem>>, vector<16xf32>,
    %swap3A_523 = vector.shape_cast %swap3A_522 : vector<16xf32> to vector<16xf32>
    %swap3A_524 = vector.shape_cast %broadcast_in_dim3A_520 : vector<16xf32> to vector<16xf32>
    tpu.vector_store %arg13[%swap3A_521], %swap3A_524 {strides = array<i32>} : memref<640xf32, #tpu.memory_space<vmem>>, vector<16xf32>,
    %broadcast_in_dim3A_525 = arith.constant 0.000000e+00 : f32
    %broadcast_in_dim3A_526 = vector.broadcast %broadcast_in_dim3A_525 : f32 to vector<16xf32>
    %swap3A_527 = arith.constant 608 : index
    %swap3A_528 = tpu.vector_load %arg13[%swap3A_527] {strides = array<i32>} : memref<640xf32, #tpu.memory_space<vmem>>, vector<16xf32>,
    %swap3A_529 = vector.shape_cast %swap3A_528 : vector<16xf32> to vector<16xf32>
    %swap3A_530 = vector.shape_cast %broadcast_in_dim3A_526 : vector<16xf32> to vector<16xf32>
    tpu.vector_store %arg13[%swap3A_527], %swap3A_530 {strides = array<i32>} : memref<640xf32, #tpu.memory_space<vmem>>, vector<16xf32>,
    %broadcast_in_dim3A_531 = arith.constant 0.000000e+00 : f32
    %broadcast_in_dim3A_532 = vector.broadcast %broadcast_in_dim3A_531 : f32 to vector<16xf32>
    %swap3A_533 = arith.constant 624 : index
    %swap3A_534 = tpu.vector_load %arg13[%swap3A_533] {strides = array<i32>} : memref<640xf32, #tpu.memory_space<vmem>>, vector<16xf32>,
    %swap3A_535 = vector.shape_cast %swap3A_534 : vector<16xf32> to vector<16xf32>
    %swap3A_536 = vector.shape_cast %broadcast_in_dim3A_532 : vector<16xf32> to vector<16xf32>
    tpu.vector_store %arg13[%swap3A_533], %swap3A_536 {strides = array<i32>} : memref<640xf32, #tpu.memory_space<vmem>>, vector<16xf32>,
    %mul3A_537 = arith.constant 640 : i32
    %mul3A_538 = arith.muli %arg1, %mul3A_537 : i32
    %add3A_539 = arith.constant 0 : i32
    %add3A_540 = arith.addi %mul3A_538, %add3A_539 : i32
    "tpu.region"() ({
      %run_scoped3A = tpu.sem_alloc : memref<!tpu.dma_semaphore, #tpu.memory_space<semaphore_mem>>
      %dma_start3A_566 = arith.constant 0 : i32
      %dma_start3A_567 = tpu.memref_slice %arg14[%add3A_540, %dma_start3A_566] : memref<10240x128xf32, #tpu.memory_space<vmem_shared>> -> memref<128x128xf32, #tpu.memory_space<vmem_shared>>
      %dma_start3A_568 = arith.constant 0 : i32
      %dma_start3A_569 = tpu.memref_slice %arg14[%add3A_540, %dma_start3A_568] : memref<10240x128xf32, #tpu.memory_space<vmem_shared>> -> memref<128x128xf32, #tpu.memory_space<vmem_shared>>
      tpu.enqueue_dma source(%arg11 : memref<128x128xf32, #tpu.memory_space<vmem>>) target(%dma_start3A_569 : memref<128x128xf32, #tpu.memory_space<vmem_shared>>) target_semaphore(%run_scoped3A : memref<!tpu.dma_semaphore, #tpu.memory_space<semaphore_mem>>)
      %dma_wait3A = arith.constant 0 : i32
      %dma_wait3A_570 = tpu.memref_slice %arg14[%add3A_540, %dma_wait3A] : memref<10240x128xf32, #tpu.memory_space<vmem_shared>> -> memref<128x128xf32, #tpu.memory_space<vmem_shared>>
      %dma_wait3A_571 = arith.constant 0 : i32
      %dma_wait3A_572 = tpu.memref_slice %arg14[%add3A_540, %dma_wait3A_571] : memref<10240x128xf32, #tpu.memory_space<vmem_shared>> -> memref<128x128xf32, #tpu.memory_space<vmem_shared>>
      tpu.wait_dma2 semaphore(%run_scoped3A : memref<!tpu.dma_semaphore, #tpu.memory_space<semaphore_mem>>) src(%arg11 : memref<128x128xf32, #tpu.memory_space<vmem>>) dst(%dma_wait3A_572 : memref<128x128xf32, #tpu.memory_space<vmem_shared>>)
      tpu.yield
    }) : () -> ()
    %mul3A_541 = arith.constant 640 : i32
    %mul3A_542 = arith.muli %arg1, %mul3A_541 : i32
    %add3A_543 = arith.constant 128 : i32
    %add3A_544 = arith.addi %mul3A_542, %add3A_543 : i32
    "tpu.region"() ({
      %run_scoped3A = tpu.sem_alloc : memref<!tpu.dma_semaphore, #tpu.memory_space<semaphore_mem>>
      %dma_start3A_566 = arith.constant 0 : i32
      %dma_start3A_567 = tpu.memref_slice %arg14[%add3A_544, %dma_start3A_566] : memref<10240x128xf32, #tpu.memory_space<vmem_shared>> -> memref<128x128xf32, #tpu.memory_space<vmem_shared>>
      %dma_start3A_568 = arith.constant 0 : i32
      %dma_start3A_569 = tpu.memref_slice %arg14[%add3A_544, %dma_start3A_568] : memref<10240x128xf32, #tpu.memory_space<vmem_shared>> -> memref<128x128xf32, #tpu.memory_space<vmem_shared>>
      tpu.enqueue_dma source(%arg11 : memref<128x128xf32, #tpu.memory_space<vmem>>) target(%dma_start3A_569 : memref<128x128xf32, #tpu.memory_space<vmem_shared>>) target_semaphore(%run_scoped3A : memref<!tpu.dma_semaphore, #tpu.memory_space<semaphore_mem>>)
      %dma_wait3A = arith.constant 0 : i32
      %dma_wait3A_570 = tpu.memref_slice %arg14[%add3A_544, %dma_wait3A] : memref<10240x128xf32, #tpu.memory_space<vmem_shared>> -> memref<128x128xf32, #tpu.memory_space<vmem_shared>>
      %dma_wait3A_571 = arith.constant 0 : i32
      %dma_wait3A_572 = tpu.memref_slice %arg14[%add3A_544, %dma_wait3A_571] : memref<10240x128xf32, #tpu.memory_space<vmem_shared>> -> memref<128x128xf32, #tpu.memory_space<vmem_shared>>
      tpu.wait_dma2 semaphore(%run_scoped3A : memref<!tpu.dma_semaphore, #tpu.memory_space<semaphore_mem>>) src(%arg11 : memref<128x128xf32, #tpu.memory_space<vmem>>) dst(%dma_wait3A_572 : memref<128x128xf32, #tpu.memory_space<vmem_shared>>)
      tpu.yield
    }) : () -> ()
    %mul3A_545 = arith.constant 640 : i32
    %mul3A_546 = arith.muli %arg1, %mul3A_545 : i32
    %add3A_547 = arith.constant 256 : i32
    %add3A_548 = arith.addi %mul3A_546, %add3A_547 : i32
    "tpu.region"() ({
      %run_scoped3A = tpu.sem_alloc : memref<!tpu.dma_semaphore, #tpu.memory_space<semaphore_mem>>
      %dma_start3A_566 = arith.constant 0 : i32
      %dma_start3A_567 = tpu.memref_slice %arg14[%add3A_548, %dma_start3A_566] : memref<10240x128xf32, #tpu.memory_space<vmem_shared>> -> memref<128x128xf32, #tpu.memory_space<vmem_shared>>
      %dma_start3A_568 = arith.constant 0 : i32
      %dma_start3A_569 = tpu.memref_slice %arg14[%add3A_548, %dma_start3A_568] : memref<10240x128xf32, #tpu.memory_space<vmem_shared>> -> memref<128x128xf32, #tpu.memory_space<vmem_shared>>
      tpu.enqueue_dma source(%arg11 : memref<128x128xf32, #tpu.memory_space<vmem>>) target(%dma_start3A_569 : memref<128x128xf32, #tpu.memory_space<vmem_shared>>) target_semaphore(%run_scoped3A : memref<!tpu.dma_semaphore, #tpu.memory_space<semaphore_mem>>)
      %dma_wait3A = arith.constant 0 : i32
      %dma_wait3A_570 = tpu.memref_slice %arg14[%add3A_548, %dma_wait3A] : memref<10240x128xf32, #tpu.memory_space<vmem_shared>> -> memref<128x128xf32, #tpu.memory_space<vmem_shared>>
      %dma_wait3A_571 = arith.constant 0 : i32
      %dma_wait3A_572 = tpu.memref_slice %arg14[%add3A_548, %dma_wait3A_571] : memref<10240x128xf32, #tpu.memory_space<vmem_shared>> -> memref<128x128xf32, #tpu.memory_space<vmem_shared>>
      tpu.wait_dma2 semaphore(%run_scoped3A : memref<!tpu.dma_semaphore, #tpu.memory_space<semaphore_mem>>) src(%arg11 : memref<128x128xf32, #tpu.memory_space<vmem>>) dst(%dma_wait3A_572 : memref<128x128xf32, #tpu.memory_space<vmem_shared>>)
      tpu.yield
    }) : () -> ()
    %mul3A_549 = arith.constant 640 : i32
    %mul3A_550 = arith.muli %arg1, %mul3A_549 : i32
    %add3A_551 = arith.constant 384 : i32
    %add3A_552 = arith.addi %mul3A_550, %add3A_551 : i32
    "tpu.region"() ({
      %run_scoped3A = tpu.sem_alloc : memref<!tpu.dma_semaphore, #tpu.memory_space<semaphore_mem>>
      %dma_start3A_566 = arith.constant 0 : i32
      %dma_start3A_567 = tpu.memref_slice %arg14[%add3A_552, %dma_start3A_566] : memref<10240x128xf32, #tpu.memory_space<vmem_shared>> -> memref<128x128xf32, #tpu.memory_space<vmem_shared>>
      %dma_start3A_568 = arith.constant 0 : i32
      %dma_start3A_569 = tpu.memref_slice %arg14[%add3A_552, %dma_start3A_568] : memref<10240x128xf32, #tpu.memory_space<vmem_shared>> -> memref<128x128xf32, #tpu.memory_space<vmem_shared>>
      tpu.enqueue_dma source(%arg11 : memref<128x128xf32, #tpu.memory_space<vmem>>) target(%dma_start3A_569 : memref<128x128xf32, #tpu.memory_space<vmem_shared>>) target_semaphore(%run_scoped3A : memref<!tpu.dma_semaphore, #tpu.memory_space<semaphore_mem>>)
      %dma_wait3A = arith.constant 0 : i32
      %dma_wait3A_570 = tpu.memref_slice %arg14[%add3A_552, %dma_wait3A] : memref<10240x128xf32, #tpu.memory_space<vmem_shared>> -> memref<128x128xf32, #tpu.memory_space<vmem_shared>>
      %dma_wait3A_571 = arith.constant 0 : i32
      %dma_wait3A_572 = tpu.memref_slice %arg14[%add3A_552, %dma_wait3A_571] : memref<10240x128xf32, #tpu.memory_space<vmem_shared>> -> memref<128x128xf32, #tpu.memory_space<vmem_shared>>
      tpu.wait_dma2 semaphore(%run_scoped3A : memref<!tpu.dma_semaphore, #tpu.memory_space<semaphore_mem>>) src(%arg11 : memref<128x128xf32, #tpu.memory_space<vmem>>) dst(%dma_wait3A_572 : memref<128x128xf32, #tpu.memory_space<vmem_shared>>)
      tpu.yield
    }) : () -> ()
    %mul3A_553 = arith.constant 640 : i32
    %mul3A_554 = arith.muli %arg1, %mul3A_553 : i32
    %add3A_555 = arith.constant 512 : i32
    %add3A_556 = arith.addi %mul3A_554, %add3A_555 : i32
    "tpu.region"() ({
      %run_scoped3A = tpu.sem_alloc : memref<!tpu.dma_semaphore, #tpu.memory_space<semaphore_mem>>
      %dma_start3A_566 = arith.constant 0 : i32
      %dma_start3A_567 = tpu.memref_slice %arg14[%add3A_556, %dma_start3A_566] : memref<10240x128xf32, #tpu.memory_space<vmem_shared>> -> memref<128x128xf32, #tpu.memory_space<vmem_shared>>
      %dma_start3A_568 = arith.constant 0 : i32
      %dma_start3A_569 = tpu.memref_slice %arg14[%add3A_556, %dma_start3A_568] : memref<10240x128xf32, #tpu.memory_space<vmem_shared>> -> memref<128x128xf32, #tpu.memory_space<vmem_shared>>
      tpu.enqueue_dma source(%arg11 : memref<128x128xf32, #tpu.memory_space<vmem>>) target(%dma_start3A_569 : memref<128x128xf32, #tpu.memory_space<vmem_shared>>) target_semaphore(%run_scoped3A : memref<!tpu.dma_semaphore, #tpu.memory_space<semaphore_mem>>)
      %dma_wait3A = arith.constant 0 : i32
      %dma_wait3A_570 = tpu.memref_slice %arg14[%add3A_556, %dma_wait3A] : memref<10240x128xf32, #tpu.memory_space<vmem_shared>> -> memref<128x128xf32, #tpu.memory_space<vmem_shared>>
      %dma_wait3A_571 = arith.constant 0 : i32
      %dma_wait3A_572 = tpu.memref_slice %arg14[%add3A_556, %dma_wait3A_571] : memref<10240x128xf32, #tpu.memory_space<vmem_shared>> -> memref<128x128xf32, #tpu.memory_space<vmem_shared>>
      tpu.wait_dma2 semaphore(%run_scoped3A : memref<!tpu.dma_semaphore, #tpu.memory_space<semaphore_mem>>) src(%arg11 : memref<128x128xf32, #tpu.memory_space<vmem>>) dst(%dma_wait3A_572 : memref<128x128xf32, #tpu.memory_space<vmem_shared>>)
      tpu.yield
    }) : () -> ()
    %barrier3A_557 = arith.constant 0 : index
    tpu.barrier barrier_id(%barrier3A_557)
    %scan3A_558 = arith.constant 0 : i32
    %scan3A_559 = arith.constant 0 : i32
    %scan3A_560 = arith.constant 80 : i32
    %scan3A_561 = arith.addi %scan3A_559, %scan3A_560 : i32
    %scan3A_562 = arith.constant 1 : i32
    %scan3A_563 = scf.for %scan3A_566 = %scan3A_559 to %scan3A_561 step %scan3A_562 iter_args(%scan3A_567 = %scan3A_558) -> (i32)  : i32 {
      %dma_start3A_568 = arith.constant 0 : i32
      %dma_start3A_569 = tpu.memref_slice %arg9[%scan3A_566, %dma_start3A_568] : memref<80x128xi32, #tpu.memory_space<vmem>> -> memref<1x128xi32, #tpu.memory_space<vmem>>
      %dma_start3A_570 = tpu.memref_squeeze %dma_start3A_569 : memref<1x128xi32, #tpu.memory_space<vmem>> -> memref<128xi32, #tpu.memory_space<vmem>>
      %dma_start3A_571 = arith.constant 0 : i32
      %dma_start3A_572 = arith.constant 0 : i32
      %dma_start3A_573 = tpu.memref_slice %arg4[%dma_start3A_571, %dma_start3A_572] : memref<10240x128xf32, #tpu.memory_space<hbm>> -> memref<10240x128xf32, #tpu.memory_space<hbm>>
      tpu.enqueue_indirect_dma source(%dma_start3A_573 : memref<10240x128xf32, #tpu.memory_space<hbm>>) target(%arg11 : memref<128x128xf32, #tpu.memory_space<vmem>>) offsets(%dma_start3A_570 : memref<128xi32, #tpu.memory_space<vmem>>) semaphore(%arg16 : memref<!tpu.dma_semaphore, #tpu.memory_space<semaphore_mem>>)
      %dma_wait3A = arith.constant 0 : i32
      %dma_wait3A_574 = tpu.memref_slice %arg9[%scan3A_566, %dma_wait3A] : memref<80x128xi32, #tpu.memory_space<vmem>> -> memref<1x128xi32, #tpu.memory_space<vmem>>
      %dma_wait3A_575 = tpu.memref_squeeze %dma_wait3A_574 : memref<1x128xi32, #tpu.memory_space<vmem>> -> memref<128xi32, #tpu.memory_space<vmem>>
      %dma_wait3A_576 = arith.constant 0 : i32
      %dma_wait3A_577 = arith.constant 0 : i32
      %dma_wait3A_578 = tpu.memref_slice %arg4[%dma_wait3A_576, %dma_wait3A_577] : memref<10240x128xf32, #tpu.memory_space<hbm>> -> memref<10240x128xf32, #tpu.memory_space<hbm>>
      tpu.wait_indirect_dma semaphore(%arg16 : memref<!tpu.dma_semaphore, #tpu.memory_space<semaphore_mem>>) src(%dma_wait3A_578 : memref<10240x128xf32, #tpu.memory_space<hbm>>) dst(%arg11 : memref<128x128xf32, #tpu.memory_space<vmem>>)
      "tpu.region"() ({
        %run_scoped3A = tpu.sem_alloc : memref<!tpu.dma_semaphore, #tpu.memory_space<semaphore_mem>>
        %dma_start3A_580 = arith.constant 0 : i32
        %dma_start3A_581 = tpu.memref_slice %arg10[%scan3A_566, %dma_start3A_580] : memref<80x128xi32, #tpu.memory_space<vmem>> -> memref<1x128xi32, #tpu.memory_space<vmem>>
        %dma_start3A_582 = tpu.memref_squeeze %dma_start3A_581 : memref<1x128xi32, #tpu.memory_space<vmem>> -> memref<128xi32, #tpu.memory_space<vmem>>
        %dma_start3A_583 = arith.constant 0 : i32
        %dma_start3A_584 = arith.constant 0 : i32
        %dma_start3A_585 = tpu.memref_slice %arg14[%dma_start3A_583, %dma_start3A_584] : memref<10240x128xf32, #tpu.memory_space<vmem_shared>> -> memref<10240x128xf32, #tpu.memory_space<vmem_shared>>
        tpu.enqueue_indirect_dma source(%arg11 : memref<128x128xf32, #tpu.memory_space<vmem>>) target(%dma_start3A_585 : memref<10240x128xf32, #tpu.memory_space<vmem_shared>>) offsets(%dma_start3A_582 : memref<128xi32, #tpu.memory_space<vmem>>) semaphore(%run_scoped3A : memref<!tpu.dma_semaphore, #tpu.memory_space<semaphore_mem>>) {add = true}
        %dma_wait3A_586 = arith.constant 0 : i32
        %dma_wait3A_587 = tpu.memref_slice %arg10[%scan3A_566, %dma_wait3A_586] : memref<80x128xi32, #tpu.memory_space<vmem>> -> memref<1x128xi32, #tpu.memory_space<vmem>>
        %dma_wait3A_588 = tpu.memref_squeeze %dma_wait3A_587 : memref<1x128xi32, #tpu.memory_space<vmem>> -> memref<128xi32, #tpu.memory_space<vmem>>
        %dma_wait3A_589 = arith.constant 0 : i32
        %dma_wait3A_590 = arith.constant 0 : i32
        %dma_wait3A_591 = tpu.memref_slice %arg14[%dma_wait3A_589, %dma_wait3A_590] : memref<10240x128xf32, #tpu.memory_space<vmem_shared>> -> memref<10240x128xf32, #tpu.memory_space<vmem_shared>>
        tpu.wait_indirect_dma semaphore(%run_scoped3A : memref<!tpu.dma_semaphore, #tpu.memory_space<semaphore_mem>>) src(%arg11 : memref<128x128xf32, #tpu.memory_space<vmem>>) dst(%dma_wait3A_591 : memref<10240x128xf32, #tpu.memory_space<vmem_shared>>)
        tpu.yield
      }) : () -> ()
      %scan3A_579 = arith.constant 0 : i32
      scf.yield %scan3A_579 : i32
    }
    %scan3A_564 = arith.constant 80 : i32
    %barrier3A_565 = arith.constant 0 : index
    tpu.barrier barrier_id(%barrier3A_565)
    "tpu.region"() ({
      %run_scoped3A = tpu.sem_alloc : memref<!tpu.dma_semaphore, #tpu.memory_space<semaphore_mem>>
      %dma_start3A_566 = arith.constant 0 : i32
      %dma_start3A_567 = arith.constant 0 : i32
      %dma_start3A_568 = tpu.memref_slice %arg7[%arg0, %dma_start3A_566, %dma_start3A_567] : memref<2x10240x128xf32, #tpu.memory_space<hbm>> -> memref<1x10240x128xf32, #tpu.memory_space<hbm>>
      %dma_start3A_569 = tpu.memref_squeeze %dma_start3A_568 : memref<1x10240x128xf32, #tpu.memory_space<hbm>> -> memref<10240x128xf32, #tpu.memory_space<hbm>>
      %dma_start3A_570 = arith.constant 0 : i32
      %dma_start3A_571 = tpu.memref_slice %dma_start3A_569[%mul3A_2, %dma_start3A_570] : memref<10240x128xf32, #tpu.memory_space<hbm>> -> memref<640x128xf32, #tpu.memory_space<hbm>>
      %dma_start3A_572 = arith.constant 0 : i32
      %dma_start3A_573 = tpu.memref_slice %arg14[%mul3A_2, %dma_start3A_572] : memref<10240x128xf32, #tpu.memory_space<vmem_shared>> -> memref<640x128xf32, #tpu.memory_space<vmem_shared>>
      tpu.enqueue_dma source(%dma_start3A_573 : memref<640x128xf32, #tpu.memory_space<vmem_shared>>) target(%dma_start3A_571 : memref<640x128xf32, #tpu.memory_space<hbm>>) target_semaphore(%run_scoped3A : memref<!tpu.dma_semaphore, #tpu.memory_space<semaphore_mem>>)
      %dma_wait3A = arith.constant 0 : i32
      %dma_wait3A_574 = arith.constant 0 : i32
      %dma_wait3A_575 = tpu.memref_slice %arg7[%arg0, %dma_wait3A, %dma_wait3A_574] : memref<2x10240x128xf32, #tpu.memory_space<hbm>> -> memref<1x10240x128xf32, #tpu.memory_space<hbm>>
      %dma_wait3A_576 = tpu.memref_squeeze %dma_wait3A_575 : memref<1x10240x128xf32, #tpu.memory_space<hbm>> -> memref<10240x128xf32, #tpu.memory_space<hbm>>
      %dma_wait3A_577 = arith.constant 0 : i32
      %dma_wait3A_578 = tpu.memref_slice %dma_wait3A_576[%mul3A_2, %dma_wait3A_577] : memref<10240x128xf32, #tpu.memory_space<hbm>> -> memref<640x128xf32, #tpu.memory_space<hbm>>
      %dma_wait3A_579 = arith.constant 0 : i32
      %dma_wait3A_580 = tpu.memref_slice %arg14[%mul3A_2, %dma_wait3A_579] : memref<10240x128xf32, #tpu.memory_space<vmem_shared>> -> memref<640x128xf32, #tpu.memory_space<vmem_shared>>
      tpu.wait_dma2 semaphore(%run_scoped3A : memref<!tpu.dma_semaphore, #tpu.memory_space<semaphore_mem>>) src(%dma_wait3A_580 : memref<640x128xf32, #tpu.memory_space<vmem_shared>>) dst(%dma_wait3A_578 : memref<640x128xf32, #tpu.memory_space<hbm>>)
      tpu.yield
    }) : () -> ()
    return
  }
}

#map = affine_map<(d0, d1) -> (0, 0, 0)>
#map1 = affine_map<(d0, d1) -> (0, 0)>
module attributes {stable_mosaic.version = 14 : i64} {
  func.func @k(%arg0: i32, %arg1: i32, %arg2: memref<32x80x128xi32, #tpu.memory_space<hbm>>, %arg3: memref<10240x128xf32, #tpu.memory_space<hbm>>, %arg4: memref<2x10240x128xf32, #tpu.memory_space<hbm>>, %arg5: memref<2x10240xf32, #tpu.memory_space<hbm>>, %arg6: memref<2x10240xf32, #tpu.memory_space<hbm>>, %arg7: memref<80x128xi32, #tpu.memory_space<vmem>>, %arg8: memref<80x128xi32, #tpu.memory_space<vmem>>, %arg9: memref<128x128xf32, #tpu.memory_space<vmem>>, %arg10: memref<128xf32, #tpu.memory_space<vmem>>, %arg11: memref<640xf32, #tpu.memory_space<vmem>>, %arg12: memref<10240x128xf32, #tpu.memory_space<vmem_shared>>, %arg13: memref<10240xf32, #tpu.memory_space<vmem_shared>>, %arg14: memref<10240xf32, #tpu.memory_space<vmem_shared>>, %arg15: memref<!tpu.dma_semaphore, #tpu.memory_space<semaphore_mem>>) attributes {dimension_semantics = [#tpu.dimension_semantics<core_parallel>, #tpu.dimension_semantics<subcore_parallel>], iteration_bounds = array<i64: 2, 16>, scalar_prefetch = 0 : i64, scratch_operands = 9 : i64, tpu.core_type = #tpu.core_type<sc_vector_subcore>, window_params = [{transform_indices = #map}, {transform_indices = #map1}, {transform_indices = #map}, {transform_indices = #map1}, {transform_indices = #map1}]} {
    %mul3A = arith.constant 16 : i32
    %mul3A_0 = arith.muli %arg0, %mul3A : i32
    %add3A = arith.addi %mul3A_0, %arg1 : i32
    %scan3A = arith.constant 0 : i32
    %scan3A_1 = arith.constant 0 : i32
    %scan3A_2 = arith.constant 128 : i32
    %scan3A_3 = arith.addi %scan3A_1, %scan3A_2 : i32
    %scan3A_4 = arith.constant 1 : i32
    %scan3A_5 = scf.for %scan3A_340 = %scan3A_1 to %scan3A_3 step %scan3A_4 iter_args(%scan3A_341 = %scan3A) -> (i32)  : i32 {
      %broadcast_in_dim3A_342 = arith.constant 0.000000e+00 : f32
      %broadcast_in_dim3A_343 = vector.broadcast %broadcast_in_dim3A_342 : f32 to vector<16xf32>
      %swap3A_344 = arith.index_cast %scan3A_340 : i32 to index
      %swap3A_345 = arith.constant 0 : index
      %swap3A_346 = tpu.vector_load %arg9[%swap3A_344, %swap3A_345] {strides = array<i32>} : memref<128x128xf32, #tpu.memory_space<vmem>>, vector<1x16xf32>,
      %swap3A_347 = vector.shape_cast %swap3A_346 : vector<1x16xf32> to vector<16xf32>
      %swap3A_348 = vector.shape_cast %broadcast_in_dim3A_343 : vector<16xf32> to vector<1x16xf32>
      tpu.vector_store %arg9[%swap3A_344, %swap3A_345], %swap3A_348 {strides = array<i32>} : memref<128x128xf32, #tpu.memory_space<vmem>>, vector<1x16xf32>,
      %broadcast_in_dim3A_349 = arith.constant 0.000000e+00 : f32
      %broadcast_in_dim3A_350 = vector.broadcast %broadcast_in_dim3A_349 : f32 to vector<16xf32>
      %swap3A_351 = arith.index_cast %scan3A_340 : i32 to index
      %swap3A_352 = arith.constant 16 : index
      %swap3A_353 = tpu.vector_load %arg9[%swap3A_351, %swap3A_352] {strides = array<i32>} : memref<128x128xf32, #tpu.memory_space<vmem>>, vector<1x16xf32>,
      %swap3A_354 = vector.shape_cast %swap3A_353 : vector<1x16xf32> to vector<16xf32>
      %swap3A_355 = vector.shape_cast %broadcast_in_dim3A_350 : vector<16xf32> to vector<1x16xf32>
      tpu.vector_store %arg9[%swap3A_351, %swap3A_352], %swap3A_355 {strides = array<i32>} : memref<128x128xf32, #tpu.memory_space<vmem>>, vector<1x16xf32>,
      %broadcast_in_dim3A_356 = arith.constant 0.000000e+00 : f32
      %broadcast_in_dim3A_357 = vector.broadcast %broadcast_in_dim3A_356 : f32 to vector<16xf32>
      %swap3A_358 = arith.index_cast %scan3A_340 : i32 to index
      %swap3A_359 = arith.constant 32 : index
      %swap3A_360 = tpu.vector_load %arg9[%swap3A_358, %swap3A_359] {strides = array<i32>} : memref<128x128xf32, #tpu.memory_space<vmem>>, vector<1x16xf32>,
      %swap3A_361 = vector.shape_cast %swap3A_360 : vector<1x16xf32> to vector<16xf32>
      %swap3A_362 = vector.shape_cast %broadcast_in_dim3A_357 : vector<16xf32> to vector<1x16xf32>
      tpu.vector_store %arg9[%swap3A_358, %swap3A_359], %swap3A_362 {strides = array<i32>} : memref<128x128xf32, #tpu.memory_space<vmem>>, vector<1x16xf32>,
      %broadcast_in_dim3A_363 = arith.constant 0.000000e+00 : f32
      %broadcast_in_dim3A_364 = vector.broadcast %broadcast_in_dim3A_363 : f32 to vector<16xf32>
      %swap3A_365 = arith.index_cast %scan3A_340 : i32 to index
      %swap3A_366 = arith.constant 48 : index
      %swap3A_367 = tpu.vector_load %arg9[%swap3A_365, %swap3A_366] {strides = array<i32>} : memref<128x128xf32, #tpu.memory_space<vmem>>, vector<1x16xf32>,
      %swap3A_368 = vector.shape_cast %swap3A_367 : vector<1x16xf32> to vector<16xf32>
      %swap3A_369 = vector.shape_cast %broadcast_in_dim3A_364 : vector<16xf32> to vector<1x16xf32>
      tpu.vector_store %arg9[%swap3A_365, %swap3A_366], %swap3A_369 {strides = array<i32>} : memref<128x128xf32, #tpu.memory_space<vmem>>, vector<1x16xf32>,
      %broadcast_in_dim3A_370 = arith.constant 0.000000e+00 : f32
      %broadcast_in_dim3A_371 = vector.broadcast %broadcast_in_dim3A_370 : f32 to vector<16xf32>
      %swap3A_372 = arith.index_cast %scan3A_340 : i32 to index
      %swap3A_373 = arith.constant 64 : index
      %swap3A_374 = tpu.vector_load %arg9[%swap3A_372, %swap3A_373] {strides = array<i32>} : memref<128x128xf32, #tpu.memory_space<vmem>>, vector<1x16xf32>,
      %swap3A_375 = vector.shape_cast %swap3A_374 : vector<1x16xf32> to vector<16xf32>
      %swap3A_376 = vector.shape_cast %broadcast_in_dim3A_371 : vector<16xf32> to vector<1x16xf32>
      tpu.vector_store %arg9[%swap3A_372, %swap3A_373], %swap3A_376 {strides = array<i32>} : memref<128x128xf32, #tpu.memory_space<vmem>>, vector<1x16xf32>,
      %broadcast_in_dim3A_377 = arith.constant 0.000000e+00 : f32
      %broadcast_in_dim3A_378 = vector.broadcast %broadcast_in_dim3A_377 : f32 to vector<16xf32>
      %swap3A_379 = arith.index_cast %scan3A_340 : i32 to index
      %swap3A_380 = arith.constant 80 : index
      %swap3A_381 = tpu.vector_load %arg9[%swap3A_379, %swap3A_380] {strides = array<i32>} : memref<128x128xf32, #tpu.memory_space<vmem>>, vector<1x16xf32>,
      %swap3A_382 = vector.shape_cast %swap3A_381 : vector<1x16xf32> to vector<16xf32>
      %swap3A_383 = vector.shape_cast %broadcast_in_dim3A_378 : vector<16xf32> to vector<1x16xf32>
      tpu.vector_store %arg9[%swap3A_379, %swap3A_380], %swap3A_383 {strides = array<i32>} : memref<128x128xf32, #tpu.memory_space<vmem>>, vector<1x16xf32>,
      %broadcast_in_dim3A_384 = arith.constant 0.000000e+00 : f32
      %broadcast_in_dim3A_385 = vector.broadcast %broadcast_in_dim3A_384 : f32 to vector<16xf32>
      %swap3A_386 = arith.index_cast %scan3A_340 : i32 to index
      %swap3A_387 = arith.constant 96 : index
      %swap3A_388 = tpu.vector_load %arg9[%swap3A_386, %swap3A_387] {strides = array<i32>} : memref<128x128xf32, #tpu.memory_space<vmem>>, vector<1x16xf32>,
      %swap3A_389 = vector.shape_cast %swap3A_388 : vector<1x16xf32> to vector<16xf32>
      %swap3A_390 = vector.shape_cast %broadcast_in_dim3A_385 : vector<16xf32> to vector<1x16xf32>
      tpu.vector_store %arg9[%swap3A_386, %swap3A_387], %swap3A_390 {strides = array<i32>} : memref<128x128xf32, #tpu.memory_space<vmem>>, vector<1x16xf32>,
      %broadcast_in_dim3A_391 = arith.constant 0.000000e+00 : f32
      %broadcast_in_dim3A_392 = vector.broadcast %broadcast_in_dim3A_391 : f32 to vector<16xf32>
      %swap3A_393 = arith.index_cast %scan3A_340 : i32 to index
      %swap3A_394 = arith.constant 112 : index
      %swap3A_395 = tpu.vector_load %arg9[%swap3A_393, %swap3A_394] {strides = array<i32>} : memref<128x128xf32, #tpu.memory_space<vmem>>, vector<1x16xf32>,
      %swap3A_396 = vector.shape_cast %swap3A_395 : vector<1x16xf32> to vector<16xf32>
      %swap3A_397 = vector.shape_cast %broadcast_in_dim3A_392 : vector<16xf32> to vector<1x16xf32>
      tpu.vector_store %arg9[%swap3A_393, %swap3A_394], %swap3A_397 {strides = array<i32>} : memref<128x128xf32, #tpu.memory_space<vmem>>, vector<1x16xf32>,
      %scan3A_398 = arith.constant 0 : i32
      scf.yield %scan3A_398 : i32
    }
    %scan3A_6 = arith.constant 128 : i32
    %broadcast_in_dim3A = arith.constant 0.000000e+00 : f32
    %broadcast_in_dim3A_7 = vector.broadcast %broadcast_in_dim3A : f32 to vector<16xf32>
    %swap3A = arith.constant 0 : index
    %swap3A_8 = tpu.vector_load %arg11[%swap3A] {strides = array<i32>} : memref<640xf32, #tpu.memory_space<vmem>>, vector<16xf32>,
    %swap3A_9 = vector.shape_cast %swap3A_8 : vector<16xf32> to vector<16xf32>
    %swap3A_10 = vector.shape_cast %broadcast_in_dim3A_7 : vector<16xf32> to vector<16xf32>
    tpu.vector_store %arg11[%swap3A], %swap3A_10 {strides = array<i32>} : memref<640xf32, #tpu.memory_space<vmem>>, vector<16xf32>,
    %broadcast_in_dim3A_11 = arith.constant 0.000000e+00 : f32
    %broadcast_in_dim3A_12 = vector.broadcast %broadcast_in_dim3A_11 : f32 to vector<16xf32>
    %swap3A_13 = arith.constant 16 : index
    %swap3A_14 = tpu.vector_load %arg11[%swap3A_13] {strides = array<i32>} : memref<640xf32, #tpu.memory_space<vmem>>, vector<16xf32>,
    %swap3A_15 = vector.shape_cast %swap3A_14 : vector<16xf32> to vector<16xf32>
    %swap3A_16 = vector.shape_cast %broadcast_in_dim3A_12 : vector<16xf32> to vector<16xf32>
    tpu.vector_store %arg11[%swap3A_13], %swap3A_16 {strides = array<i32>} : memref<640xf32, #tpu.memory_space<vmem>>, vector<16xf32>,
    %broadcast_in_dim3A_17 = arith.constant 0.000000e+00 : f32
    %broadcast_in_dim3A_18 = vector.broadcast %broadcast_in_dim3A_17 : f32 to vector<16xf32>
    %swap3A_19 = arith.constant 32 : index
    %swap3A_20 = tpu.vector_load %arg11[%swap3A_19] {strides = array<i32>} : memref<640xf32, #tpu.memory_space<vmem>>, vector<16xf32>,
    %swap3A_21 = vector.shape_cast %swap3A_20 : vector<16xf32> to vector<16xf32>
    %swap3A_22 = vector.shape_cast %broadcast_in_dim3A_18 : vector<16xf32> to vector<16xf32>
    tpu.vector_store %arg11[%swap3A_19], %swap3A_22 {strides = array<i32>} : memref<640xf32, #tpu.memory_space<vmem>>, vector<16xf32>,
    %broadcast_in_dim3A_23 = arith.constant 0.000000e+00 : f32
    %broadcast_in_dim3A_24 = vector.broadcast %broadcast_in_dim3A_23 : f32 to vector<16xf32>
    %swap3A_25 = arith.constant 48 : index
    %swap3A_26 = tpu.vector_load %arg11[%swap3A_25] {strides = array<i32>} : memref<640xf32, #tpu.memory_space<vmem>>, vector<16xf32>,
    %swap3A_27 = vector.shape_cast %swap3A_26 : vector<16xf32> to vector<16xf32>
    %swap3A_28 = vector.shape_cast %broadcast_in_dim3A_24 : vector<16xf32> to vector<16xf32>
    tpu.vector_store %arg11[%swap3A_25], %swap3A_28 {strides = array<i32>} : memref<640xf32, #tpu.memory_space<vmem>>, vector<16xf32>,
    %broadcast_in_dim3A_29 = arith.constant 0.000000e+00 : f32
    %broadcast_in_dim3A_30 = vector.broadcast %broadcast_in_dim3A_29 : f32 to vector<16xf32>
    %swap3A_31 = arith.constant 64 : index
    %swap3A_32 = tpu.vector_load %arg11[%swap3A_31] {strides = array<i32>} : memref<640xf32, #tpu.memory_space<vmem>>, vector<16xf32>,
    %swap3A_33 = vector.shape_cast %swap3A_32 : vector<16xf32> to vector<16xf32>
    %swap3A_34 = vector.shape_cast %broadcast_in_dim3A_30 : vector<16xf32> to vector<16xf32>
    tpu.vector_store %arg11[%swap3A_31], %swap3A_34 {strides = array<i32>} : memref<640xf32, #tpu.memory_space<vmem>>, vector<16xf32>,
    %broadcast_in_dim3A_35 = arith.constant 0.000000e+00 : f32
    %broadcast_in_dim3A_36 = vector.broadcast %broadcast_in_dim3A_35 : f32 to vector<16xf32>
    %swap3A_37 = arith.constant 80 : index
    %swap3A_38 = tpu.vector_load %arg11[%swap3A_37] {strides = array<i32>} : memref<640xf32, #tpu.memory_space<vmem>>, vector<16xf32>,
    %swap3A_39 = vector.shape_cast %swap3A_38 : vector<16xf32> to vector<16xf32>
    %swap3A_40 = vector.shape_cast %broadcast_in_dim3A_36 : vector<16xf32> to vector<16xf32>
    tpu.vector_store %arg11[%swap3A_37], %swap3A_40 {strides = array<i32>} : memref<640xf32, #tpu.memory_space<vmem>>, vector<16xf32>,
    %broadcast_in_dim3A_41 = arith.constant 0.000000e+00 : f32
    %broadcast_in_dim3A_42 = vector.broadcast %broadcast_in_dim3A_41 : f32 to vector<16xf32>
    %swap3A_43 = arith.constant 96 : index
    %swap3A_44 = tpu.vector_load %arg11[%swap3A_43] {strides = array<i32>} : memref<640xf32, #tpu.memory_space<vmem>>, vector<16xf32>,
    %swap3A_45 = vector.shape_cast %swap3A_44 : vector<16xf32> to vector<16xf32>
    %swap3A_46 = vector.shape_cast %broadcast_in_dim3A_42 : vector<16xf32> to vector<16xf32>
    tpu.vector_store %arg11[%swap3A_43], %swap3A_46 {strides = array<i32>} : memref<640xf32, #tpu.memory_space<vmem>>, vector<16xf32>,
    %broadcast_in_dim3A_47 = arith.constant 0.000000e+00 : f32
    %broadcast_in_dim3A_48 = vector.broadcast %broadcast_in_dim3A_47 : f32 to vector<16xf32>
    %swap3A_49 = arith.constant 112 : index
    %swap3A_50 = tpu.vector_load %arg11[%swap3A_49] {strides = array<i32>} : memref<640xf32, #tpu.memory_space<vmem>>, vector<16xf32>,
    %swap3A_51 = vector.shape_cast %swap3A_50 : vector<16xf32> to vector<16xf32>
    %swap3A_52 = vector.shape_cast %broadcast_in_dim3A_48 : vector<16xf32> to vector<16xf32>
    tpu.vector_store %arg11[%swap3A_49], %swap3A_52 {strides = array<i32>} : memref<640xf32, #tpu.memory_space<vmem>>, vector<16xf32>,
    %broadcast_in_dim3A_53 = arith.constant 0.000000e+00 : f32
    %broadcast_in_dim3A_54 = vector.broadcast %broadcast_in_dim3A_53 : f32 to vector<16xf32>
    %swap3A_55 = arith.constant 128 : index
    %swap3A_56 = tpu.vector_load %arg11[%swap3A_55] {strides = array<i32>} : memref<640xf32, #tpu.memory_space<vmem>>, vector<16xf32>,
    %swap3A_57 = vector.shape_cast %swap3A_56 : vector<16xf32> to vector<16xf32>
    %swap3A_58 = vector.shape_cast %broadcast_in_dim3A_54 : vector<16xf32> to vector<16xf32>
    tpu.vector_store %arg11[%swap3A_55], %swap3A_58 {strides = array<i32>} : memref<640xf32, #tpu.memory_space<vmem>>, vector<16xf32>,
    %broadcast_in_dim3A_59 = arith.constant 0.000000e+00 : f32
    %broadcast_in_dim3A_60 = vector.broadcast %broadcast_in_dim3A_59 : f32 to vector<16xf32>
    %swap3A_61 = arith.constant 144 : index
    %swap3A_62 = tpu.vector_load %arg11[%swap3A_61] {strides = array<i32>} : memref<640xf32, #tpu.memory_space<vmem>>, vector<16xf32>,
    %swap3A_63 = vector.shape_cast %swap3A_62 : vector<16xf32> to vector<16xf32>
    %swap3A_64 = vector.shape_cast %broadcast_in_dim3A_60 : vector<16xf32> to vector<16xf32>
    tpu.vector_store %arg11[%swap3A_61], %swap3A_64 {strides = array<i32>} : memref<640xf32, #tpu.memory_space<vmem>>, vector<16xf32>,
    %broadcast_in_dim3A_65 = arith.constant 0.000000e+00 : f32
    %broadcast_in_dim3A_66 = vector.broadcast %broadcast_in_dim3A_65 : f32 to vector<16xf32>
    %swap3A_67 = arith.constant 160 : index
    %swap3A_68 = tpu.vector_load %arg11[%swap3A_67] {strides = array<i32>} : memref<640xf32, #tpu.memory_space<vmem>>, vector<16xf32>,
    %swap3A_69 = vector.shape_cast %swap3A_68 : vector<16xf32> to vector<16xf32>
    %swap3A_70 = vector.shape_cast %broadcast_in_dim3A_66 : vector<16xf32> to vector<16xf32>
    tpu.vector_store %arg11[%swap3A_67], %swap3A_70 {strides = array<i32>} : memref<640xf32, #tpu.memory_space<vmem>>, vector<16xf32>,
    %broadcast_in_dim3A_71 = arith.constant 0.000000e+00 : f32
    %broadcast_in_dim3A_72 = vector.broadcast %broadcast_in_dim3A_71 : f32 to vector<16xf32>
    %swap3A_73 = arith.constant 176 : index
    %swap3A_74 = tpu.vector_load %arg11[%swap3A_73] {strides = array<i32>} : memref<640xf32, #tpu.memory_space<vmem>>, vector<16xf32>,
    %swap3A_75 = vector.shape_cast %swap3A_74 : vector<16xf32> to vector<16xf32>
    %swap3A_76 = vector.shape_cast %broadcast_in_dim3A_72 : vector<16xf32> to vector<16xf32>
    tpu.vector_store %arg11[%swap3A_73], %swap3A_76 {strides = array<i32>} : memref<640xf32, #tpu.memory_space<vmem>>, vector<16xf32>,
    %broadcast_in_dim3A_77 = arith.constant 0.000000e+00 : f32
    %broadcast_in_dim3A_78 = vector.broadcast %broadcast_in_dim3A_77 : f32 to vector<16xf32>
    %swap3A_79 = arith.constant 192 : index
    %swap3A_80 = tpu.vector_load %arg11[%swap3A_79] {strides = array<i32>} : memref<640xf32, #tpu.memory_space<vmem>>, vector<16xf32>,
    %swap3A_81 = vector.shape_cast %swap3A_80 : vector<16xf32> to vector<16xf32>
    %swap3A_82 = vector.shape_cast %broadcast_in_dim3A_78 : vector<16xf32> to vector<16xf32>
    tpu.vector_store %arg11[%swap3A_79], %swap3A_82 {strides = array<i32>} : memref<640xf32, #tpu.memory_space<vmem>>, vector<16xf32>,
    %broadcast_in_dim3A_83 = arith.constant 0.000000e+00 : f32
    %broadcast_in_dim3A_84 = vector.broadcast %broadcast_in_dim3A_83 : f32 to vector<16xf32>
    %swap3A_85 = arith.constant 208 : index
    %swap3A_86 = tpu.vector_load %arg11[%swap3A_85] {strides = array<i32>} : memref<640xf32, #tpu.memory_space<vmem>>, vector<16xf32>,
    %swap3A_87 = vector.shape_cast %swap3A_86 : vector<16xf32> to vector<16xf32>
    %swap3A_88 = vector.shape_cast %broadcast_in_dim3A_84 : vector<16xf32> to vector<16xf32>
    tpu.vector_store %arg11[%swap3A_85], %swap3A_88 {strides = array<i32>} : memref<640xf32, #tpu.memory_space<vmem>>, vector<16xf32>,
    %broadcast_in_dim3A_89 = arith.constant 0.000000e+00 : f32
    %broadcast_in_dim3A_90 = vector.broadcast %broadcast_in_dim3A_89 : f32 to vector<16xf32>
    %swap3A_91 = arith.constant 224 : index
    %swap3A_92 = tpu.vector_load %arg11[%swap3A_91] {strides = array<i32>} : memref<640xf32, #tpu.memory_space<vmem>>, vector<16xf32>,
    %swap3A_93 = vector.shape_cast %swap3A_92 : vector<16xf32> to vector<16xf32>
    %swap3A_94 = vector.shape_cast %broadcast_in_dim3A_90 : vector<16xf32> to vector<16xf32>
    tpu.vector_store %arg11[%swap3A_91], %swap3A_94 {strides = array<i32>} : memref<640xf32, #tpu.memory_space<vmem>>, vector<16xf32>,
    %broadcast_in_dim3A_95 = arith.constant 0.000000e+00 : f32
    %broadcast_in_dim3A_96 = vector.broadcast %broadcast_in_dim3A_95 : f32 to vector<16xf32>
    %swap3A_97 = arith.constant 240 : index
    %swap3A_98 = tpu.vector_load %arg11[%swap3A_97] {strides = array<i32>} : memref<640xf32, #tpu.memory_space<vmem>>, vector<16xf32>,
    %swap3A_99 = vector.shape_cast %swap3A_98 : vector<16xf32> to vector<16xf32>
    %swap3A_100 = vector.shape_cast %broadcast_in_dim3A_96 : vector<16xf32> to vector<16xf32>
    tpu.vector_store %arg11[%swap3A_97], %swap3A_100 {strides = array<i32>} : memref<640xf32, #tpu.memory_space<vmem>>, vector<16xf32>,
    %broadcast_in_dim3A_101 = arith.constant 0.000000e+00 : f32
    %broadcast_in_dim3A_102 = vector.broadcast %broadcast_in_dim3A_101 : f32 to vector<16xf32>
    %swap3A_103 = arith.constant 256 : index
    %swap3A_104 = tpu.vector_load %arg11[%swap3A_103] {strides = array<i32>} : memref<640xf32, #tpu.memory_space<vmem>>, vector<16xf32>,
    %swap3A_105 = vector.shape_cast %swap3A_104 : vector<16xf32> to vector<16xf32>
    %swap3A_106 = vector.shape_cast %broadcast_in_dim3A_102 : vector<16xf32> to vector<16xf32>
    tpu.vector_store %arg11[%swap3A_103], %swap3A_106 {strides = array<i32>} : memref<640xf32, #tpu.memory_space<vmem>>, vector<16xf32>,
    %broadcast_in_dim3A_107 = arith.constant 0.000000e+00 : f32
    %broadcast_in_dim3A_108 = vector.broadcast %broadcast_in_dim3A_107 : f32 to vector<16xf32>
    %swap3A_109 = arith.constant 272 : index
    %swap3A_110 = tpu.vector_load %arg11[%swap3A_109] {strides = array<i32>} : memref<640xf32, #tpu.memory_space<vmem>>, vector<16xf32>,
    %swap3A_111 = vector.shape_cast %swap3A_110 : vector<16xf32> to vector<16xf32>
    %swap3A_112 = vector.shape_cast %broadcast_in_dim3A_108 : vector<16xf32> to vector<16xf32>
    tpu.vector_store %arg11[%swap3A_109], %swap3A_112 {strides = array<i32>} : memref<640xf32, #tpu.memory_space<vmem>>, vector<16xf32>,
    %broadcast_in_dim3A_113 = arith.constant 0.000000e+00 : f32
    %broadcast_in_dim3A_114 = vector.broadcast %broadcast_in_dim3A_113 : f32 to vector<16xf32>
    %swap3A_115 = arith.constant 288 : index
    %swap3A_116 = tpu.vector_load %arg11[%swap3A_115] {strides = array<i32>} : memref<640xf32, #tpu.memory_space<vmem>>, vector<16xf32>,
    %swap3A_117 = vector.shape_cast %swap3A_116 : vector<16xf32> to vector<16xf32>
    %swap3A_118 = vector.shape_cast %broadcast_in_dim3A_114 : vector<16xf32> to vector<16xf32>
    tpu.vector_store %arg11[%swap3A_115], %swap3A_118 {strides = array<i32>} : memref<640xf32, #tpu.memory_space<vmem>>, vector<16xf32>,
    %broadcast_in_dim3A_119 = arith.constant 0.000000e+00 : f32
    %broadcast_in_dim3A_120 = vector.broadcast %broadcast_in_dim3A_119 : f32 to vector<16xf32>
    %swap3A_121 = arith.constant 304 : index
    %swap3A_122 = tpu.vector_load %arg11[%swap3A_121] {strides = array<i32>} : memref<640xf32, #tpu.memory_space<vmem>>, vector<16xf32>,
    %swap3A_123 = vector.shape_cast %swap3A_122 : vector<16xf32> to vector<16xf32>
    %swap3A_124 = vector.shape_cast %broadcast_in_dim3A_120 : vector<16xf32> to vector<16xf32>
    tpu.vector_store %arg11[%swap3A_121], %swap3A_124 {strides = array<i32>} : memref<640xf32, #tpu.memory_space<vmem>>, vector<16xf32>,
    %broadcast_in_dim3A_125 = arith.constant 0.000000e+00 : f32
    %broadcast_in_dim3A_126 = vector.broadcast %broadcast_in_dim3A_125 : f32 to vector<16xf32>
    %swap3A_127 = arith.constant 320 : index
    %swap3A_128 = tpu.vector_load %arg11[%swap3A_127] {strides = array<i32>} : memref<640xf32, #tpu.memory_space<vmem>>, vector<16xf32>,
    %swap3A_129 = vector.shape_cast %swap3A_128 : vector<16xf32> to vector<16xf32>
    %swap3A_130 = vector.shape_cast %broadcast_in_dim3A_126 : vector<16xf32> to vector<16xf32>
    tpu.vector_store %arg11[%swap3A_127], %swap3A_130 {strides = array<i32>} : memref<640xf32, #tpu.memory_space<vmem>>, vector<16xf32>,
    %broadcast_in_dim3A_131 = arith.constant 0.000000e+00 : f32
    %broadcast_in_dim3A_132 = vector.broadcast %broadcast_in_dim3A_131 : f32 to vector<16xf32>
    %swap3A_133 = arith.constant 336 : index
    %swap3A_134 = tpu.vector_load %arg11[%swap3A_133] {strides = array<i32>} : memref<640xf32, #tpu.memory_space<vmem>>, vector<16xf32>,
    %swap3A_135 = vector.shape_cast %swap3A_134 : vector<16xf32> to vector<16xf32>
    %swap3A_136 = vector.shape_cast %broadcast_in_dim3A_132 : vector<16xf32> to vector<16xf32>
    tpu.vector_store %arg11[%swap3A_133], %swap3A_136 {strides = array<i32>} : memref<640xf32, #tpu.memory_space<vmem>>, vector<16xf32>,
    %broadcast_in_dim3A_137 = arith.constant 0.000000e+00 : f32
    %broadcast_in_dim3A_138 = vector.broadcast %broadcast_in_dim3A_137 : f32 to vector<16xf32>
    %swap3A_139 = arith.constant 352 : index
    %swap3A_140 = tpu.vector_load %arg11[%swap3A_139] {strides = array<i32>} : memref<640xf32, #tpu.memory_space<vmem>>, vector<16xf32>,
    %swap3A_141 = vector.shape_cast %swap3A_140 : vector<16xf32> to vector<16xf32>
    %swap3A_142 = vector.shape_cast %broadcast_in_dim3A_138 : vector<16xf32> to vector<16xf32>
    tpu.vector_store %arg11[%swap3A_139], %swap3A_142 {strides = array<i32>} : memref<640xf32, #tpu.memory_space<vmem>>, vector<16xf32>,
    %broadcast_in_dim3A_143 = arith.constant 0.000000e+00 : f32
    %broadcast_in_dim3A_144 = vector.broadcast %broadcast_in_dim3A_143 : f32 to vector<16xf32>
    %swap3A_145 = arith.constant 368 : index
    %swap3A_146 = tpu.vector_load %arg11[%swap3A_145] {strides = array<i32>} : memref<640xf32, #tpu.memory_space<vmem>>, vector<16xf32>,
    %swap3A_147 = vector.shape_cast %swap3A_146 : vector<16xf32> to vector<16xf32>
    %swap3A_148 = vector.shape_cast %broadcast_in_dim3A_144 : vector<16xf32> to vector<16xf32>
    tpu.vector_store %arg11[%swap3A_145], %swap3A_148 {strides = array<i32>} : memref<640xf32, #tpu.memory_space<vmem>>, vector<16xf32>,
    %broadcast_in_dim3A_149 = arith.constant 0.000000e+00 : f32
    %broadcast_in_dim3A_150 = vector.broadcast %broadcast_in_dim3A_149 : f32 to vector<16xf32>
    %swap3A_151 = arith.constant 384 : index
    %swap3A_152 = tpu.vector_load %arg11[%swap3A_151] {strides = array<i32>} : memref<640xf32, #tpu.memory_space<vmem>>, vector<16xf32>,
    %swap3A_153 = vector.shape_cast %swap3A_152 : vector<16xf32> to vector<16xf32>
    %swap3A_154 = vector.shape_cast %broadcast_in_dim3A_150 : vector<16xf32> to vector<16xf32>
    tpu.vector_store %arg11[%swap3A_151], %swap3A_154 {strides = array<i32>} : memref<640xf32, #tpu.memory_space<vmem>>, vector<16xf32>,
    %broadcast_in_dim3A_155 = arith.constant 0.000000e+00 : f32
    %broadcast_in_dim3A_156 = vector.broadcast %broadcast_in_dim3A_155 : f32 to vector<16xf32>
    %swap3A_157 = arith.constant 400 : index
    %swap3A_158 = tpu.vector_load %arg11[%swap3A_157] {strides = array<i32>} : memref<640xf32, #tpu.memory_space<vmem>>, vector<16xf32>,
    %swap3A_159 = vector.shape_cast %swap3A_158 : vector<16xf32> to vector<16xf32>
    %swap3A_160 = vector.shape_cast %broadcast_in_dim3A_156 : vector<16xf32> to vector<16xf32>
    tpu.vector_store %arg11[%swap3A_157], %swap3A_160 {strides = array<i32>} : memref<640xf32, #tpu.memory_space<vmem>>, vector<16xf32>,
    %broadcast_in_dim3A_161 = arith.constant 0.000000e+00 : f32
    %broadcast_in_dim3A_162 = vector.broadcast %broadcast_in_dim3A_161 : f32 to vector<16xf32>
    %swap3A_163 = arith.constant 416 : index
    %swap3A_164 = tpu.vector_load %arg11[%swap3A_163] {strides = array<i32>} : memref<640xf32, #tpu.memory_space<vmem>>, vector<16xf32>,
    %swap3A_165 = vector.shape_cast %swap3A_164 : vector<16xf32> to vector<16xf32>
    %swap3A_166 = vector.shape_cast %broadcast_in_dim3A_162 : vector<16xf32> to vector<16xf32>
    tpu.vector_store %arg11[%swap3A_163], %swap3A_166 {strides = array<i32>} : memref<640xf32, #tpu.memory_space<vmem>>, vector<16xf32>,
    %broadcast_in_dim3A_167 = arith.constant 0.000000e+00 : f32
    %broadcast_in_dim3A_168 = vector.broadcast %broadcast_in_dim3A_167 : f32 to vector<16xf32>
    %swap3A_169 = arith.constant 432 : index
    %swap3A_170 = tpu.vector_load %arg11[%swap3A_169] {strides = array<i32>} : memref<640xf32, #tpu.memory_space<vmem>>, vector<16xf32>,
    %swap3A_171 = vector.shape_cast %swap3A_170 : vector<16xf32> to vector<16xf32>
    %swap3A_172 = vector.shape_cast %broadcast_in_dim3A_168 : vector<16xf32> to vector<16xf32>
    tpu.vector_store %arg11[%swap3A_169], %swap3A_172 {strides = array<i32>} : memref<640xf32, #tpu.memory_space<vmem>>, vector<16xf32>,
    %broadcast_in_dim3A_173 = arith.constant 0.000000e+00 : f32
    %broadcast_in_dim3A_174 = vector.broadcast %broadcast_in_dim3A_173 : f32 to vector<16xf32>
    %swap3A_175 = arith.constant 448 : index
    %swap3A_176 = tpu.vector_load %arg11[%swap3A_175] {strides = array<i32>} : memref<640xf32, #tpu.memory_space<vmem>>, vector<16xf32>,
    %swap3A_177 = vector.shape_cast %swap3A_176 : vector<16xf32> to vector<16xf32>
    %swap3A_178 = vector.shape_cast %broadcast_in_dim3A_174 : vector<16xf32> to vector<16xf32>
    tpu.vector_store %arg11[%swap3A_175], %swap3A_178 {strides = array<i32>} : memref<640xf32, #tpu.memory_space<vmem>>, vector<16xf32>,
    %broadcast_in_dim3A_179 = arith.constant 0.000000e+00 : f32
    %broadcast_in_dim3A_180 = vector.broadcast %broadcast_in_dim3A_179 : f32 to vector<16xf32>
    %swap3A_181 = arith.constant 464 : index
    %swap3A_182 = tpu.vector_load %arg11[%swap3A_181] {strides = array<i32>} : memref<640xf32, #tpu.memory_space<vmem>>, vector<16xf32>,
    %swap3A_183 = vector.shape_cast %swap3A_182 : vector<16xf32> to vector<16xf32>
    %swap3A_184 = vector.shape_cast %broadcast_in_dim3A_180 : vector<16xf32> to vector<16xf32>
    tpu.vector_store %arg11[%swap3A_181], %swap3A_184 {strides = array<i32>} : memref<640xf32, #tpu.memory_space<vmem>>, vector<16xf32>,
    %broadcast_in_dim3A_185 = arith.constant 0.000000e+00 : f32
    %broadcast_in_dim3A_186 = vector.broadcast %broadcast_in_dim3A_185 : f32 to vector<16xf32>
    %swap3A_187 = arith.constant 480 : index
    %swap3A_188 = tpu.vector_load %arg11[%swap3A_187] {strides = array<i32>} : memref<640xf32, #tpu.memory_space<vmem>>, vector<16xf32>,
    %swap3A_189 = vector.shape_cast %swap3A_188 : vector<16xf32> to vector<16xf32>
    %swap3A_190 = vector.shape_cast %broadcast_in_dim3A_186 : vector<16xf32> to vector<16xf32>
    tpu.vector_store %arg11[%swap3A_187], %swap3A_190 {strides = array<i32>} : memref<640xf32, #tpu.memory_space<vmem>>, vector<16xf32>,
    %broadcast_in_dim3A_191 = arith.constant 0.000000e+00 : f32
    %broadcast_in_dim3A_192 = vector.broadcast %broadcast_in_dim3A_191 : f32 to vector<16xf32>
    %swap3A_193 = arith.constant 496 : index
    %swap3A_194 = tpu.vector_load %arg11[%swap3A_193] {strides = array<i32>} : memref<640xf32, #tpu.memory_space<vmem>>, vector<16xf32>,
    %swap3A_195 = vector.shape_cast %swap3A_194 : vector<16xf32> to vector<16xf32>
    %swap3A_196 = vector.shape_cast %broadcast_in_dim3A_192 : vector<16xf32> to vector<16xf32>
    tpu.vector_store %arg11[%swap3A_193], %swap3A_196 {strides = array<i32>} : memref<640xf32, #tpu.memory_space<vmem>>, vector<16xf32>,
    %broadcast_in_dim3A_197 = arith.constant 0.000000e+00 : f32
    %broadcast_in_dim3A_198 = vector.broadcast %broadcast_in_dim3A_197 : f32 to vector<16xf32>
    %swap3A_199 = arith.constant 512 : index
    %swap3A_200 = tpu.vector_load %arg11[%swap3A_199] {strides = array<i32>} : memref<640xf32, #tpu.memory_space<vmem>>, vector<16xf32>,
    %swap3A_201 = vector.shape_cast %swap3A_200 : vector<16xf32> to vector<16xf32>
    %swap3A_202 = vector.shape_cast %broadcast_in_dim3A_198 : vector<16xf32> to vector<16xf32>
    tpu.vector_store %arg11[%swap3A_199], %swap3A_202 {strides = array<i32>} : memref<640xf32, #tpu.memory_space<vmem>>, vector<16xf32>,
    %broadcast_in_dim3A_203 = arith.constant 0.000000e+00 : f32
    %broadcast_in_dim3A_204 = vector.broadcast %broadcast_in_dim3A_203 : f32 to vector<16xf32>
    %swap3A_205 = arith.constant 528 : index
    %swap3A_206 = tpu.vector_load %arg11[%swap3A_205] {strides = array<i32>} : memref<640xf32, #tpu.memory_space<vmem>>, vector<16xf32>,
    %swap3A_207 = vector.shape_cast %swap3A_206 : vector<16xf32> to vector<16xf32>
    %swap3A_208 = vector.shape_cast %broadcast_in_dim3A_204 : vector<16xf32> to vector<16xf32>
    tpu.vector_store %arg11[%swap3A_205], %swap3A_208 {strides = array<i32>} : memref<640xf32, #tpu.memory_space<vmem>>, vector<16xf32>,
    %broadcast_in_dim3A_209 = arith.constant 0.000000e+00 : f32
    %broadcast_in_dim3A_210 = vector.broadcast %broadcast_in_dim3A_209 : f32 to vector<16xf32>
    %swap3A_211 = arith.constant 544 : index
    %swap3A_212 = tpu.vector_load %arg11[%swap3A_211] {strides = array<i32>} : memref<640xf32, #tpu.memory_space<vmem>>, vector<16xf32>,
    %swap3A_213 = vector.shape_cast %swap3A_212 : vector<16xf32> to vector<16xf32>
    %swap3A_214 = vector.shape_cast %broadcast_in_dim3A_210 : vector<16xf32> to vector<16xf32>
    tpu.vector_store %arg11[%swap3A_211], %swap3A_214 {strides = array<i32>} : memref<640xf32, #tpu.memory_space<vmem>>, vector<16xf32>,
    %broadcast_in_dim3A_215 = arith.constant 0.000000e+00 : f32
    %broadcast_in_dim3A_216 = vector.broadcast %broadcast_in_dim3A_215 : f32 to vector<16xf32>
    %swap3A_217 = arith.constant 560 : index
    %swap3A_218 = tpu.vector_load %arg11[%swap3A_217] {strides = array<i32>} : memref<640xf32, #tpu.memory_space<vmem>>, vector<16xf32>,
    %swap3A_219 = vector.shape_cast %swap3A_218 : vector<16xf32> to vector<16xf32>
    %swap3A_220 = vector.shape_cast %broadcast_in_dim3A_216 : vector<16xf32> to vector<16xf32>
    tpu.vector_store %arg11[%swap3A_217], %swap3A_220 {strides = array<i32>} : memref<640xf32, #tpu.memory_space<vmem>>, vector<16xf32>,
    %broadcast_in_dim3A_221 = arith.constant 0.000000e+00 : f32
    %broadcast_in_dim3A_222 = vector.broadcast %broadcast_in_dim3A_221 : f32 to vector<16xf32>
    %swap3A_223 = arith.constant 576 : index
    %swap3A_224 = tpu.vector_load %arg11[%swap3A_223] {strides = array<i32>} : memref<640xf32, #tpu.memory_space<vmem>>, vector<16xf32>,
    %swap3A_225 = vector.shape_cast %swap3A_224 : vector<16xf32> to vector<16xf32>
    %swap3A_226 = vector.shape_cast %broadcast_in_dim3A_222 : vector<16xf32> to vector<16xf32>
    tpu.vector_store %arg11[%swap3A_223], %swap3A_226 {strides = array<i32>} : memref<640xf32, #tpu.memory_space<vmem>>, vector<16xf32>,
    %broadcast_in_dim3A_227 = arith.constant 0.000000e+00 : f32
    %broadcast_in_dim3A_228 = vector.broadcast %broadcast_in_dim3A_227 : f32 to vector<16xf32>
    %swap3A_229 = arith.constant 592 : index
    %swap3A_230 = tpu.vector_load %arg11[%swap3A_229] {strides = array<i32>} : memref<640xf32, #tpu.memory_space<vmem>>, vector<16xf32>,
    %swap3A_231 = vector.shape_cast %swap3A_230 : vector<16xf32> to vector<16xf32>
    %swap3A_232 = vector.shape_cast %broadcast_in_dim3A_228 : vector<16xf32> to vector<16xf32>
    tpu.vector_store %arg11[%swap3A_229], %swap3A_232 {strides = array<i32>} : memref<640xf32, #tpu.memory_space<vmem>>, vector<16xf32>,
    %broadcast_in_dim3A_233 = arith.constant 0.000000e+00 : f32
    %broadcast_in_dim3A_234 = vector.broadcast %broadcast_in_dim3A_233 : f32 to vector<16xf32>
    %swap3A_235 = arith.constant 608 : index
    %swap3A_236 = tpu.vector_load %arg11[%swap3A_235] {strides = array<i32>} : memref<640xf32, #tpu.memory_space<vmem>>, vector<16xf32>,
    %swap3A_237 = vector.shape_cast %swap3A_236 : vector<16xf32> to vector<16xf32>
    %swap3A_238 = vector.shape_cast %broadcast_in_dim3A_234 : vector<16xf32> to vector<16xf32>
    tpu.vector_store %arg11[%swap3A_235], %swap3A_238 {strides = array<i32>} : memref<640xf32, #tpu.memory_space<vmem>>, vector<16xf32>,
    %broadcast_in_dim3A_239 = arith.constant 0.000000e+00 : f32
    %broadcast_in_dim3A_240 = vector.broadcast %broadcast_in_dim3A_239 : f32 to vector<16xf32>
    %swap3A_241 = arith.constant 624 : index
    %swap3A_242 = tpu.vector_load %arg11[%swap3A_241] {strides = array<i32>} : memref<640xf32, #tpu.memory_space<vmem>>, vector<16xf32>,
    %swap3A_243 = vector.shape_cast %swap3A_242 : vector<16xf32> to vector<16xf32>
    %swap3A_244 = vector.shape_cast %broadcast_in_dim3A_240 : vector<16xf32> to vector<16xf32>
    tpu.vector_store %arg11[%swap3A_241], %swap3A_244 {strides = array<i32>} : memref<640xf32, #tpu.memory_space<vmem>>, vector<16xf32>,
    %mul3A_245 = arith.constant 640 : i32
    %mul3A_246 = arith.muli %arg1, %mul3A_245 : i32
    %add3A_247 = arith.constant 0 : i32
    %add3A_248 = arith.addi %mul3A_246, %add3A_247 : i32
    "tpu.region"() ({
      %run_scoped3A = tpu.sem_alloc : memref<!tpu.dma_semaphore, #tpu.memory_space<semaphore_mem>>
      %dma_start3A_340 = arith.constant 0 : i32
      %dma_start3A_341 = tpu.memref_slice %arg12[%add3A_248, %dma_start3A_340] : memref<10240x128xf32, #tpu.memory_space<vmem_shared>> -> memref<128x128xf32, #tpu.memory_space<vmem_shared>>
      %dma_start3A_342 = arith.constant 0 : i32
      %dma_start3A_343 = tpu.memref_slice %arg12[%add3A_248, %dma_start3A_342] : memref<10240x128xf32, #tpu.memory_space<vmem_shared>> -> memref<128x128xf32, #tpu.memory_space<vmem_shared>>
      tpu.enqueue_dma source(%arg9 : memref<128x128xf32, #tpu.memory_space<vmem>>) target(%dma_start3A_343 : memref<128x128xf32, #tpu.memory_space<vmem_shared>>) target_semaphore(%run_scoped3A : memref<!tpu.dma_semaphore, #tpu.memory_space<semaphore_mem>>)
      %dma_wait3A = arith.constant 0 : i32
      %dma_wait3A_344 = tpu.memref_slice %arg12[%add3A_248, %dma_wait3A] : memref<10240x128xf32, #tpu.memory_space<vmem_shared>> -> memref<128x128xf32, #tpu.memory_space<vmem_shared>>
      %dma_wait3A_345 = arith.constant 0 : i32
      %dma_wait3A_346 = tpu.memref_slice %arg12[%add3A_248, %dma_wait3A_345] : memref<10240x128xf32, #tpu.memory_space<vmem_shared>> -> memref<128x128xf32, #tpu.memory_space<vmem_shared>>
      tpu.wait_dma2 semaphore(%run_scoped3A : memref<!tpu.dma_semaphore, #tpu.memory_space<semaphore_mem>>) src(%arg9 : memref<128x128xf32, #tpu.memory_space<vmem>>) dst(%dma_wait3A_346 : memref<128x128xf32, #tpu.memory_space<vmem_shared>>)
      tpu.yield
    }) : () -> ()
    %mul3A_249 = arith.constant 640 : i32
    %mul3A_250 = arith.muli %arg1, %mul3A_249 : i32
    %add3A_251 = arith.constant 128 : i32
    %add3A_252 = arith.addi %mul3A_250, %add3A_251 : i32
    "tpu.region"() ({
      %run_scoped3A = tpu.sem_alloc : memref<!tpu.dma_semaphore, #tpu.memory_space<semaphore_mem>>
      %dma_start3A_340 = arith.constant 0 : i32
      %dma_start3A_341 = tpu.memref_slice %arg12[%add3A_252, %dma_start3A_340] : memref<10240x128xf32, #tpu.memory_space<vmem_shared>> -> memref<128x128xf32, #tpu.memory_space<vmem_shared>>
      %dma_start3A_342 = arith.constant 0 : i32
      %dma_start3A_343 = tpu.memref_slice %arg12[%add3A_252, %dma_start3A_342] : memref<10240x128xf32, #tpu.memory_space<vmem_shared>> -> memref<128x128xf32, #tpu.memory_space<vmem_shared>>
      tpu.enqueue_dma source(%arg9 : memref<128x128xf32, #tpu.memory_space<vmem>>) target(%dma_start3A_343 : memref<128x128xf32, #tpu.memory_space<vmem_shared>>) target_semaphore(%run_scoped3A : memref<!tpu.dma_semaphore, #tpu.memory_space<semaphore_mem>>)
      %dma_wait3A = arith.constant 0 : i32
      %dma_wait3A_344 = tpu.memref_slice %arg12[%add3A_252, %dma_wait3A] : memref<10240x128xf32, #tpu.memory_space<vmem_shared>> -> memref<128x128xf32, #tpu.memory_space<vmem_shared>>
      %dma_wait3A_345 = arith.constant 0 : i32
      %dma_wait3A_346 = tpu.memref_slice %arg12[%add3A_252, %dma_wait3A_345] : memref<10240x128xf32, #tpu.memory_space<vmem_shared>> -> memref<128x128xf32, #tpu.memory_space<vmem_shared>>
      tpu.wait_dma2 semaphore(%run_scoped3A : memref<!tpu.dma_semaphore, #tpu.memory_space<semaphore_mem>>) src(%arg9 : memref<128x128xf32, #tpu.memory_space<vmem>>) dst(%dma_wait3A_346 : memref<128x128xf32, #tpu.memory_space<vmem_shared>>)
      tpu.yield
    }) : () -> ()
    %mul3A_253 = arith.constant 640 : i32
    %mul3A_254 = arith.muli %arg1, %mul3A_253 : i32
    %add3A_255 = arith.constant 256 : i32
    %add3A_256 = arith.addi %mul3A_254, %add3A_255 : i32
    "tpu.region"() ({
      %run_scoped3A = tpu.sem_alloc : memref<!tpu.dma_semaphore, #tpu.memory_space<semaphore_mem>>
      %dma_start3A_340 = arith.constant 0 : i32
      %dma_start3A_341 = tpu.memref_slice %arg12[%add3A_256, %dma_start3A_340] : memref<10240x128xf32, #tpu.memory_space<vmem_shared>> -> memref<128x128xf32, #tpu.memory_space<vmem_shared>>
      %dma_start3A_342 = arith.constant 0 : i32
      %dma_start3A_343 = tpu.memref_slice %arg12[%add3A_256, %dma_start3A_342] : memref<10240x128xf32, #tpu.memory_space<vmem_shared>> -> memref<128x128xf32, #tpu.memory_space<vmem_shared>>
      tpu.enqueue_dma source(%arg9 : memref<128x128xf32, #tpu.memory_space<vmem>>) target(%dma_start3A_343 : memref<128x128xf32, #tpu.memory_space<vmem_shared>>) target_semaphore(%run_scoped3A : memref<!tpu.dma_semaphore, #tpu.memory_space<semaphore_mem>>)
      %dma_wait3A = arith.constant 0 : i32
      %dma_wait3A_344 = tpu.memref_slice %arg12[%add3A_256, %dma_wait3A] : memref<10240x128xf32, #tpu.memory_space<vmem_shared>> -> memref<128x128xf32, #tpu.memory_space<vmem_shared>>
      %dma_wait3A_345 = arith.constant 0 : i32
      %dma_wait3A_346 = tpu.memref_slice %arg12[%add3A_256, %dma_wait3A_345] : memref<10240x128xf32, #tpu.memory_space<vmem_shared>> -> memref<128x128xf32, #tpu.memory_space<vmem_shared>>
      tpu.wait_dma2 semaphore(%run_scoped3A : memref<!tpu.dma_semaphore, #tpu.memory_space<semaphore_mem>>) src(%arg9 : memref<128x128xf32, #tpu.memory_space<vmem>>) dst(%dma_wait3A_346 : memref<128x128xf32, #tpu.memory_space<vmem_shared>>)
      tpu.yield
    }) : () -> ()
    %mul3A_257 = arith.constant 640 : i32
    %mul3A_258 = arith.muli %arg1, %mul3A_257 : i32
    %add3A_259 = arith.constant 384 : i32
    %add3A_260 = arith.addi %mul3A_258, %add3A_259 : i32
    "tpu.region"() ({
      %run_scoped3A = tpu.sem_alloc : memref<!tpu.dma_semaphore, #tpu.memory_space<semaphore_mem>>
      %dma_start3A_340 = arith.constant 0 : i32
      %dma_start3A_341 = tpu.memref_slice %arg12[%add3A_260, %dma_start3A_340] : memref<10240x128xf32, #tpu.memory_space<vmem_shared>> -> memref<128x128xf32, #tpu.memory_space<vmem_shared>>
      %dma_start3A_342 = arith.constant 0 : i32
      %dma_start3A_343 = tpu.memref_slice %arg12[%add3A_260, %dma_start3A_342] : memref<10240x128xf32, #tpu.memory_space<vmem_shared>> -> memref<128x128xf32, #tpu.memory_space<vmem_shared>>
      tpu.enqueue_dma source(%arg9 : memref<128x128xf32, #tpu.memory_space<vmem>>) target(%dma_start3A_343 : memref<128x128xf32, #tpu.memory_space<vmem_shared>>) target_semaphore(%run_scoped3A : memref<!tpu.dma_semaphore, #tpu.memory_space<semaphore_mem>>)
      %dma_wait3A = arith.constant 0 : i32
      %dma_wait3A_344 = tpu.memref_slice %arg12[%add3A_260, %dma_wait3A] : memref<10240x128xf32, #tpu.memory_space<vmem_shared>> -> memref<128x128xf32, #tpu.memory_space<vmem_shared>>
      %dma_wait3A_345 = arith.constant 0 : i32
      %dma_wait3A_346 = tpu.memref_slice %arg12[%add3A_260, %dma_wait3A_345] : memref<10240x128xf32, #tpu.memory_space<vmem_shared>> -> memref<128x128xf32, #tpu.memory_space<vmem_shared>>
      tpu.wait_dma2 semaphore(%run_scoped3A : memref<!tpu.dma_semaphore, #tpu.memory_space<semaphore_mem>>) src(%arg9 : memref<128x128xf32, #tpu.memory_space<vmem>>) dst(%dma_wait3A_346 : memref<128x128xf32, #tpu.memory_space<vmem_shared>>)
      tpu.yield
    }) : () -> ()
    %mul3A_261 = arith.constant 640 : i32
    %mul3A_262 = arith.muli %arg1, %mul3A_261 : i32
    %add3A_263 = arith.constant 512 : i32
    %add3A_264 = arith.addi %mul3A_262, %add3A_263 : i32
    "tpu.region"() ({
      %run_scoped3A = tpu.sem_alloc : memref<!tpu.dma_semaphore, #tpu.memory_space<semaphore_mem>>
      %dma_start3A_340 = arith.constant 0 : i32
      %dma_start3A_341 = tpu.memref_slice %arg12[%add3A_264, %dma_start3A_340] : memref<10240x128xf32, #tpu.memory_space<vmem_shared>> -> memref<128x128xf32, #tpu.memory_space<vmem_shared>>
      %dma_start3A_342 = arith.constant 0 : i32
      %dma_start3A_343 = tpu.memref_slice %arg12[%add3A_264, %dma_start3A_342] : memref<10240x128xf32, #tpu.memory_space<vmem_shared>> -> memref<128x128xf32, #tpu.memory_space<vmem_shared>>
      tpu.enqueue_dma source(%arg9 : memref<128x128xf32, #tpu.memory_space<vmem>>) target(%dma_start3A_343 : memref<128x128xf32, #tpu.memory_space<vmem_shared>>) target_semaphore(%run_scoped3A : memref<!tpu.dma_semaphore, #tpu.memory_space<semaphore_mem>>)
      %dma_wait3A = arith.constant 0 : i32
      %dma_wait3A_344 = tpu.memref_slice %arg12[%add3A_264, %dma_wait3A] : memref<10240x128xf32, #tpu.memory_space<vmem_shared>> -> memref<128x128xf32, #tpu.memory_space<vmem_shared>>
      %dma_wait3A_345 = arith.constant 0 : i32
      %dma_wait3A_346 = tpu.memref_slice %arg12[%add3A_264, %dma_wait3A_345] : memref<10240x128xf32, #tpu.memory_space<vmem_shared>> -> memref<128x128xf32, #tpu.memory_space<vmem_shared>>
      tpu.wait_dma2 semaphore(%run_scoped3A : memref<!tpu.dma_semaphore, #tpu.memory_space<semaphore_mem>>) src(%arg9 : memref<128x128xf32, #tpu.memory_space<vmem>>) dst(%dma_wait3A_346 : memref<128x128xf32, #tpu.memory_space<vmem_shared>>)
      tpu.yield
    }) : () -> ()
    %mul3A_265 = arith.constant 640 : i32
    %mul3A_266 = arith.muli %arg1, %mul3A_265 : i32
    "tpu.region"() ({
      %run_scoped3A = tpu.sem_alloc : memref<!tpu.dma_semaphore, #tpu.memory_space<semaphore_mem>>
      %dma_start3A_340 = tpu.memref_slice %arg13[%mul3A_266] : memref<10240xf32, #tpu.memory_space<vmem_shared>> -> memref<640xf32, #tpu.memory_space<vmem_shared>>
      %dma_start3A_341 = tpu.memref_slice %arg13[%mul3A_266] : memref<10240xf32, #tpu.memory_space<vmem_shared>> -> memref<640xf32, #tpu.memory_space<vmem_shared>>
      tpu.enqueue_dma source(%arg11 : memref<640xf32, #tpu.memory_space<vmem>>) target(%dma_start3A_341 : memref<640xf32, #tpu.memory_space<vmem_shared>>) target_semaphore(%run_scoped3A : memref<!tpu.dma_semaphore, #tpu.memory_space<semaphore_mem>>)
      %dma_wait3A = tpu.memref_slice %arg13[%mul3A_266] : memref<10240xf32, #tpu.memory_space<vmem_shared>> -> memref<640xf32, #tpu.memory_space<vmem_shared>>
      %dma_wait3A_342 = tpu.memref_slice %arg13[%mul3A_266] : memref<10240xf32, #tpu.memory_space<vmem_shared>> -> memref<640xf32, #tpu.memory_space<vmem_shared>>
      tpu.wait_dma2 semaphore(%run_scoped3A : memref<!tpu.dma_semaphore, #tpu.memory_space<semaphore_mem>>) src(%arg11 : memref<640xf32, #tpu.memory_space<vmem>>) dst(%dma_wait3A_342 : memref<640xf32, #tpu.memory_space<vmem_shared>>)
      tpu.yield
    }) : () -> ()
    %mul3A_267 = arith.constant 640 : i32
    %mul3A_268 = arith.muli %arg1, %mul3A_267 : i32
    "tpu.region"() ({
      %run_scoped3A = tpu.sem_alloc : memref<!tpu.dma_semaphore, #tpu.memory_space<semaphore_mem>>
      %dma_start3A_340 = tpu.memref_slice %arg14[%mul3A_268] : memref<10240xf32, #tpu.memory_space<vmem_shared>> -> memref<640xf32, #tpu.memory_space<vmem_shared>>
      %dma_start3A_341 = tpu.memref_slice %arg14[%mul3A_268] : memref<10240xf32, #tpu.memory_space<vmem_shared>> -> memref<640xf32, #tpu.memory_space<vmem_shared>>
      tpu.enqueue_dma source(%arg11 : memref<640xf32, #tpu.memory_space<vmem>>) target(%dma_start3A_341 : memref<640xf32, #tpu.memory_space<vmem_shared>>) target_semaphore(%run_scoped3A : memref<!tpu.dma_semaphore, #tpu.memory_space<semaphore_mem>>)
      %dma_wait3A = tpu.memref_slice %arg14[%mul3A_268] : memref<10240xf32, #tpu.memory_space<vmem_shared>> -> memref<640xf32, #tpu.memory_space<vmem_shared>>
      %dma_wait3A_342 = tpu.memref_slice %arg14[%mul3A_268] : memref<10240xf32, #tpu.memory_space<vmem_shared>> -> memref<640xf32, #tpu.memory_space<vmem_shared>>
      tpu.wait_dma2 semaphore(%run_scoped3A : memref<!tpu.dma_semaphore, #tpu.memory_space<semaphore_mem>>) src(%arg11 : memref<640xf32, #tpu.memory_space<vmem>>) dst(%dma_wait3A_342 : memref<640xf32, #tpu.memory_space<vmem_shared>>)
      tpu.yield
    }) : () -> ()
    "tpu.region"() ({
      %run_scoped3A = tpu.sem_alloc : memref<!tpu.dma_semaphore, #tpu.memory_space<semaphore_mem>>
      %dma_start3A_340 = arith.constant 0 : i32
      %dma_start3A_341 = arith.constant 0 : i32
      %dma_start3A_342 = tpu.memref_slice %arg2[%add3A, %dma_start3A_340, %dma_start3A_341] : memref<32x80x128xi32, #tpu.memory_space<hbm>> -> memref<1x80x128xi32, #tpu.memory_space<hbm>>
      %dma_start3A_343 = tpu.memref_squeeze %dma_start3A_342 : memref<1x80x128xi32, #tpu.memory_space<hbm>> -> memref<80x128xi32, #tpu.memory_space<hbm>>
      %dma_start3A_344 = arith.constant 0 : i32
      %dma_start3A_345 = arith.constant 0 : i32
      %dma_start3A_346 = tpu.memref_slice %arg2[%add3A, %dma_start3A_344, %dma_start3A_345] : memref<32x80x128xi32, #tpu.memory_space<hbm>> -> memref<1x80x128xi32, #tpu.memory_space<hbm>>
      %dma_start3A_347 = tpu.memref_squeeze %dma_start3A_346 : memref<1x80x128xi32, #tpu.memory_space<hbm>> -> memref<80x128xi32, #tpu.memory_space<hbm>>
      tpu.enqueue_dma source(%dma_start3A_347 : memref<80x128xi32, #tpu.memory_space<hbm>>) target(%arg7 : memref<80x128xi32, #tpu.memory_space<vmem>>) target_semaphore(%run_scoped3A : memref<!tpu.dma_semaphore, #tpu.memory_space<semaphore_mem>>)
      %dma_wait3A = arith.constant 0 : i32
      %dma_wait3A_348 = arith.constant 0 : i32
      %dma_wait3A_349 = tpu.memref_slice %arg2[%add3A, %dma_wait3A, %dma_wait3A_348] : memref<32x80x128xi32, #tpu.memory_space<hbm>> -> memref<1x80x128xi32, #tpu.memory_space<hbm>>
      %dma_wait3A_350 = tpu.memref_squeeze %dma_wait3A_349 : memref<1x80x128xi32, #tpu.memory_space<hbm>> -> memref<80x128xi32, #tpu.memory_space<hbm>>
      %dma_wait3A_351 = arith.constant 0 : i32
      %dma_wait3A_352 = arith.constant 0 : i32
      %dma_wait3A_353 = tpu.memref_slice %arg2[%add3A, %dma_wait3A_351, %dma_wait3A_352] : memref<32x80x128xi32, #tpu.memory_space<hbm>> -> memref<1x80x128xi32, #tpu.memory_space<hbm>>
      %dma_wait3A_354 = tpu.memref_squeeze %dma_wait3A_353 : memref<1x80x128xi32, #tpu.memory_space<hbm>> -> memref<80x128xi32, #tpu.memory_space<hbm>>
      tpu.wait_dma2 semaphore(%run_scoped3A : memref<!tpu.dma_semaphore, #tpu.memory_space<semaphore_mem>>) src(%dma_wait3A_354 : memref<80x128xi32, #tpu.memory_space<hbm>>) dst(%arg7 : memref<80x128xi32, #tpu.memory_space<vmem>>)
      tpu.yield
    }) : () -> ()
    %scan3A_269 = arith.constant 0 : i32
    %scan3A_270 = arith.constant 0 : i32
    %scan3A_271 = arith.constant 80 : i32
    %scan3A_272 = arith.addi %scan3A_270, %scan3A_271 : i32
    %scan3A_273 = arith.constant 1 : i32
    %scan3A_274 = scf.for %scan3A_340 = %scan3A_270 to %scan3A_272 step %scan3A_273 iter_args(%scan3A_341 = %scan3A_269) -> (i32)  : i32 {
      %get3A = arith.index_cast %scan3A_340 : i32 to index
      %get3A_342 = arith.constant 0 : index
      %get3A_343 = tpu.vector_load %arg7[%get3A, %get3A_342] {strides = array<i32>} : memref<80x128xi32, #tpu.memory_space<vmem>>, vector<1x16xi32>,
      %get3A_344 = vector.shape_cast %get3A_343 : vector<1x16xi32> to vector<16xi32>
      %and3A = arith.constant 16383 : i32
      %and3A_345 = vector.broadcast %and3A : i32 to vector<16xi32>
      %and3A_346 = arith.andi %get3A_344, %and3A_345 : vector<16xi32>
      %swap3A_347 = arith.index_cast %scan3A_340 : i32 to index
      %swap3A_348 = arith.constant 0 : index
      %swap3A_349 = tpu.vector_load %arg8[%swap3A_347, %swap3A_348] {strides = array<i32>} : memref<80x128xi32, #tpu.memory_space<vmem>>, vector<1x16xi32>,
      %swap3A_350 = vector.shape_cast %swap3A_349 : vector<1x16xi32> to vector<16xi32>
      %swap3A_351 = vector.shape_cast %and3A_346 : vector<16xi32> to vector<1x16xi32>
      tpu.vector_store %arg8[%swap3A_347, %swap3A_348], %swap3A_351 {strides = array<i32>} : memref<80x128xi32, #tpu.memory_space<vmem>>, vector<1x16xi32>,
      %shift_right_arithmetic3A = arith.constant 14 : i32
      %shift_right_arithmetic3A_352 = vector.broadcast %shift_right_arithmetic3A : i32 to vector<16xi32>
      %shift_right_arithmetic3A_353 = arith.shrsi %get3A_344, %shift_right_arithmetic3A_352 : vector<16xi32>
      %swap3A_354 = arith.index_cast %scan3A_340 : i32 to index
      %swap3A_355 = arith.constant 0 : index
      %swap3A_356 = tpu.vector_load %arg7[%swap3A_354, %swap3A_355] {strides = array<i32>} : memref<80x128xi32, #tpu.memory_space<vmem>>, vector<1x16xi32>,
      %swap3A_357 = vector.shape_cast %swap3A_356 : vector<1x16xi32> to vector<16xi32>
      %swap3A_358 = vector.shape_cast %shift_right_arithmetic3A_353 : vector<16xi32> to vector<1x16xi32>
      tpu.vector_store %arg7[%swap3A_354, %swap3A_355], %swap3A_358 {strides = array<i32>} : memref<80x128xi32, #tpu.memory_space<vmem>>, vector<1x16xi32>,
      %get3A_359 = arith.index_cast %scan3A_340 : i32 to index
      %get3A_360 = arith.constant 16 : index
      %get3A_361 = tpu.vector_load %arg7[%get3A_359, %get3A_360] {strides = array<i32>} : memref<80x128xi32, #tpu.memory_space<vmem>>, vector<1x16xi32>,
      %get3A_362 = vector.shape_cast %get3A_361 : vector<1x16xi32> to vector<16xi32>
      %and3A_363 = arith.constant 16383 : i32
      %and3A_364 = vector.broadcast %and3A_363 : i32 to vector<16xi32>
      %and3A_365 = arith.andi %get3A_362, %and3A_364 : vector<16xi32>
      %swap3A_366 = arith.index_cast %scan3A_340 : i32 to index
      %swap3A_367 = arith.constant 16 : index
      %swap3A_368 = tpu.vector_load %arg8[%swap3A_366, %swap3A_367] {strides = array<i32>} : memref<80x128xi32, #tpu.memory_space<vmem>>, vector<1x16xi32>,
      %swap3A_369 = vector.shape_cast %swap3A_368 : vector<1x16xi32> to vector<16xi32>
      %swap3A_370 = vector.shape_cast %and3A_365 : vector<16xi32> to vector<1x16xi32>
      tpu.vector_store %arg8[%swap3A_366, %swap3A_367], %swap3A_370 {strides = array<i32>} : memref<80x128xi32, #tpu.memory_space<vmem>>, vector<1x16xi32>,
      %shift_right_arithmetic3A_371 = arith.constant 14 : i32
      %shift_right_arithmetic3A_372 = vector.broadcast %shift_right_arithmetic3A_371 : i32 to vector<16xi32>
      %shift_right_arithmetic3A_373 = arith.shrsi %get3A_362, %shift_right_arithmetic3A_372 : vector<16xi32>
      %swap3A_374 = arith.index_cast %scan3A_340 : i32 to index
      %swap3A_375 = arith.constant 16 : index
      %swap3A_376 = tpu.vector_load %arg7[%swap3A_374, %swap3A_375] {strides = array<i32>} : memref<80x128xi32, #tpu.memory_space<vmem>>, vector<1x16xi32>,
      %swap3A_377 = vector.shape_cast %swap3A_376 : vector<1x16xi32> to vector<16xi32>
      %swap3A_378 = vector.shape_cast %shift_right_arithmetic3A_373 : vector<16xi32> to vector<1x16xi32>
      tpu.vector_store %arg7[%swap3A_374, %swap3A_375], %swap3A_378 {strides = array<i32>} : memref<80x128xi32, #tpu.memory_space<vmem>>, vector<1x16xi32>,
      %get3A_379 = arith.index_cast %scan3A_340 : i32 to index
      %get3A_380 = arith.constant 32 : index
      %get3A_381 = tpu.vector_load %arg7[%get3A_379, %get3A_380] {strides = array<i32>} : memref<80x128xi32, #tpu.memory_space<vmem>>, vector<1x16xi32>,
      %get3A_382 = vector.shape_cast %get3A_381 : vector<1x16xi32> to vector<16xi32>
      %and3A_383 = arith.constant 16383 : i32
      %and3A_384 = vector.broadcast %and3A_383 : i32 to vector<16xi32>
      %and3A_385 = arith.andi %get3A_382, %and3A_384 : vector<16xi32>
      %swap3A_386 = arith.index_cast %scan3A_340 : i32 to index
      %swap3A_387 = arith.constant 32 : index
      %swap3A_388 = tpu.vector_load %arg8[%swap3A_386, %swap3A_387] {strides = array<i32>} : memref<80x128xi32, #tpu.memory_space<vmem>>, vector<1x16xi32>,
      %swap3A_389 = vector.shape_cast %swap3A_388 : vector<1x16xi32> to vector<16xi32>
      %swap3A_390 = vector.shape_cast %and3A_385 : vector<16xi32> to vector<1x16xi32>
      tpu.vector_store %arg8[%swap3A_386, %swap3A_387], %swap3A_390 {strides = array<i32>} : memref<80x128xi32, #tpu.memory_space<vmem>>, vector<1x16xi32>,
      %shift_right_arithmetic3A_391 = arith.constant 14 : i32
      %shift_right_arithmetic3A_392 = vector.broadcast %shift_right_arithmetic3A_391 : i32 to vector<16xi32>
      %shift_right_arithmetic3A_393 = arith.shrsi %get3A_382, %shift_right_arithmetic3A_392 : vector<16xi32>
      %swap3A_394 = arith.index_cast %scan3A_340 : i32 to index
      %swap3A_395 = arith.constant 32 : index
      %swap3A_396 = tpu.vector_load %arg7[%swap3A_394, %swap3A_395] {strides = array<i32>} : memref<80x128xi32, #tpu.memory_space<vmem>>, vector<1x16xi32>,
      %swap3A_397 = vector.shape_cast %swap3A_396 : vector<1x16xi32> to vector<16xi32>
      %swap3A_398 = vector.shape_cast %shift_right_arithmetic3A_393 : vector<16xi32> to vector<1x16xi32>
      tpu.vector_store %arg7[%swap3A_394, %swap3A_395], %swap3A_398 {strides = array<i32>} : memref<80x128xi32, #tpu.memory_space<vmem>>, vector<1x16xi32>,
      %get3A_399 = arith.index_cast %scan3A_340 : i32 to index
      %get3A_400 = arith.constant 48 : index
      %get3A_401 = tpu.vector_load %arg7[%get3A_399, %get3A_400] {strides = array<i32>} : memref<80x128xi32, #tpu.memory_space<vmem>>, vector<1x16xi32>,
      %get3A_402 = vector.shape_cast %get3A_401 : vector<1x16xi32> to vector<16xi32>
      %and3A_403 = arith.constant 16383 : i32
      %and3A_404 = vector.broadcast %and3A_403 : i32 to vector<16xi32>
      %and3A_405 = arith.andi %get3A_402, %and3A_404 : vector<16xi32>
      %swap3A_406 = arith.index_cast %scan3A_340 : i32 to index
      %swap3A_407 = arith.constant 48 : index
      %swap3A_408 = tpu.vector_load %arg8[%swap3A_406, %swap3A_407] {strides = array<i32>} : memref<80x128xi32, #tpu.memory_space<vmem>>, vector<1x16xi32>,
      %swap3A_409 = vector.shape_cast %swap3A_408 : vector<1x16xi32> to vector<16xi32>
      %swap3A_410 = vector.shape_cast %and3A_405 : vector<16xi32> to vector<1x16xi32>
      tpu.vector_store %arg8[%swap3A_406, %swap3A_407], %swap3A_410 {strides = array<i32>} : memref<80x128xi32, #tpu.memory_space<vmem>>, vector<1x16xi32>,
      %shift_right_arithmetic3A_411 = arith.constant 14 : i32
      %shift_right_arithmetic3A_412 = vector.broadcast %shift_right_arithmetic3A_411 : i32 to vector<16xi32>
      %shift_right_arithmetic3A_413 = arith.shrsi %get3A_402, %shift_right_arithmetic3A_412 : vector<16xi32>
      %swap3A_414 = arith.index_cast %scan3A_340 : i32 to index
      %swap3A_415 = arith.constant 48 : index
      %swap3A_416 = tpu.vector_load %arg7[%swap3A_414, %swap3A_415] {strides = array<i32>} : memref<80x128xi32, #tpu.memory_space<vmem>>, vector<1x16xi32>,
      %swap3A_417 = vector.shape_cast %swap3A_416 : vector<1x16xi32> to vector<16xi32>
      %swap3A_418 = vector.shape_cast %shift_right_arithmetic3A_413 : vector<16xi32> to vector<1x16xi32>
      tpu.vector_store %arg7[%swap3A_414, %swap3A_415], %swap3A_418 {strides = array<i32>} : memref<80x128xi32, #tpu.memory_space<vmem>>, vector<1x16xi32>,
      %get3A_419 = arith.index_cast %scan3A_340 : i32 to index
      %get3A_420 = arith.constant 64 : index
      %get3A_421 = tpu.vector_load %arg7[%get3A_419, %get3A_420] {strides = array<i32>} : memref<80x128xi32, #tpu.memory_space<vmem>>, vector<1x16xi32>,
      %get3A_422 = vector.shape_cast %get3A_421 : vector<1x16xi32> to vector<16xi32>
      %and3A_423 = arith.constant 16383 : i32
      %and3A_424 = vector.broadcast %and3A_423 : i32 to vector<16xi32>
      %and3A_425 = arith.andi %get3A_422, %and3A_424 : vector<16xi32>
      %swap3A_426 = arith.index_cast %scan3A_340 : i32 to index
      %swap3A_427 = arith.constant 64 : index
      %swap3A_428 = tpu.vector_load %arg8[%swap3A_426, %swap3A_427] {strides = array<i32>} : memref<80x128xi32, #tpu.memory_space<vmem>>, vector<1x16xi32>,
      %swap3A_429 = vector.shape_cast %swap3A_428 : vector<1x16xi32> to vector<16xi32>
      %swap3A_430 = vector.shape_cast %and3A_425 : vector<16xi32> to vector<1x16xi32>
      tpu.vector_store %arg8[%swap3A_426, %swap3A_427], %swap3A_430 {strides = array<i32>} : memref<80x128xi32, #tpu.memory_space<vmem>>, vector<1x16xi32>,
      %shift_right_arithmetic3A_431 = arith.constant 14 : i32
      %shift_right_arithmetic3A_432 = vector.broadcast %shift_right_arithmetic3A_431 : i32 to vector<16xi32>
      %shift_right_arithmetic3A_433 = arith.shrsi %get3A_422, %shift_right_arithmetic3A_432 : vector<16xi32>
      %swap3A_434 = arith.index_cast %scan3A_340 : i32 to index
      %swap3A_435 = arith.constant 64 : index
      %swap3A_436 = tpu.vector_load %arg7[%swap3A_434, %swap3A_435] {strides = array<i32>} : memref<80x128xi32, #tpu.memory_space<vmem>>, vector<1x16xi32>,
      %swap3A_437 = vector.shape_cast %swap3A_436 : vector<1x16xi32> to vector<16xi32>
      %swap3A_438 = vector.shape_cast %shift_right_arithmetic3A_433 : vector<16xi32> to vector<1x16xi32>
      tpu.vector_store %arg7[%swap3A_434, %swap3A_435], %swap3A_438 {strides = array<i32>} : memref<80x128xi32, #tpu.memory_space<vmem>>, vector<1x16xi32>,
      %get3A_439 = arith.index_cast %scan3A_340 : i32 to index
      %get3A_440 = arith.constant 80 : index
      %get3A_441 = tpu.vector_load %arg7[%get3A_439, %get3A_440] {strides = array<i32>} : memref<80x128xi32, #tpu.memory_space<vmem>>, vector<1x16xi32>,
      %get3A_442 = vector.shape_cast %get3A_441 : vector<1x16xi32> to vector<16xi32>
      %and3A_443 = arith.constant 16383 : i32
      %and3A_444 = vector.broadcast %and3A_443 : i32 to vector<16xi32>
      %and3A_445 = arith.andi %get3A_442, %and3A_444 : vector<16xi32>
      %swap3A_446 = arith.index_cast %scan3A_340 : i32 to index
      %swap3A_447 = arith.constant 80 : index
      %swap3A_448 = tpu.vector_load %arg8[%swap3A_446, %swap3A_447] {strides = array<i32>} : memref<80x128xi32, #tpu.memory_space<vmem>>, vector<1x16xi32>,
      %swap3A_449 = vector.shape_cast %swap3A_448 : vector<1x16xi32> to vector<16xi32>
      %swap3A_450 = vector.shape_cast %and3A_445 : vector<16xi32> to vector<1x16xi32>
      tpu.vector_store %arg8[%swap3A_446, %swap3A_447], %swap3A_450 {strides = array<i32>} : memref<80x128xi32, #tpu.memory_space<vmem>>, vector<1x16xi32>,
      %shift_right_arithmetic3A_451 = arith.constant 14 : i32
      %shift_right_arithmetic3A_452 = vector.broadcast %shift_right_arithmetic3A_451 : i32 to vector<16xi32>
      %shift_right_arithmetic3A_453 = arith.shrsi %get3A_442, %shift_right_arithmetic3A_452 : vector<16xi32>
      %swap3A_454 = arith.index_cast %scan3A_340 : i32 to index
      %swap3A_455 = arith.constant 80 : index
      %swap3A_456 = tpu.vector_load %arg7[%swap3A_454, %swap3A_455] {strides = array<i32>} : memref<80x128xi32, #tpu.memory_space<vmem>>, vector<1x16xi32>,
      %swap3A_457 = vector.shape_cast %swap3A_456 : vector<1x16xi32> to vector<16xi32>
      %swap3A_458 = vector.shape_cast %shift_right_arithmetic3A_453 : vector<16xi32> to vector<1x16xi32>
      tpu.vector_store %arg7[%swap3A_454, %swap3A_455], %swap3A_458 {strides = array<i32>} : memref<80x128xi32, #tpu.memory_space<vmem>>, vector<1x16xi32>,
      %get3A_459 = arith.index_cast %scan3A_340 : i32 to index
      %get3A_460 = arith.constant 96 : index
      %get3A_461 = tpu.vector_load %arg7[%get3A_459, %get3A_460] {strides = array<i32>} : memref<80x128xi32, #tpu.memory_space<vmem>>, vector<1x16xi32>,
      %get3A_462 = vector.shape_cast %get3A_461 : vector<1x16xi32> to vector<16xi32>
      %and3A_463 = arith.constant 16383 : i32
      %and3A_464 = vector.broadcast %and3A_463 : i32 to vector<16xi32>
      %and3A_465 = arith.andi %get3A_462, %and3A_464 : vector<16xi32>
      %swap3A_466 = arith.index_cast %scan3A_340 : i32 to index
      %swap3A_467 = arith.constant 96 : index
      %swap3A_468 = tpu.vector_load %arg8[%swap3A_466, %swap3A_467] {strides = array<i32>} : memref<80x128xi32, #tpu.memory_space<vmem>>, vector<1x16xi32>,
      %swap3A_469 = vector.shape_cast %swap3A_468 : vector<1x16xi32> to vector<16xi32>
      %swap3A_470 = vector.shape_cast %and3A_465 : vector<16xi32> to vector<1x16xi32>
      tpu.vector_store %arg8[%swap3A_466, %swap3A_467], %swap3A_470 {strides = array<i32>} : memref<80x128xi32, #tpu.memory_space<vmem>>, vector<1x16xi32>,
      %shift_right_arithmetic3A_471 = arith.constant 14 : i32
      %shift_right_arithmetic3A_472 = vector.broadcast %shift_right_arithmetic3A_471 : i32 to vector<16xi32>
      %shift_right_arithmetic3A_473 = arith.shrsi %get3A_462, %shift_right_arithmetic3A_472 : vector<16xi32>
      %swap3A_474 = arith.index_cast %scan3A_340 : i32 to index
      %swap3A_475 = arith.constant 96 : index
      %swap3A_476 = tpu.vector_load %arg7[%swap3A_474, %swap3A_475] {strides = array<i32>} : memref<80x128xi32, #tpu.memory_space<vmem>>, vector<1x16xi32>,
      %swap3A_477 = vector.shape_cast %swap3A_476 : vector<1x16xi32> to vector<16xi32>
      %swap3A_478 = vector.shape_cast %shift_right_arithmetic3A_473 : vector<16xi32> to vector<1x16xi32>
      tpu.vector_store %arg7[%swap3A_474, %swap3A_475], %swap3A_478 {strides = array<i32>} : memref<80x128xi32, #tpu.memory_space<vmem>>, vector<1x16xi32>,
      %get3A_479 = arith.index_cast %scan3A_340 : i32 to index
      %get3A_480 = arith.constant 112 : index
      %get3A_481 = tpu.vector_load %arg7[%get3A_479, %get3A_480] {strides = array<i32>} : memref<80x128xi32, #tpu.memory_space<vmem>>, vector<1x16xi32>,
      %get3A_482 = vector.shape_cast %get3A_481 : vector<1x16xi32> to vector<16xi32>
      %and3A_483 = arith.constant 16383 : i32
      %and3A_484 = vector.broadcast %and3A_483 : i32 to vector<16xi32>
      %and3A_485 = arith.andi %get3A_482, %and3A_484 : vector<16xi32>
      %swap3A_486 = arith.index_cast %scan3A_340 : i32 to index
      %swap3A_487 = arith.constant 112 : index
      %swap3A_488 = tpu.vector_load %arg8[%swap3A_486, %swap3A_487] {strides = array<i32>} : memref<80x128xi32, #tpu.memory_space<vmem>>, vector<1x16xi32>,
      %swap3A_489 = vector.shape_cast %swap3A_488 : vector<1x16xi32> to vector<16xi32>
      %swap3A_490 = vector.shape_cast %and3A_485 : vector<16xi32> to vector<1x16xi32>
      tpu.vector_store %arg8[%swap3A_486, %swap3A_487], %swap3A_490 {strides = array<i32>} : memref<80x128xi32, #tpu.memory_space<vmem>>, vector<1x16xi32>,
      %shift_right_arithmetic3A_491 = arith.constant 14 : i32
      %shift_right_arithmetic3A_492 = vector.broadcast %shift_right_arithmetic3A_491 : i32 to vector<16xi32>
      %shift_right_arithmetic3A_493 = arith.shrsi %get3A_482, %shift_right_arithmetic3A_492 : vector<16xi32>
      %swap3A_494 = arith.index_cast %scan3A_340 : i32 to index
      %swap3A_495 = arith.constant 112 : index
      %swap3A_496 = tpu.vector_load %arg7[%swap3A_494, %swap3A_495] {strides = array<i32>} : memref<80x128xi32, #tpu.memory_space<vmem>>, vector<1x16xi32>,
      %swap3A_497 = vector.shape_cast %swap3A_496 : vector<1x16xi32> to vector<16xi32>
      %swap3A_498 = vector.shape_cast %shift_right_arithmetic3A_493 : vector<16xi32> to vector<1x16xi32>
      tpu.vector_store %arg7[%swap3A_494, %swap3A_495], %swap3A_498 {strides = array<i32>} : memref<80x128xi32, #tpu.memory_space<vmem>>, vector<1x16xi32>,
      %scan3A_499 = arith.constant 0 : i32
      scf.yield %scan3A_499 : i32
    }
    %scan3A_275 = arith.constant 80 : i32
    %broadcast_in_dim3A_276 = arith.constant 1.000000e+00 : f32
    %broadcast_in_dim3A_277 = vector.broadcast %broadcast_in_dim3A_276 : f32 to vector<16xf32>
    %swap3A_278 = arith.constant 0 : index
    %swap3A_279 = tpu.vector_load %arg10[%swap3A_278] {strides = array<i32>} : memref<128xf32, #tpu.memory_space<vmem>>, vector<16xf32>,
    %swap3A_280 = vector.shape_cast %swap3A_279 : vector<16xf32> to vector<16xf32>
    %swap3A_281 = vector.shape_cast %broadcast_in_dim3A_277 : vector<16xf32> to vector<16xf32>
    tpu.vector_store %arg10[%swap3A_278], %swap3A_281 {strides = array<i32>} : memref<128xf32, #tpu.memory_space<vmem>>, vector<16xf32>,
    %broadcast_in_dim3A_282 = arith.constant 1.000000e+00 : f32
    %broadcast_in_dim3A_283 = vector.broadcast %broadcast_in_dim3A_282 : f32 to vector<16xf32>
    %swap3A_284 = arith.constant 16 : index
    %swap3A_285 = tpu.vector_load %arg10[%swap3A_284] {strides = array<i32>} : memref<128xf32, #tpu.memory_space<vmem>>, vector<16xf32>,
    %swap3A_286 = vector.shape_cast %swap3A_285 : vector<16xf32> to vector<16xf32>
    %swap3A_287 = vector.shape_cast %broadcast_in_dim3A_283 : vector<16xf32> to vector<16xf32>
    tpu.vector_store %arg10[%swap3A_284], %swap3A_287 {strides = array<i32>} : memref<128xf32, #tpu.memory_space<vmem>>, vector<16xf32>,
    %broadcast_in_dim3A_288 = arith.constant 1.000000e+00 : f32
    %broadcast_in_dim3A_289 = vector.broadcast %broadcast_in_dim3A_288 : f32 to vector<16xf32>
    %swap3A_290 = arith.constant 32 : index
    %swap3A_291 = tpu.vector_load %arg10[%swap3A_290] {strides = array<i32>} : memref<128xf32, #tpu.memory_space<vmem>>, vector<16xf32>,
    %swap3A_292 = vector.shape_cast %swap3A_291 : vector<16xf32> to vector<16xf32>
    %swap3A_293 = vector.shape_cast %broadcast_in_dim3A_289 : vector<16xf32> to vector<16xf32>
    tpu.vector_store %arg10[%swap3A_290], %swap3A_293 {strides = array<i32>} : memref<128xf32, #tpu.memory_space<vmem>>, vector<16xf32>,
    %broadcast_in_dim3A_294 = arith.constant 1.000000e+00 : f32
    %broadcast_in_dim3A_295 = vector.broadcast %broadcast_in_dim3A_294 : f32 to vector<16xf32>
    %swap3A_296 = arith.constant 48 : index
    %swap3A_297 = tpu.vector_load %arg10[%swap3A_296] {strides = array<i32>} : memref<128xf32, #tpu.memory_space<vmem>>, vector<16xf32>,
    %swap3A_298 = vector.shape_cast %swap3A_297 : vector<16xf32> to vector<16xf32>
    %swap3A_299 = vector.shape_cast %broadcast_in_dim3A_295 : vector<16xf32> to vector<16xf32>
    tpu.vector_store %arg10[%swap3A_296], %swap3A_299 {strides = array<i32>} : memref<128xf32, #tpu.memory_space<vmem>>, vector<16xf32>,
    %broadcast_in_dim3A_300 = arith.constant 1.000000e+00 : f32
    %broadcast_in_dim3A_301 = vector.broadcast %broadcast_in_dim3A_300 : f32 to vector<16xf32>
    %swap3A_302 = arith.constant 64 : index
    %swap3A_303 = tpu.vector_load %arg10[%swap3A_302] {strides = array<i32>} : memref<128xf32, #tpu.memory_space<vmem>>, vector<16xf32>,
    %swap3A_304 = vector.shape_cast %swap3A_303 : vector<16xf32> to vector<16xf32>
    %swap3A_305 = vector.shape_cast %broadcast_in_dim3A_301 : vector<16xf32> to vector<16xf32>
    tpu.vector_store %arg10[%swap3A_302], %swap3A_305 {strides = array<i32>} : memref<128xf32, #tpu.memory_space<vmem>>, vector<16xf32>,
    %broadcast_in_dim3A_306 = arith.constant 1.000000e+00 : f32
    %broadcast_in_dim3A_307 = vector.broadcast %broadcast_in_dim3A_306 : f32 to vector<16xf32>
    %swap3A_308 = arith.constant 80 : index
    %swap3A_309 = tpu.vector_load %arg10[%swap3A_308] {strides = array<i32>} : memref<128xf32, #tpu.memory_space<vmem>>, vector<16xf32>,
    %swap3A_310 = vector.shape_cast %swap3A_309 : vector<16xf32> to vector<16xf32>
    %swap3A_311 = vector.shape_cast %broadcast_in_dim3A_307 : vector<16xf32> to vector<16xf32>
    tpu.vector_store %arg10[%swap3A_308], %swap3A_311 {strides = array<i32>} : memref<128xf32, #tpu.memory_space<vmem>>, vector<16xf32>,
    %broadcast_in_dim3A_312 = arith.constant 1.000000e+00 : f32
    %broadcast_in_dim3A_313 = vector.broadcast %broadcast_in_dim3A_312 : f32 to vector<16xf32>
    %swap3A_314 = arith.constant 96 : index
    %swap3A_315 = tpu.vector_load %arg10[%swap3A_314] {strides = array<i32>} : memref<128xf32, #tpu.memory_space<vmem>>, vector<16xf32>,
    %swap3A_316 = vector.shape_cast %swap3A_315 : vector<16xf32> to vector<16xf32>
    %swap3A_317 = vector.shape_cast %broadcast_in_dim3A_313 : vector<16xf32> to vector<16xf32>
    tpu.vector_store %arg10[%swap3A_314], %swap3A_317 {strides = array<i32>} : memref<128xf32, #tpu.memory_space<vmem>>, vector<16xf32>,
    %broadcast_in_dim3A_318 = arith.constant 1.000000e+00 : f32
    %broadcast_in_dim3A_319 = vector.broadcast %broadcast_in_dim3A_318 : f32 to vector<16xf32>
    %swap3A_320 = arith.constant 112 : index
    %swap3A_321 = tpu.vector_load %arg10[%swap3A_320] {strides = array<i32>} : memref<128xf32, #tpu.memory_space<vmem>>, vector<16xf32>,
    %swap3A_322 = vector.shape_cast %swap3A_321 : vector<16xf32> to vector<16xf32>
    %swap3A_323 = vector.shape_cast %broadcast_in_dim3A_319 : vector<16xf32> to vector<16xf32>
    tpu.vector_store %arg10[%swap3A_320], %swap3A_323 {strides = array<i32>} : memref<128xf32, #tpu.memory_space<vmem>>, vector<16xf32>,
    %barrier3A = arith.constant 0 : index
    tpu.barrier barrier_id(%barrier3A)
    %dma_start3A = arith.constant 0 : i32
    %dma_start3A_324 = arith.constant 0 : i32
    %dma_start3A_325 = tpu.memref_slice %arg7[%dma_start3A, %dma_start3A_324] : memref<80x128xi32, #tpu.memory_space<vmem>> -> memref<1x128xi32, #tpu.memory_space<vmem>>
    %dma_start3A_326 = tpu.memref_squeeze %dma_start3A_325 : memref<1x128xi32, #tpu.memory_space<vmem>> -> memref<128xi32, #tpu.memory_space<vmem>>
    %dma_start3A_327 = arith.constant 0 : i32
    %dma_start3A_328 = arith.constant 0 : i32
    %dma_start3A_329 = tpu.memref_slice %arg3[%dma_start3A_327, %dma_start3A_328] : memref<10240x128xf32, #tpu.memory_space<hbm>> -> memref<10240x128xf32, #tpu.memory_space<hbm>>
    tpu.enqueue_indirect_dma source(%dma_start3A_329 : memref<10240x128xf32, #tpu.memory_space<hbm>>) target(%arg9 : memref<128x128xf32, #tpu.memory_space<vmem>>) offsets(%dma_start3A_326 : memref<128xi32, #tpu.memory_space<vmem>>) semaphore(%arg15 : memref<!tpu.dma_semaphore, #tpu.memory_space<semaphore_mem>>)
    %scan3A_330 = arith.constant 0 : i32
    %scan3A_331 = arith.constant 0 : i32
    %scan3A_332 = arith.constant 80 : i32
    %scan3A_333 = arith.addi %scan3A_331, %scan3A_332 : i32
    %scan3A_334 = arith.constant 1 : i32
    %scan3A_335 = scf.for %scan3A_340 = %scan3A_331 to %scan3A_333 step %scan3A_334 iter_args(%scan3A_341 = %scan3A_330) -> (i32)  : i32 {
      %dma_wait3A = arith.constant 0 : i32
      %dma_wait3A_342 = arith.constant 0 : i32
      %dma_wait3A_343 = tpu.memref_slice %arg7[%dma_wait3A, %dma_wait3A_342] : memref<80x128xi32, #tpu.memory_space<vmem>> -> memref<1x128xi32, #tpu.memory_space<vmem>>
      %dma_wait3A_344 = tpu.memref_squeeze %dma_wait3A_343 : memref<1x128xi32, #tpu.memory_space<vmem>> -> memref<128xi32, #tpu.memory_space<vmem>>
      %dma_wait3A_345 = arith.constant 0 : i32
      %dma_wait3A_346 = arith.constant 0 : i32
      %dma_wait3A_347 = tpu.memref_slice %arg3[%dma_wait3A_345, %dma_wait3A_346] : memref<10240x128xf32, #tpu.memory_space<hbm>> -> memref<10240x128xf32, #tpu.memory_space<hbm>>
      tpu.wait_indirect_dma semaphore(%arg15 : memref<!tpu.dma_semaphore, #tpu.memory_space<semaphore_mem>>) src(%dma_wait3A_347 : memref<10240x128xf32, #tpu.memory_space<hbm>>) dst(%arg9 : memref<128x128xf32, #tpu.memory_space<vmem>>)
      "tpu.region"() ({
        %run_scoped3A = tpu.sem_alloc : memref<!tpu.dma_semaphore, #tpu.memory_space<semaphore_mem>>
        %dma_start3A_353 = arith.constant 0 : i32
        %dma_start3A_354 = tpu.memref_slice %arg8[%scan3A_340, %dma_start3A_353] : memref<80x128xi32, #tpu.memory_space<vmem>> -> memref<1x128xi32, #tpu.memory_space<vmem>>
        %dma_start3A_355 = tpu.memref_squeeze %dma_start3A_354 : memref<1x128xi32, #tpu.memory_space<vmem>> -> memref<128xi32, #tpu.memory_space<vmem>>
        %dma_start3A_356 = arith.constant 0 : i32
        %dma_start3A_357 = arith.constant 0 : i32
        %dma_start3A_358 = tpu.memref_slice %arg12[%dma_start3A_356, %dma_start3A_357] : memref<10240x128xf32, #tpu.memory_space<vmem_shared>> -> memref<10240x128xf32, #tpu.memory_space<vmem_shared>>
        tpu.enqueue_indirect_dma source(%arg9 : memref<128x128xf32, #tpu.memory_space<vmem>>) target(%dma_start3A_358 : memref<10240x128xf32, #tpu.memory_space<vmem_shared>>) offsets(%dma_start3A_355 : memref<128xi32, #tpu.memory_space<vmem>>) semaphore(%run_scoped3A : memref<!tpu.dma_semaphore, #tpu.memory_space<semaphore_mem>>) {add = true}
        %dma_wait3A_359 = arith.constant 0 : i32
        %dma_wait3A_360 = tpu.memref_slice %arg8[%scan3A_340, %dma_wait3A_359] : memref<80x128xi32, #tpu.memory_space<vmem>> -> memref<1x128xi32, #tpu.memory_space<vmem>>
        %dma_wait3A_361 = tpu.memref_squeeze %dma_wait3A_360 : memref<1x128xi32, #tpu.memory_space<vmem>> -> memref<128xi32, #tpu.memory_space<vmem>>
        %dma_wait3A_362 = arith.constant 0 : i32
        %dma_wait3A_363 = arith.constant 0 : i32
        %dma_wait3A_364 = tpu.memref_slice %arg12[%dma_wait3A_362, %dma_wait3A_363] : memref<10240x128xf32, #tpu.memory_space<vmem_shared>> -> memref<10240x128xf32, #tpu.memory_space<vmem_shared>>
        tpu.wait_indirect_dma semaphore(%run_scoped3A : memref<!tpu.dma_semaphore, #tpu.memory_space<semaphore_mem>>) src(%arg9 : memref<128x128xf32, #tpu.memory_space<vmem>>) dst(%dma_wait3A_364 : memref<10240x128xf32, #tpu.memory_space<vmem_shared>>)
        tpu.yield
      }) : () -> ()
      %add3A_348 = arith.constant 1 : i32
      %add3A_349 = arith.addi %scan3A_340, %add3A_348 : i32
      %lt3A = arith.constant 80 : i32
      %lt3A_350 = arith.cmpi slt, %add3A_349, %lt3A : i32
      %convert_element_type3A = arith.extui %lt3A_350 : i1 to i32
      %cond3A = arith.constant 0 : i32
      %cond3A_351 = arith.cmpi ne, %convert_element_type3A, %cond3A : i32
      scf.if %cond3A_351 {
        %add3A_353 = arith.constant 1 : i32
        %add3A_354 = arith.addi %scan3A_340, %add3A_353 : i32
        %dma_start3A_355 = arith.constant 0 : i32
        %dma_start3A_356 = tpu.memref_slice %arg7[%add3A_354, %dma_start3A_355] : memref<80x128xi32, #tpu.memory_space<vmem>> -> memref<1x128xi32, #tpu.memory_space<vmem>>
        %dma_start3A_357 = tpu.memref_squeeze %dma_start3A_356 : memref<1x128xi32, #tpu.memory_space<vmem>> -> memref<128xi32, #tpu.memory_space<vmem>>
        %dma_start3A_358 = arith.constant 0 : i32
        %dma_start3A_359 = arith.constant 0 : i32
        %dma_start3A_360 = tpu.memref_slice %arg3[%dma_start3A_358, %dma_start3A_359] : memref<10240x128xf32, #tpu.memory_space<hbm>> -> memref<10240x128xf32, #tpu.memory_space<hbm>>
        tpu.enqueue_indirect_dma source(%dma_start3A_360 : memref<10240x128xf32, #tpu.memory_space<hbm>>) target(%arg9 : memref<128x128xf32, #tpu.memory_space<vmem>>) offsets(%dma_start3A_357 : memref<128xi32, #tpu.memory_space<vmem>>) semaphore(%arg15 : memref<!tpu.dma_semaphore, #tpu.memory_space<semaphore_mem>>)
      } else {
      }
      "tpu.region"() ({
        %run_scoped3A = tpu.sem_alloc : memref<!tpu.dma_semaphore, #tpu.memory_space<semaphore_mem>>
        %dma_start3A_353 = arith.constant 0 : i32
        %dma_start3A_354 = tpu.memref_slice %arg8[%scan3A_340, %dma_start3A_353] : memref<80x128xi32, #tpu.memory_space<vmem>> -> memref<1x128xi32, #tpu.memory_space<vmem>>
        %dma_start3A_355 = tpu.memref_squeeze %dma_start3A_354 : memref<1x128xi32, #tpu.memory_space<vmem>> -> memref<128xi32, #tpu.memory_space<vmem>>
        %dma_start3A_356 = arith.constant 0 : i32
        %dma_start3A_357 = tpu.memref_slice %arg13[%dma_start3A_356] : memref<10240xf32, #tpu.memory_space<vmem_shared>> -> memref<10240xf32, #tpu.memory_space<vmem_shared>>
        tpu.enqueue_indirect_dma source(%arg10 : memref<128xf32, #tpu.memory_space<vmem>>) target(%dma_start3A_357 : memref<10240xf32, #tpu.memory_space<vmem_shared>>) offsets(%dma_start3A_355 : memref<128xi32, #tpu.memory_space<vmem>>) semaphore(%run_scoped3A : memref<!tpu.dma_semaphore, #tpu.memory_space<semaphore_mem>>) {add = true}
        %dma_wait3A_358 = arith.constant 0 : i32
        %dma_wait3A_359 = tpu.memref_slice %arg8[%scan3A_340, %dma_wait3A_358] : memref<80x128xi32, #tpu.memory_space<vmem>> -> memref<1x128xi32, #tpu.memory_space<vmem>>
        %dma_wait3A_360 = tpu.memref_squeeze %dma_wait3A_359 : memref<1x128xi32, #tpu.memory_space<vmem>> -> memref<128xi32, #tpu.memory_space<vmem>>
        %dma_wait3A_361 = arith.constant 0 : i32
        %dma_wait3A_362 = tpu.memref_slice %arg13[%dma_wait3A_361] : memref<10240xf32, #tpu.memory_space<vmem_shared>> -> memref<10240xf32, #tpu.memory_space<vmem_shared>>
        tpu.wait_indirect_dma semaphore(%run_scoped3A : memref<!tpu.dma_semaphore, #tpu.memory_space<semaphore_mem>>) src(%arg10 : memref<128xf32, #tpu.memory_space<vmem>>) dst(%dma_wait3A_362 : memref<10240xf32, #tpu.memory_space<vmem_shared>>)
        tpu.yield
      }) : () -> ()
      "tpu.region"() ({
        %run_scoped3A = tpu.sem_alloc : memref<!tpu.dma_semaphore, #tpu.memory_space<semaphore_mem>>
        %dma_start3A_353 = arith.constant 0 : i32
        %dma_start3A_354 = tpu.memref_slice %arg7[%scan3A_340, %dma_start3A_353] : memref<80x128xi32, #tpu.memory_space<vmem>> -> memref<1x128xi32, #tpu.memory_space<vmem>>
        %dma_start3A_355 = tpu.memref_squeeze %dma_start3A_354 : memref<1x128xi32, #tpu.memory_space<vmem>> -> memref<128xi32, #tpu.memory_space<vmem>>
        %dma_start3A_356 = arith.constant 0 : i32
        %dma_start3A_357 = tpu.memref_slice %arg14[%dma_start3A_356] : memref<10240xf32, #tpu.memory_space<vmem_shared>> -> memref<10240xf32, #tpu.memory_space<vmem_shared>>
        tpu.enqueue_indirect_dma source(%arg10 : memref<128xf32, #tpu.memory_space<vmem>>) target(%dma_start3A_357 : memref<10240xf32, #tpu.memory_space<vmem_shared>>) offsets(%dma_start3A_355 : memref<128xi32, #tpu.memory_space<vmem>>) semaphore(%run_scoped3A : memref<!tpu.dma_semaphore, #tpu.memory_space<semaphore_mem>>) {add = true}
        %dma_wait3A_358 = arith.constant 0 : i32
        %dma_wait3A_359 = tpu.memref_slice %arg7[%scan3A_340, %dma_wait3A_358] : memref<80x128xi32, #tpu.memory_space<vmem>> -> memref<1x128xi32, #tpu.memory_space<vmem>>
        %dma_wait3A_360 = tpu.memref_squeeze %dma_wait3A_359 : memref<1x128xi32, #tpu.memory_space<vmem>> -> memref<128xi32, #tpu.memory_space<vmem>>
        %dma_wait3A_361 = arith.constant 0 : i32
        %dma_wait3A_362 = tpu.memref_slice %arg14[%dma_wait3A_361] : memref<10240xf32, #tpu.memory_space<vmem_shared>> -> memref<10240xf32, #tpu.memory_space<vmem_shared>>
        tpu.wait_indirect_dma semaphore(%run_scoped3A : memref<!tpu.dma_semaphore, #tpu.memory_space<semaphore_mem>>) src(%arg10 : memref<128xf32, #tpu.memory_space<vmem>>) dst(%dma_wait3A_362 : memref<10240xf32, #tpu.memory_space<vmem_shared>>)
        tpu.yield
      }) : () -> ()
      %scan3A_352 = arith.constant 0 : i32
      scf.yield %scan3A_352 : i32
    }
    %scan3A_336 = arith.constant 80 : i32
    %barrier3A_337 = arith.constant 0 : index
    tpu.barrier barrier_id(%barrier3A_337)
    %mul3A_338 = arith.constant 640 : i32
    %mul3A_339 = arith.muli %arg1, %mul3A_338 : i32
    "tpu.region"() ({
      %run_scoped3A = tpu.sem_alloc : memref<!tpu.dma_semaphore, #tpu.memory_space<semaphore_mem>>
      %dma_start3A_340 = arith.constant 0 : i32
      %dma_start3A_341 = arith.constant 0 : i32
      %dma_start3A_342 = tpu.memref_slice %arg4[%arg0, %dma_start3A_340, %dma_start3A_341] : memref<2x10240x128xf32, #tpu.memory_space<hbm>> -> memref<1x10240x128xf32, #tpu.memory_space<hbm>>
      %dma_start3A_343 = tpu.memref_squeeze %dma_start3A_342 : memref<1x10240x128xf32, #tpu.memory_space<hbm>> -> memref<10240x128xf32, #tpu.memory_space<hbm>>
      %dma_start3A_344 = arith.constant 0 : i32
      %dma_start3A_345 = tpu.memref_slice %dma_start3A_343[%mul3A_339, %dma_start3A_344] : memref<10240x128xf32, #tpu.memory_space<hbm>> -> memref<640x128xf32, #tpu.memory_space<hbm>>
      %dma_start3A_346 = arith.constant 0 : i32
      %dma_start3A_347 = tpu.memref_slice %arg12[%mul3A_339, %dma_start3A_346] : memref<10240x128xf32, #tpu.memory_space<vmem_shared>> -> memref<640x128xf32, #tpu.memory_space<vmem_shared>>
      tpu.enqueue_dma source(%dma_start3A_347 : memref<640x128xf32, #tpu.memory_space<vmem_shared>>) target(%dma_start3A_345 : memref<640x128xf32, #tpu.memory_space<hbm>>) target_semaphore(%run_scoped3A : memref<!tpu.dma_semaphore, #tpu.memory_space<semaphore_mem>>)
      %dma_wait3A = arith.constant 0 : i32
      %dma_wait3A_348 = arith.constant 0 : i32
      %dma_wait3A_349 = tpu.memref_slice %arg4[%arg0, %dma_wait3A, %dma_wait3A_348] : memref<2x10240x128xf32, #tpu.memory_space<hbm>> -> memref<1x10240x128xf32, #tpu.memory_space<hbm>>
      %dma_wait3A_350 = tpu.memref_squeeze %dma_wait3A_349 : memref<1x10240x128xf32, #tpu.memory_space<hbm>> -> memref<10240x128xf32, #tpu.memory_space<hbm>>
      %dma_wait3A_351 = arith.constant 0 : i32
      %dma_wait3A_352 = tpu.memref_slice %dma_wait3A_350[%mul3A_339, %dma_wait3A_351] : memref<10240x128xf32, #tpu.memory_space<hbm>> -> memref<640x128xf32, #tpu.memory_space<hbm>>
      %dma_wait3A_353 = arith.constant 0 : i32
      %dma_wait3A_354 = tpu.memref_slice %arg12[%mul3A_339, %dma_wait3A_353] : memref<10240x128xf32, #tpu.memory_space<vmem_shared>> -> memref<640x128xf32, #tpu.memory_space<vmem_shared>>
      tpu.wait_dma2 semaphore(%run_scoped3A : memref<!tpu.dma_semaphore, #tpu.memory_space<semaphore_mem>>) src(%dma_wait3A_354 : memref<640x128xf32, #tpu.memory_space<vmem_shared>>) dst(%dma_wait3A_352 : memref<640x128xf32, #tpu.memory_space<hbm>>)
      tpu.yield
    }) : () -> ()
    "tpu.region"() ({
      %run_scoped3A = tpu.sem_alloc : memref<!tpu.dma_semaphore, #tpu.memory_space<semaphore_mem>>
      %dma_start3A_340 = arith.constant 0 : i32
      %dma_start3A_341 = tpu.memref_slice %arg5[%arg0, %dma_start3A_340] : memref<2x10240xf32, #tpu.memory_space<hbm>> -> memref<1x10240xf32, #tpu.memory_space<hbm>>
      %dma_start3A_342 = tpu.memref_squeeze %dma_start3A_341 : memref<1x10240xf32, #tpu.memory_space<hbm>> -> memref<10240xf32, #tpu.memory_space<hbm>>
      %dma_start3A_343 = tpu.memref_slice %dma_start3A_342[%mul3A_339] : memref<10240xf32, #tpu.memory_space<hbm>> -> memref<640xf32, #tpu.memory_space<hbm>>
      %dma_start3A_344 = tpu.memref_slice %arg13[%mul3A_339] : memref<10240xf32, #tpu.memory_space<vmem_shared>> -> memref<640xf32, #tpu.memory_space<vmem_shared>>
      tpu.enqueue_dma source(%dma_start3A_344 : memref<640xf32, #tpu.memory_space<vmem_shared>>) target(%dma_start3A_343 : memref<640xf32, #tpu.memory_space<hbm>>) target_semaphore(%run_scoped3A : memref<!tpu.dma_semaphore, #tpu.memory_space<semaphore_mem>>)
      %dma_wait3A = arith.constant 0 : i32
      %dma_wait3A_345 = tpu.memref_slice %arg5[%arg0, %dma_wait3A] : memref<2x10240xf32, #tpu.memory_space<hbm>> -> memref<1x10240xf32, #tpu.memory_space<hbm>>
      %dma_wait3A_346 = tpu.memref_squeeze %dma_wait3A_345 : memref<1x10240xf32, #tpu.memory_space<hbm>> -> memref<10240xf32, #tpu.memory_space<hbm>>
      %dma_wait3A_347 = tpu.memref_slice %dma_wait3A_346[%mul3A_339] : memref<10240xf32, #tpu.memory_space<hbm>> -> memref<640xf32, #tpu.memory_space<hbm>>
      %dma_wait3A_348 = tpu.memref_slice %arg13[%mul3A_339] : memref<10240xf32, #tpu.memory_space<vmem_shared>> -> memref<640xf32, #tpu.memory_space<vmem_shared>>
      tpu.wait_dma2 semaphore(%run_scoped3A : memref<!tpu.dma_semaphore, #tpu.memory_space<semaphore_mem>>) src(%dma_wait3A_348 : memref<640xf32, #tpu.memory_space<vmem_shared>>) dst(%dma_wait3A_347 : memref<640xf32, #tpu.memory_space<hbm>>)
      tpu.yield
    }) : () -> ()
    "tpu.region"() ({
      %run_scoped3A = tpu.sem_alloc : memref<!tpu.dma_semaphore, #tpu.memory_space<semaphore_mem>>
      %dma_start3A_340 = arith.constant 0 : i32
      %dma_start3A_341 = tpu.memref_slice %arg6[%arg0, %dma_start3A_340] : memref<2x10240xf32, #tpu.memory_space<hbm>> -> memref<1x10240xf32, #tpu.memory_space<hbm>>
      %dma_start3A_342 = tpu.memref_squeeze %dma_start3A_341 : memref<1x10240xf32, #tpu.memory_space<hbm>> -> memref<10240xf32, #tpu.memory_space<hbm>>
      %dma_start3A_343 = tpu.memref_slice %dma_start3A_342[%mul3A_339] : memref<10240xf32, #tpu.memory_space<hbm>> -> memref<640xf32, #tpu.memory_space<hbm>>
      %dma_start3A_344 = tpu.memref_slice %arg14[%mul3A_339] : memref<10240xf32, #tpu.memory_space<vmem_shared>> -> memref<640xf32, #tpu.memory_space<vmem_shared>>
      tpu.enqueue_dma source(%dma_start3A_344 : memref<640xf32, #tpu.memory_space<vmem_shared>>) target(%dma_start3A_343 : memref<640xf32, #tpu.memory_space<hbm>>) target_semaphore(%run_scoped3A : memref<!tpu.dma_semaphore, #tpu.memory_space<semaphore_mem>>)
      %dma_wait3A = arith.constant 0 : i32
      %dma_wait3A_345 = tpu.memref_slice %arg6[%arg0, %dma_wait3A] : memref<2x10240xf32, #tpu.memory_space<hbm>> -> memref<1x10240xf32, #tpu.memory_space<hbm>>
      %dma_wait3A_346 = tpu.memref_squeeze %dma_wait3A_345 : memref<1x10240xf32, #tpu.memory_space<hbm>> -> memref<10240xf32, #tpu.memory_space<hbm>>
      %dma_wait3A_347 = tpu.memref_slice %dma_wait3A_346[%mul3A_339] : memref<10240xf32, #tpu.memory_space<hbm>> -> memref<640xf32, #tpu.memory_space<hbm>>
      %dma_wait3A_348 = tpu.memref_slice %arg14[%mul3A_339] : memref<10240xf32, #tpu.memory_space<vmem_shared>> -> memref<640xf32, #tpu.memory_space<vmem_shared>>
      tpu.wait_dma2 semaphore(%run_scoped3A : memref<!tpu.dma_semaphore, #tpu.memory_space<semaphore_mem>>) src(%dma_wait3A_348 : memref<640xf32, #tpu.memory_space<vmem_shared>>) dst(%dma_wait3A_347 : memref<640xf32, #tpu.memory_space<hbm>>)
      tpu.yield
    }) : () -> ()
    return
  }
}

module attributes {stable_mosaic.version = 14 : i64} {
  func.func @body(%arg0: i32, %arg1: memref<640x128xf32, #tpu.memory_space<vmem>>, %arg2: memref<2x640x128xf32, #tpu.memory_space<vmem>>, %arg3: memref<2x640x1xf32, #tpu.memory_space<vmem>>, %arg4: memref<2x640x1xf32, #tpu.memory_space<vmem>>, %arg5: memref<128x256xf32, #tpu.memory_space<vmem>>, %arg6: memref<128x256xf32, #tpu.memory_space<vmem>>, %arg7: memref<1x256xf32, #tpu.memory_space<vmem>>, %arg8: memref<640x128xf32, #tpu.memory_space<vmem>>, %arg9: memref<640x128xf32, #tpu.memory_space<vmem>>, %arg10: memref<640x1xf32, #tpu.memory_space<vmem>>, %arg11: memref<640x1xf32, #tpu.memory_space<vmem>>) attributes {dimension_semantics = [#tpu.dimension_semantics<arbitrary>], iteration_bounds = array<i64: 16>, scalar_prefetch = 0 : i64, scratch_operands = 0 : i64, tpu.core_type = #tpu.core_type<tc>, window_params = [{transform_indices = @transform_0, window_bounds = array<i64: 640, 128>}, {transform_indices = @transform_1, window_bounds = array<i64: 2, 640, 128>}, {transform_indices = @transform_2, window_bounds = array<i64: 2, 640, 1>}, {transform_indices = @transform_3, window_bounds = array<i64: 2, 640, 1>}, {pipeline_mode = #tpu.pipeline_mode<synchronous>, transform_indices = @transform_4, window_bounds = array<i64: 128, 256>}, {pipeline_mode = #tpu.pipeline_mode<synchronous>, transform_indices = @transform_5, window_bounds = array<i64: 128, 256>}, {pipeline_mode = #tpu.pipeline_mode<synchronous>, transform_indices = @transform_6, window_bounds = array<i64: 1, 256>}, {transform_indices = @transform_7, window_bounds = array<i64: 640, 128>}, {transform_indices = @transform_8, window_bounds = array<i64: 640, 128>}, {transform_indices = @transform_9, window_bounds = array<i64: 640, 1>}, {transform_indices = @transform_10, window_bounds = array<i64: 640, 1>}]} {
    %get3A = arith.constant 0 : index
    %get3A_0 = arith.constant 0 : index
    %get3A_1 = vector.load %arg1[%get3A, %get3A_0] : memref<640x128xf32, #tpu.memory_space<vmem>>, vector<640x128xf32>
    %get3A_2 = arith.constant 0 : index
    %get3A_3 = arith.constant 0 : index
    %get3A_4 = arith.constant 0 : index
    %get3A_5 = vector.load %arg2[%get3A_2, %get3A_3, %get3A_4] : memref<2x640x128xf32, #tpu.memory_space<vmem>>, vector<1x640x128xf32>
    %get3A_6 = vector.shape_cast %get3A_5 : vector<1x640x128xf32> to vector<640x128xf32>
    %get3A_7 = arith.constant 1 : index
    %get3A_8 = arith.constant 0 : index
    %get3A_9 = arith.constant 0 : index
    %get3A_10 = vector.load %arg2[%get3A_7, %get3A_8, %get3A_9] : memref<2x640x128xf32, #tpu.memory_space<vmem>>, vector<1x640x128xf32>
    %get3A_11 = vector.shape_cast %get3A_10 : vector<1x640x128xf32> to vector<640x128xf32>
    %add3A = arith.addf %get3A_6, %get3A_11 : vector<640x128xf32>
    %get3A_12 = arith.constant 0 : index
    %get3A_13 = arith.constant 0 : index
    %get3A_14 = arith.constant 0 : index
    %get3A_15 = vector.load %arg3[%get3A_12, %get3A_13, %get3A_14] : memref<2x640x1xf32, #tpu.memory_space<vmem>>, vector<1x640x1xf32>
    %get3A_16 = vector.shape_cast %get3A_15 : vector<1x640x1xf32> to vector<640x1xf32>
    %get3A_17 = arith.constant 1 : index
    %get3A_18 = arith.constant 0 : index
    %get3A_19 = arith.constant 0 : index
    %get3A_20 = vector.load %arg3[%get3A_17, %get3A_18, %get3A_19] : memref<2x640x1xf32, #tpu.memory_space<vmem>>, vector<1x640x1xf32>
    %get3A_21 = vector.shape_cast %get3A_20 : vector<1x640x1xf32> to vector<640x1xf32>
    %add3A_22 = arith.addf %get3A_16, %get3A_21 : vector<640x1xf32>
    %get3A_23 = arith.constant 0 : index
    %get3A_24 = arith.constant 0 : index
    %get3A_25 = arith.constant 0 : index
    %get3A_26 = vector.load %arg4[%get3A_23, %get3A_24, %get3A_25] : memref<2x640x1xf32, #tpu.memory_space<vmem>>, vector<1x640x1xf32>
    %get3A_27 = vector.shape_cast %get3A_26 : vector<1x640x1xf32> to vector<640x1xf32>
    %get3A_28 = arith.constant 1 : index
    %get3A_29 = arith.constant 0 : index
    %get3A_30 = arith.constant 0 : index
    %get3A_31 = vector.load %arg4[%get3A_28, %get3A_29, %get3A_30] : memref<2x640x1xf32, #tpu.memory_space<vmem>>, vector<1x640x1xf32>
    %get3A_32 = vector.shape_cast %get3A_31 : vector<1x640x1xf32> to vector<640x1xf32>
    %add3A_33 = arith.addf %get3A_27, %get3A_32 : vector<640x1xf32>
    %max3A = arith.constant 1.000000e+00 : f32
    %max3A_34 = vector.broadcast %max3A : f32 to vector<640x1xf32>
    %max3A_35 = arith.maximumf %add3A_22, %max3A_34 : vector<640x1xf32>
    %div3A = arith.constant 1.000000e+00 : f32
    %div3A_36 = vector.broadcast %div3A : f32 to vector<640x1xf32>
    %div3A_37 = arith.divf %div3A_36, %max3A_35 : vector<640x1xf32>
    %mul3A = vector.broadcast %div3A_37 : vector<640x1xf32> to vector<640x128xf32>
    %mul3A_38 = arith.mulf %add3A, %mul3A : vector<640x128xf32>
    %get3A_39 = arith.constant 0 : index
    %get3A_40 = arith.constant 0 : index
    %get3A_41 = vector.load %arg5[%get3A_39, %get3A_40] : memref<128x256xf32, #tpu.memory_space<vmem>>, vector<128x256xf32>
    %dot_general3A = arith.constant dense<0.000000e+00> : vector<640x256xf32>
    %dot_general3A_42 = tpu.matmul %get3A_1, %get3A_41, %dot_general3A {dimension_numbers = #tpu.dot_dimension_numbers<[1], [0], [0], [1], [0, 0, 1, 1], [], []>, transpose_lhs_hint = false} : vector<640x128xf32>, vector<128x256xf32>, vector<640x256xf32> -> vector<640x256xf32>
    %get3A_43 = arith.constant 0 : index
    %get3A_44 = arith.constant 0 : index
    %get3A_45 = vector.load %arg7[%get3A_43, %get3A_44] : memref<1x256xf32, #tpu.memory_space<vmem>>, vector<1x256xf32>
    %add3A_46 = vector.broadcast %get3A_45 : vector<1x256xf32> to vector<640x256xf32>
    %add3A_47 = arith.addf %dot_general3A_42, %add3A_46 : vector<640x256xf32>
    %get3A_48 = arith.constant 0 : index
    %get3A_49 = arith.constant 0 : index
    %get3A_50 = vector.load %arg6[%get3A_48, %get3A_49] : memref<128x256xf32, #tpu.memory_space<vmem>>, vector<128x256xf32>
    %dot_general3A_51 = arith.constant dense<0.000000e+00> : vector<640x256xf32>
    %dot_general3A_52 = tpu.matmul %mul3A_38, %get3A_50, %dot_general3A_51 {dimension_numbers = #tpu.dot_dimension_numbers<[1], [0], [0], [1], [0, 0, 1, 1], [], []>, transpose_lhs_hint = false} : vector<640x128xf32>, vector<128x256xf32>, vector<640x256xf32> -> vector<640x256xf32>
    %add3A_53 = arith.addf %add3A_47, %dot_general3A_52 : vector<640x256xf32>
    %ge3A = arith.constant 0.000000e+00 : f32
    %ge3A_54 = vector.broadcast %ge3A : f32 to vector<640x256xf32>
    %ge3A_55 = arith.cmpf oge, %add3A_53, %ge3A_54 : vector<640x256xf32>
    %mul3A_56 = arith.constant 0.00999999977 : f32
    %mul3A_57 = vector.broadcast %mul3A_56 : f32 to vector<640x256xf32>
    %mul3A_58 = arith.mulf %mul3A_57, %add3A_53 : vector<640x256xf32>
    %select_n3A = arith.select %ge3A_55, %add3A_53, %mul3A_58 : vector<640x256xi1>, vector<640x256xf32>
    %mul3A_59 = arith.constant 640 : i32
    %mul3A_60 = arith.muli %arg0, %mul3A_59 : i32
    %iota3A = tpu.iota {dimensions = array<i32: 0>} : vector<640x1xi32>
    %add3A_61 = vector.broadcast %mul3A_60 : i32 to vector<640x1xi32>
    %add3A_62 = arith.addi %add3A_61, %iota3A : vector<640x1xi32>
    %lt3A = arith.constant 10000 : i32
    %lt3A_63 = vector.broadcast %lt3A : i32 to vector<640x1xi32>
    %lt3A_64 = arith.cmpi slt, %add3A_62, %lt3A_63 : vector<640x1xi32>
    %max3A_65 = arith.constant 1.000000e+00 : f32
    %max3A_66 = vector.broadcast %max3A_65 : f32 to vector<640x1xf32>
    %max3A_67 = arith.maximumf %add3A_33, %max3A_66 : vector<640x1xf32>
    %rsqrt3A = math.rsqrt %max3A_67 : vector<640x1xf32>
    %jit3A = arith.constant 0.000000e+00 : f32
    %broadcast_in_dim3A = vector.broadcast %jit3A : f32 to vector<640x1xf32>
    %select_n3A_68 = arith.select %lt3A_64, %rsqrt3A, %broadcast_in_dim3A : vector<640x1xi1>, vector<640x1xf32>
    %max3A_69 = arith.constant 1.000000e+00 : f32
    %max3A_70 = vector.broadcast %max3A_69 : f32 to vector<640x1xf32>
    %max3A_71 = arith.maximumf %add3A_22, %max3A_70 : vector<640x1xf32>
    %rsqrt3A_72 = math.rsqrt %max3A_71 : vector<640x1xf32>
    %jit3A_73 = arith.constant 0.000000e+00 : f32
    %broadcast_in_dim3A_74 = vector.broadcast %jit3A_73 : f32 to vector<640x1xf32>
    %select_n3A_75 = arith.select %lt3A_64, %rsqrt3A_72, %broadcast_in_dim3A_74 : vector<640x1xi1>, vector<640x1xf32>
    %mul3A_76 = vector.broadcast %select_n3A_68 : vector<640x1xf32> to vector<640x256xf32>
    %mul3A_77 = arith.mulf %select_n3A, %mul3A_76 : vector<640x256xf32>
    %slice3A = vector.extract_strided_slice %mul3A_77 {offsets = [0, 0], sizes = [640, 128], strides = [1, 1]} : vector<640x256xf32> to vector<640x128xf32>
    %swap3A = arith.constant 0 : index
    %swap3A_78 = arith.constant 0 : index
    %swap3A_79 = vector.load %arg8[%swap3A, %swap3A_78] : memref<640x128xf32, #tpu.memory_space<vmem>>, vector<640x128xf32>
    tpu.vector_store %arg8[%swap3A, %swap3A_78], %slice3A {strides = array<i32>} : memref<640x128xf32, #tpu.memory_space<vmem>>, vector<640x128xf32>,
    %slice3A_80 = vector.extract_strided_slice %mul3A_77 {offsets = [0, 128], sizes = [640, 128], strides = [1, 1]} : vector<640x256xf32> to vector<640x128xf32>
    %swap3A_81 = arith.constant 0 : index
    %swap3A_82 = arith.constant 0 : index
    %swap3A_83 = vector.load %arg9[%swap3A_81, %swap3A_82] : memref<640x128xf32, #tpu.memory_space<vmem>>, vector<640x128xf32>
    tpu.vector_store %arg9[%swap3A_81, %swap3A_82], %slice3A_80 {strides = array<i32>} : memref<640x128xf32, #tpu.memory_space<vmem>>, vector<640x128xf32>,
    %swap3A_84 = arith.constant 0 : index
    %swap3A_85 = arith.constant 0 : index
    %swap3A_86 = vector.load %arg10[%swap3A_84, %swap3A_85] : memref<640x1xf32, #tpu.memory_space<vmem>>, vector<640x1xf32>
    tpu.vector_store %arg10[%swap3A_84, %swap3A_85], %select_n3A_75 {strides = array<i32>} : memref<640x1xf32, #tpu.memory_space<vmem>>, vector<640x1xf32>,
    %swap3A_87 = arith.constant 0 : index
    %swap3A_88 = arith.constant 0 : index
    %swap3A_89 = vector.load %arg11[%swap3A_87, %swap3A_88] : memref<640x1xf32, #tpu.memory_space<vmem>>, vector<640x1xf32>
    tpu.vector_store %arg11[%swap3A_87, %swap3A_88], %select_n3A_68 {strides = array<i32>} : memref<640x1xf32, #tpu.memory_space<vmem>>, vector<640x1xf32>,
    return
  }
  func.func @transform_0(%arg0: i32) -> (i32, i32) {
    %c0_i32 = arith.constant 0 : i32
    %c0_i32_0 = arith.constant 0 : i32
    return %arg0, %c0_i32 : i32, i32
  }
  func.func @transform_1(%arg0: i32) -> (i32, i32, i32) {
    %c0_i32 = arith.constant 0 : i32
    %c0_i32_0 = arith.constant 0 : i32
    %c0_i32_1 = arith.constant 0 : i32
    return %c0_i32, %arg0, %c0_i32_0 : i32, i32, i32
  }
  func.func @transform_2(%arg0: i32) -> (i32, i32, i32) {
    %c0_i32 = arith.constant 0 : i32
    %c0_i32_0 = arith.constant 0 : i32
    %c0_i32_1 = arith.constant 0 : i32
    return %c0_i32, %arg0, %c0_i32_0 : i32, i32, i32
  }
  func.func @transform_3(%arg0: i32) -> (i32, i32, i32) {
    %c0_i32 = arith.constant 0 : i32
    %c0_i32_0 = arith.constant 0 : i32
    %c0_i32_1 = arith.constant 0 : i32
    return %c0_i32, %arg0, %c0_i32_0 : i32, i32, i32
  }
  func.func @transform_4(%arg0: i32) -> (i32, i32) {
    %c0_i32 = arith.constant 0 : i32
    %c0_i32_0 = arith.constant 0 : i32
    %c0_i32_1 = arith.constant 0 : i32
    return %c0_i32, %c0_i32_0 : i32, i32
  }
  func.func @transform_5(%arg0: i32) -> (i32, i32) {
    %c0_i32 = arith.constant 0 : i32
    %c0_i32_0 = arith.constant 0 : i32
    %c0_i32_1 = arith.constant 0 : i32
    return %c0_i32, %c0_i32_0 : i32, i32
  }
  func.func @transform_6(%arg0: i32) -> (i32, i32) {
    %c0_i32 = arith.constant 0 : i32
    %c0_i32_0 = arith.constant 0 : i32
    %c0_i32_1 = arith.constant 0 : i32
    return %c0_i32, %c0_i32_0 : i32, i32
  }
  func.func @transform_7(%arg0: i32) -> (i32, i32) {
    %c0_i32 = arith.constant 0 : i32
    %c0_i32_0 = arith.constant 0 : i32
    return %arg0, %c0_i32 : i32, i32
  }
  func.func @transform_8(%arg0: i32) -> (i32, i32) {
    %c0_i32 = arith.constant 0 : i32
    %c0_i32_0 = arith.constant 0 : i32
    return %arg0, %c0_i32 : i32, i32
  }
  func.func @transform_9(%arg0: i32) -> (i32, i32) {
    %c0_i32 = arith.constant 0 : i32
    %c0_i32_0 = arith.constant 0 : i32
    return %arg0, %c0_i32 : i32, i32
  }
  func.func @transform_10(%arg0: i32) -> (i32, i32) {
    %c0_i32 = arith.constant 0 : i32
    %c0_i32_0 = arith.constant 0 : i32
    return %arg0, %c0_i32 : i32, i32
  }
}

module attributes {stable_mosaic.version = 14 : i64} {
  func.func @body(%arg0: i32, %arg1: memref<2x640x128xf32, #tpu.memory_space<vmem>>, %arg2: memref<2x640x128xf32, #tpu.memory_space<vmem>>, %arg3: memref<640x1xf32, #tpu.memory_space<vmem>>, %arg4: memref<640x1xf32, #tpu.memory_space<vmem>>, %arg5: memref<2x640x1xf32, #tpu.memory_space<vmem>>, %arg6: memref<256x256xf32, #tpu.memory_space<vmem>>, %arg7: memref<1x256xf32, #tpu.memory_space<vmem>>, %arg8: memref<256x128xf32, #tpu.memory_space<vmem>>, %arg9: memref<1x128xf32, #tpu.memory_space<vmem>>, %arg10: memref<1x128xf32, #tpu.memory_space<vmem>>, %arg11: memref<1x256xf32, #tpu.memory_space<vmem>>) attributes {dimension_semantics = [#tpu.dimension_semantics<arbitrary>], iteration_bounds = array<i64: 16>, scalar_prefetch = 0 : i64, scratch_operands = 1 : i64, tpu.core_type = #tpu.core_type<tc>, window_params = [{transform_indices = @transform_0, window_bounds = array<i64: 2, 640, 128>}, {transform_indices = @transform_1, window_bounds = array<i64: 2, 640, 128>}, {transform_indices = @transform_2, window_bounds = array<i64: 640, 1>}, {transform_indices = @transform_3, window_bounds = array<i64: 640, 1>}, {transform_indices = @transform_4, window_bounds = array<i64: 2, 640, 1>}, {pipeline_mode = #tpu.pipeline_mode<synchronous>, transform_indices = @transform_5, window_bounds = array<i64: 256, 256>}, {pipeline_mode = #tpu.pipeline_mode<synchronous>, transform_indices = @transform_6, window_bounds = array<i64: 1, 256>}, {pipeline_mode = #tpu.pipeline_mode<synchronous>, transform_indices = @transform_7, window_bounds = array<i64: 256, 128>}, {pipeline_mode = #tpu.pipeline_mode<synchronous>, transform_indices = @transform_8, window_bounds = array<i64: 1, 128>}, {pipeline_mode = #tpu.pipeline_mode<synchronous>, transform_indices = @transform_9, window_bounds = array<i64: 1, 128>}]} {
    %eq3A = arith.constant 0 : i32
    %eq3A_0 = arith.cmpi eq, %arg0, %eq3A : i32
    %convert_element_type3A = arith.extui %eq3A_0 : i1 to i32
    %cond3A = arith.constant 0 : i32
    %cond3A_1 = arith.cmpi ne, %convert_element_type3A, %cond3A : i32
    scf.if %cond3A_1 {
      %broadcast_in_dim3A_69 = arith.constant 0.000000e+00 : f32
      %broadcast_in_dim3A_70 = vector.broadcast %broadcast_in_dim3A_69 : f32 to vector<1x256xf32>
      %swap3A_71 = arith.constant 0 : index
      %swap3A_72 = arith.constant 0 : index
      %swap3A_73 = vector.load %arg11[%swap3A_71, %swap3A_72] : memref<1x256xf32, #tpu.memory_space<vmem>>, vector<1x256xf32>
      tpu.vector_store %arg11[%swap3A_71, %swap3A_72], %broadcast_in_dim3A_70 {strides = array<i32>} : memref<1x256xf32, #tpu.memory_space<vmem>>, vector<1x256xf32>,
    } else {
    }
    %get3A = arith.constant 0 : index
    %get3A_2 = arith.constant 0 : index
    %get3A_3 = arith.constant 0 : index
    %get3A_4 = vector.load %arg1[%get3A, %get3A_2, %get3A_3] : memref<2x640x128xf32, #tpu.memory_space<vmem>>, vector<1x640x128xf32>
    %get3A_5 = vector.shape_cast %get3A_4 : vector<1x640x128xf32> to vector<640x128xf32>
    %get3A_6 = arith.constant 1 : index
    %get3A_7 = arith.constant 0 : index
    %get3A_8 = arith.constant 0 : index
    %get3A_9 = vector.load %arg1[%get3A_6, %get3A_7, %get3A_8] : memref<2x640x128xf32, #tpu.memory_space<vmem>>, vector<1x640x128xf32>
    %get3A_10 = vector.shape_cast %get3A_9 : vector<1x640x128xf32> to vector<640x128xf32>
    %add3A = arith.addf %get3A_5, %get3A_10 : vector<640x128xf32>
    %get3A_11 = arith.constant 0 : index
    %get3A_12 = arith.constant 0 : index
    %get3A_13 = arith.constant 0 : index
    %get3A_14 = vector.load %arg2[%get3A_11, %get3A_12, %get3A_13] : memref<2x640x128xf32, #tpu.memory_space<vmem>>, vector<1x640x128xf32>
    %get3A_15 = vector.shape_cast %get3A_14 : vector<1x640x128xf32> to vector<640x128xf32>
    %get3A_16 = arith.constant 1 : index
    %get3A_17 = arith.constant 0 : index
    %get3A_18 = arith.constant 0 : index
    %get3A_19 = vector.load %arg2[%get3A_16, %get3A_17, %get3A_18] : memref<2x640x128xf32, #tpu.memory_space<vmem>>, vector<1x640x128xf32>
    %get3A_20 = vector.shape_cast %get3A_19 : vector<1x640x128xf32> to vector<640x128xf32>
    %add3A_21 = arith.addf %get3A_15, %get3A_20 : vector<640x128xf32>
    %concatenate3A = tpu.concatenate %add3A, %add3A_21 in 1 : vector<640x128xf32>, vector<640x128xf32> -> vector<640x256xf32>
    %get3A_22 = arith.constant 0 : index
    %get3A_23 = arith.constant 0 : index
    %get3A_24 = vector.load %arg3[%get3A_22, %get3A_23] : memref<640x1xf32, #tpu.memory_space<vmem>>, vector<640x1xf32>
    %mul3A = vector.broadcast %get3A_24 : vector<640x1xf32> to vector<640x256xf32>
    %mul3A_25 = arith.mulf %concatenate3A, %mul3A : vector<640x256xf32>
    %get3A_26 = arith.constant 0 : index
    %get3A_27 = arith.constant 0 : index
    %get3A_28 = vector.load %arg6[%get3A_26, %get3A_27] : memref<256x256xf32, #tpu.memory_space<vmem>>, vector<256x256xf32>
    %dot_general3A = arith.constant dense<0.000000e+00> : vector<640x256xf32>
    %dot_general3A_29 = tpu.matmul %mul3A_25, %get3A_28, %dot_general3A {dimension_numbers = #tpu.dot_dimension_numbers<[1], [0], [0], [1], [0, 0, 1, 1], [], []>, transpose_lhs_hint = false} : vector<640x256xf32>, vector<256x256xf32>, vector<640x256xf32> -> vector<640x256xf32>
    %get3A_30 = arith.constant 0 : index
    %get3A_31 = arith.constant 0 : index
    %get3A_32 = vector.load %arg7[%get3A_30, %get3A_31] : memref<1x256xf32, #tpu.memory_space<vmem>>, vector<1x256xf32>
    %add3A_33 = vector.broadcast %get3A_32 : vector<1x256xf32> to vector<640x256xf32>
    %add3A_34 = arith.addf %dot_general3A_29, %add3A_33 : vector<640x256xf32>
    %ge3A = arith.constant 0.000000e+00 : f32
    %ge3A_35 = vector.broadcast %ge3A : f32 to vector<640x256xf32>
    %ge3A_36 = arith.cmpf oge, %add3A_34, %ge3A_35 : vector<640x256xf32>
    %mul3A_37 = arith.constant 0.00999999977 : f32
    %mul3A_38 = vector.broadcast %mul3A_37 : f32 to vector<640x256xf32>
    %mul3A_39 = arith.mulf %mul3A_38, %add3A_34 : vector<640x256xf32>
    %select_n3A = arith.select %ge3A_36, %add3A_34, %mul3A_39 : vector<640x256xi1>, vector<640x256xf32>
    %get3A_40 = arith.constant 0 : index
    %get3A_41 = arith.constant 0 : index
    %get3A_42 = vector.load %arg4[%get3A_40, %get3A_41] : memref<640x1xf32, #tpu.memory_space<vmem>>, vector<640x1xf32>
    %get3A_43 = arith.constant 0 : index
    %get3A_44 = arith.constant 0 : index
    %get3A_45 = arith.constant 0 : index
    %get3A_46 = vector.load %arg5[%get3A_43, %get3A_44, %get3A_45] : memref<2x640x1xf32, #tpu.memory_space<vmem>>, vector<1x640x1xf32>
    %get3A_47 = vector.shape_cast %get3A_46 : vector<1x640x1xf32> to vector<640x1xf32>
    %get3A_48 = arith.constant 1 : index
    %get3A_49 = arith.constant 0 : index
    %get3A_50 = arith.constant 0 : index
    %get3A_51 = vector.load %arg5[%get3A_48, %get3A_49, %get3A_50] : memref<2x640x1xf32, #tpu.memory_space<vmem>>, vector<1x640x1xf32>
    %get3A_52 = vector.shape_cast %get3A_51 : vector<1x640x1xf32> to vector<640x1xf32>
    %add3A_53 = arith.addf %get3A_47, %get3A_52 : vector<640x1xf32>
    %mul3A_54 = arith.mulf %get3A_42, %add3A_53 : vector<640x1xf32>
    %get3A_55 = arith.constant 0 : index
    %get3A_56 = arith.constant 0 : index
    %get3A_57 = vector.load %arg11[%get3A_55, %get3A_56] : memref<1x256xf32, #tpu.memory_space<vmem>>, vector<1x256xf32>
    %mul3A_58 = vector.broadcast %mul3A_54 : vector<640x1xf32> to vector<640x256xf32>
    %mul3A_59 = arith.mulf %select_n3A, %mul3A_58 : vector<640x256xf32>
    %reduce_sum3A = arith.constant dense<0.000000e+00> : vector<256xf32>
    %reduce_sum3A_60 = vector.multi_reduction <add>, %mul3A_59, %reduce_sum3A [0] : vector<640x256xf32> to vector<256xf32>
    %broadcast_in_dim3A = vector.shape_cast %reduce_sum3A_60 : vector<256xf32> to vector<1x256xf32>
    %add3A_61 = arith.addf %get3A_57, %broadcast_in_dim3A : vector<1x256xf32>
    %swap3A = arith.constant 0 : index
    %swap3A_62 = arith.constant 0 : index
    %swap3A_63 = vector.load %arg11[%swap3A, %swap3A_62] : memref<1x256xf32, #tpu.memory_space<vmem>>, vector<1x256xf32>
    tpu.vector_store %arg11[%swap3A, %swap3A_62], %add3A_61 {strides = array<i32>} : memref<1x256xf32, #tpu.memory_space<vmem>>, vector<1x256xf32>,
    %eq3A_64 = arith.constant 15 : i32
    %eq3A_65 = arith.cmpi eq, %arg0, %eq3A_64 : i32
    %convert_element_type3A_66 = arith.extui %eq3A_65 : i1 to i32
    %cond3A_67 = arith.constant 0 : i32
    %cond3A_68 = arith.cmpi ne, %convert_element_type3A_66, %cond3A_67 : i32
    scf.if %cond3A_68 {
      %get3A_69 = arith.constant 0 : index
      %get3A_70 = arith.constant 0 : index
      %get3A_71 = vector.load %arg11[%get3A_69, %get3A_70] : memref<1x256xf32, #tpu.memory_space<vmem>>, vector<1x256xf32>
      %mul3A_72 = arith.constant 9.99999974E-5 : f32
      %mul3A_73 = vector.broadcast %mul3A_72 : f32 to vector<1x256xf32>
      %mul3A_74 = arith.mulf %get3A_71, %mul3A_73 : vector<1x256xf32>
      %get3A_75 = arith.constant 0 : index
      %get3A_76 = arith.constant 0 : index
      %get3A_77 = vector.load %arg8[%get3A_75, %get3A_76] : memref<256x128xf32, #tpu.memory_space<vmem>>, vector<256x128xf32>
      %dot_general3A_78 = arith.constant dense<0.000000e+00> : vector<1x128xf32>
      %dot_general3A_79 = tpu.matmul %mul3A_74, %get3A_77, %dot_general3A_78 {dimension_numbers = #tpu.dot_dimension_numbers<[1], [0], [0], [1], [0, 0, 1, 1], [], []>, transpose_lhs_hint = false} : vector<1x256xf32>, vector<256x128xf32>, vector<1x128xf32> -> vector<1x128xf32>
      %get3A_80 = arith.constant 0 : index
      %get3A_81 = arith.constant 0 : index
      %get3A_82 = vector.load %arg9[%get3A_80, %get3A_81] : memref<1x128xf32, #tpu.memory_space<vmem>>, vector<1x128xf32>
      %add3A_83 = arith.addf %dot_general3A_79, %get3A_82 : vector<1x128xf32>
      %swap3A_84 = arith.constant 0 : index
      %swap3A_85 = arith.constant 0 : index
      %swap3A_86 = vector.load %arg10[%swap3A_84, %swap3A_85] : memref<1x128xf32, #tpu.memory_space<vmem>>, vector<1x128xf32>
      tpu.vector_store %arg10[%swap3A_84, %swap3A_85], %add3A_83 {strides = array<i32>} : memref<1x128xf32, #tpu.memory_space<vmem>>, vector<1x128xf32>,
    } else {
    }
    return
  }
  func.func @transform_0(%arg0: i32) -> (i32, i32, i32) {
    %c0_i32 = arith.constant 0 : i32
    %c0_i32_0 = arith.constant 0 : i32
    %c0_i32_1 = arith.constant 0 : i32
    return %c0_i32, %arg0, %c0_i32_0 : i32, i32, i32
  }
  func.func @transform_1(%arg0: i32) -> (i32, i32, i32) {
    %c0_i32 = arith.constant 0 : i32
    %c0_i32_0 = arith.constant 0 : i32
    %c0_i32_1 = arith.constant 0 : i32
    return %c0_i32, %arg0, %c0_i32_0 : i32, i32, i32
  }
  func.func @transform_2(%arg0: i32) -> (i32, i32) {
    %c0_i32 = arith.constant 0 : i32
    %c0_i32_0 = arith.constant 0 : i32
    return %arg0, %c0_i32 : i32, i32
  }
  func.func @transform_3(%arg0: i32) -> (i32, i32) {
    %c0_i32 = arith.constant 0 : i32
    %c0_i32_0 = arith.constant 0 : i32
    return %arg0, %c0_i32 : i32, i32
  }
  func.func @transform_4(%arg0: i32) -> (i32, i32, i32) {
    %c0_i32 = arith.constant 0 : i32
    %c0_i32_0 = arith.constant 0 : i32
    %c0_i32_1 = arith.constant 0 : i32
    return %c0_i32, %arg0, %c0_i32_0 : i32, i32, i32
  }
  func.func @transform_5(%arg0: i32) -> (i32, i32) {
    %c0_i32 = arith.constant 0 : i32
    %c0_i32_0 = arith.constant 0 : i32
    %c0_i32_1 = arith.constant 0 : i32
    return %c0_i32, %c0_i32_0 : i32, i32
  }
  func.func @transform_6(%arg0: i32) -> (i32, i32) {
    %c0_i32 = arith.constant 0 : i32
    %c0_i32_0 = arith.constant 0 : i32
    %c0_i32_1 = arith.constant 0 : i32
    return %c0_i32, %c0_i32_0 : i32, i32
  }
  func.func @transform_7(%arg0: i32) -> (i32, i32) {
    %c0_i32 = arith.constant 0 : i32
    %c0_i32_0 = arith.constant 0 : i32
    %c0_i32_1 = arith.constant 0 : i32
    return %c0_i32, %c0_i32_0 : i32, i32
  }
  func.func @transform_8(%arg0: i32) -> (i32, i32) {
    %c0_i32 = arith.constant 0 : i32
    %c0_i32_0 = arith.constant 0 : i32
    %c0_i32_1 = arith.constant 0 : i32
    return %c0_i32, %c0_i32_0 : i32, i32
  }
  func.func @transform_9(%arg0: i32) -> (i32, i32) {
    %c0_i32 = arith.constant 0 : i32
    %c0_i32_0 = arith.constant 0 : i32
    %c0_i32_1 = arith.constant 0 : i32
    return %c0_i32, %c0_i32_0 : i32, i32
  }
}

</mosaic_0001>

<sc_bundles>
// kernel: kernel.6.cloned.1.call-start
scs
__scs_entry_jumppad:
0x0: {  	(pc) =	sbr.rel $0x88, $3  }
0x1: {  	(tag) =	ssettag $0x0;
	lr =	simm.s32 $0x1  }
0x2: {  	[smem:$0x3F98] =	sst lr;
	_ =	strace $0xD0000000  }
0x3: {  	_ = 	snop  }
0x4: {  	_ = 	snop  }
0x5: {  	_ = 	snop  }
0x6: {  	_ = 	snop  }
0x7: {  	_ = 	snop  }
__scs_overlays_trampoline_lowered:
0x8: {  	[smem:$0x3FA7] =	sst s0  }
0x9: {  	[smem:$0x3FA8] =	sst s1  }
0xa: {  	[smem:$0x3FA9] =	sst s2  }
0xb: {  	[smem:$0x3FAA] =	sst s3  }
0xc: {  	[smem:$0x3FAB] =	sst s4  }
0xd: {  	[smem:$0x3FAC] =	sst s5  }
0xe: {  	[smem:$0x3FAD] =	sst s6  }
0xf: {  	[smem:$0x3FAE] =	sst s7  }
0x10: {  	[smem:$0x3FAF] =	sst s8  }
0x11: {  	[smem:$0x3FB0] =	sst s9;
	s0 =	simm.s32 @!p0 $0x0  }
0x12: {  	s1 =	sld [smem:$0x3F96];
	s0 =	simm.s32 @p0 $0x1  }
0x13: {  	[smem:$0x3FB1] =	sst s0;
	s0 =	simm.s32 @!p1 $0x0  }
0x14: {  	s2 =	sld [smem:$0x3F95];
	s0 =	simm.s32 @p1 $0x1  }
0x15: {  	[smem:$0x3FB2] =	sst s0;
	s0 =	simm.s32 @!p2 $0x0  }
0x16: {  	s3 =	sld [smem:$0x3FDB];
	s0 =	simm.s32 @p2 $0x1  }
0x17: {  	s4 =	simm.s32 $0x1BF5;
	[smem:$0x3FB4] =	sst s0  }
0x18: {  	s0 =	sld [smem:$0x3F97];
	_ =	swait.ge [sflag:s4], $0x0  }
0x19: {  	s7 =	sld [smem:$0x3F98]  }
0x1a: {  	s8 =	sadd.s32 $0xFFFFE003, lr  }
0x1b: {  	s9 =	sadd.s32 $0xFFFFFEF7, lr;
	s5 =	simm.s32 $0xFFFFFFFF;
	p2 =	slt.u32 s8, $0xFFFFF086  }
0x1c: {  	p1 =	slt.u32 s9, $0xF7A;
	s5 =	simm.s32 @!p2 $0x0  }
0x1d: {  	s5 =	simm.s32 @p1 $0x1;
	p0 =	seq.s32 s7, s2  }
0x1e: {  	s7 =	smul.u32 @!p0 $0xF7A, s2;
	p2 =	seq.s32 @!p0 s5, $0x0  }
0x1f: {  	s9 =	smul.u32 $0xF7A, s1;
	s8 =	simm.s32 @!p0 $0x1BF5;
	p2 =	por !p2, p0  }
0x20: {  	[sflag:s8] =	ssyncset.s32 @!p0 $0xFFFFF086;
	s6 =	sadd.s32 @!p0 s3, s7;
	s7 =	simm.s32 @!p0 $0x108  }
0x21: {  	s3 =	sadd.s32 s3, s9;
	s6 =	sadd.s32 @!p0 $0x88, s6;
	s7 =	simm.s32 @p2 $0x1082  }
0x22: {  	[simem:s7], [sflag:s8] =	dma.local @!p0 [hbm:s6], $0xF7A  }
0x23: {  	s9 =	sor.u32 $0xD0000000, s2;
	s6 =	simm.s32 $0x108;
	_ =	swait.ge @!p0 [sflag:s8], $0x0  }
0x24: {  	s3 =	sadd.s32 $0x88, s3;
	s6 =	simm.s32 @!p1 $0x1082;
	[sflag:s4] =	ssyncset.s32 $0xFFFFF086  }
0x25: {  	[simem:s6], [sflag:s4] =	dma.local [hbm:s3], $0xF7A  }
0x26: {  	[smem:$0x3F98] =	sst s1;
	(tag) =	ssettag s2;
	_ =	strace s9  }
0x27: {  	s1 =	sld [smem:$0x3FA8]  }
0x28: {  	s2 =	sld [smem:$0x3FA9]  }
0x29: {  	s4 =	sld [smem:$0x3FAB]  }
0x2a: {  	p0 =	seq.s32 s5, $0x0;
	s5 =	sld [smem:$0x3FAC]  }
0x2b: {  	s6 =	sld [smem:$0x3FAD]  }
0x2c: {  	s7 =	sld [smem:$0x3FAE]  }
0x2d: {  	s3 =	simm.s32 $0x108;
	s8 =	sld [smem:$0x3FAF]  }
0x2e: {  	s3 =	simm.s32 @!p0 $0x1082;
	s9 =	sld [smem:$0x3FB0]  }
0x2f: {  	lr =	sadd.s32 s0, s3;
	s0 =	sld [smem:$0x3FA7]  }
0x30: {  	s3 =	sld [smem:$0x3FAA]  }
0x31: {  	[smem:$0x3FB3] =	sst s10  }
0x32: {  	s10 =	sld [smem:$0x3FB1];
	_ =	sdelay $0x3  }
0x33: {  	p0 =	seq.s32 s10, $0x1;
	s10 =	sld [smem:$0x3FB3];
	_ =	sdelay $0x3  }
0x34: {  	[smem:$0x3FB3] =	sst s10  }
0x35: {  	s10 =	sld [smem:$0x3FB2];
	_ =	sdelay $0x3  }
0x36: {  	p1 =	seq.s32 s10, $0x1;
	s10 =	sld [smem:$0x3FB3];
	_ =	sdelay $0x3  }
0x37: {  	[smem:$0x3FB3] =	sst s10  }
0x38: {  	s10 =	sld [smem:$0x3FB4]  }
0x39: {  	_ = 	snop;
	(pc) =	sbr.ind lr, $3  }
0x3a: {  	_ = 	snop  }
0x3b: {  	_ = 	snop  }
0x3c: {  	p2 =	seq.s32 s10, $0x1;
	s10 =	sld [smem:$0x3FB3]  }
0x3d: {  	_ =	shalt  }
0x3e: {  	_ =	shalt  }
0x3f: {  	_ =	shalt  }
0x40: {  	_ =	shalt  }
0x41: {  	_ =	shalt  }
0x42: {  	_ =	shalt  }
0x43: {  	_ =	shalt  }
0x44: {  	_ =	shalt  }
0x45: {  	_ =	shalt  }
0x46: {  	_ =	shalt  }
0x47: {  	_ =	shalt  }
0x48: {  	_ =	shalt  }
0x49: {  	_ =	shalt  }
0x4a: {  	_ =	shalt  }
0x4b: {  	_ =	shalt  }
0x4c: {  	_ =	shalt  }
0x4d: {  	_ =	shalt  }
0x4e: {  	_ =	shalt  }
0x4f: {  	_ =	shalt  }
0x50: {  	_ =	shalt  }
0x51: {  	_ =	shalt  }
0x52: {  	_ =	shalt  }
0x53: {  	_ =	shalt  }
0x54: {  	_ =	shalt  }
0x55: {  	_ =	shalt  }
0x56: {  	_ =	shalt  }
0x57: {  	_ =	shalt  }
0x58: {  	_ =	shalt  }
0x59: {  	_ =	shalt  }
0x5a: {  	_ =	shalt  }
0x5b: {  	_ =	shalt  }
0x5c: {  	_ =	shalt  }
0x5d: {  	_ =	shalt  }
0x5e: {  	_ =	shalt  }
0x5f: {  	_ =	shalt  }
0x60: {  	_ =	shalt  }
0x61: {  	_ =	shalt  }
0x62: {  	_ =	shalt  }
0x63: {  	_ =	shalt  }
0x64: {  	_ =	shalt  }
0x65: {  	_ =	shalt  }
0x66: {  	_ =	shalt  }
0x67: {  	_ =	shalt  }
0x68: {  	_ =	shalt  }
0x69: {  	_ =	shalt  }
0x6a: {  	_ =	shalt  }
0x6b: {  	_ =	shalt  }
0x6c: {  	_ =	shalt  }
0x6d: {  	_ =	shalt  }
0x6e: {  	_ =	shalt  }
0x6f: {  	_ =	shalt  }
0x70: {  	_ =	shalt  }
0x71: {  	_ =	shalt  }
0x72: {  	_ =	shalt  }
0x73: {  	_ =	shalt  }
0x74: {  	_ =	shalt  }
0x75: {  	_ =	shalt  }
0x76: {  	_ =	shalt  }
0x77: {  	_ =	shalt  }
0x78: {  	_ =	shalt  }
0x79: {  	_ =	shalt  }
0x7a: {  	_ =	shalt  }
0x7b: {  	_ =	shalt  }
0x7c: {  	_ =	shalt  }
0x7d: {  	_ =	shalt  }
0x7e: {  	_ =	shalt  }
0x7f: {  	_ =	shalt  }
0x80: {  	_ =	shalt  }
0x81: {  	_ =	shalt  }
0x82: {  	_ =	shalt  }
0x83: {  	_ =	shalt  }
0x84: {  	_ =	shalt  }
0x85: {  	_ =	shalt  }
0x86: {  	_ =	shalt  }
0x87: {  	_ =	shalt  }
.Lfunc_end0:
.L_simem_size_0:
called_computation_lowered:
.L_overlay_start_0:
0x88: {  	s2 =	sld [smem:$0x3FD9]  }
0x89: {  	s3 =	sld [smem:$0x3FFE];
	_ =	sdelay $0x1  }
0x8a: {  	s1 =	srdreg.scid  }
0x8b: {  	s0 =	sand.u32 $0x1, s1  }
0x8c: {  	s16 =	sshll.u32 s0, $0xA;
	s2 =	sadd.s32 s3, s2  }
0x8d: {  	s2 =	sadd.s32 s2, s16  }
0x8e: {  	[smem:$0x3FBF] =	sst s2  }
0x8f: {  	_ = 	snop  }
0x90: {  	(tm) =	ssettm $0x1  }
0x91: {  	s17 =	sld [smem:$0x3FFB];
	_ =	sdelay $0x3  }
0x92: {  	_ =	strace s17  }
0x93: {  	s2 =	sld [smem:$0x3FFC];
	_ =	sdelay $0x3  }
0x94: {  	_ =	strace s2  }
0x95: {  	s2 =	sld [smem:$0x3FFD];
	_ =	sdelay $0x3  }
0x96: {  	_ =	strace s2  }
0x97: {  	_ =	strace $0x8FFFFFFF  }
0x98: {  	s18 =	sld [smem:$0x3FDB];
	_ =	sdelay $0x1  }
0x99: {  	s19 =	simm.s32 $_scs_section_size  }
0x9a: {  	s4 =	simm.s32 $_size__tile_overlayer_lowered;
	s5 =	simm.s32 $_tile_overlayer_lowered  }
0x9b: {  	s22 =	simm.s32 $0x1BFF;
	s21 =	sshll.u32 s5, $0x1;
	s2 =	sadd.s32 s19, s18  }
0x9c: {  	s6 =	simm.s32 $0x0;
	s20 =	sshll.u32 s4, $0x1;
	s4 =	sadd.s32 s21, s2  }
0x9d: {  	[timem:s6], [sflag:s22] =	dma.local [hbm:s4], s20  }
0x9e: {  	_ =	swait.ge [sflag:s22], s20  }
0x9f: {  	s3 =	ssub.s32 $0x0, s20;
	[sflag:s22] =	ssyncset.done $0x0  }
0xa0: {  	[sflag:s22] =	ssyncadd.s32 s3;
	_ =	sdelay $0x1  }
0xa1: {  	s23 =	simm.s32 $0x1B8B  }
0xa2: {  	_ =	swait.ge [sflag:s23], $0x1  }
0xa3: {  	[sflag:s23] =	ssyncset.done $0x0  }
0xa4: {  	s25 =	simm.s32 $0x1B8E;
	s24 =	sld [smem:$0x3FFE];
	[sflag:s23] =	ssyncadd.s32 $0xFFFFFFFF  }
0xa5: {  	s26 =	simm.s32 $execute0_lowered;
	[smem:$0x3FD2] =	sst s25  }
0xa6: {  	s4 =	sshll.u32 s26, $0x1;
	_ =	strace $0x80000046;
	[dreg:$0x1] =	wrdreg $0xFFFFFFFF  }
0xa7: {  	s28 =	simm.s32 $_size_execute0_lowered;
	s2 =	sadd.s32 s2, s4;
	[dreg:$0x0] =	wrdreg $0x0  }
0xa8: {  	s4 =	sshll.u32 s28, $0x1;
	[dreg:$0x2] =	wrdreg s2  }
0xa9: {  	[dreg:$0x3] =	wrdreg s4  }
0xaa: {  	[dreg:$0x4] =	wrdreg $0xC0  }
0xab: {  	_ =	task [dreg:s6], $0x5FFFF  }
0xac: {  	[dreg:$0x1] =	wrdreg $0xFFFFFFFF  }
0xad: {  	[dreg:$0x0] =	wrdreg $0x60  }
0xae: {  	[dreg:$0x2] =	wrdreg s24  }
0xaf: {  	[dreg:$0x3] =	wrdreg $0x93000  }
0xb0: {  	[dreg:$0x4] =	wrdreg $0x1D3000  }
0xb1: {  	[dreg:$0x5] =	wrdreg $0x1D5800  }
0xb2: {  	[dreg:$0x6] =	wrdreg $0x9  }
0xb3: {  	_ =	task.clear_ibuf [dreg:s6], $0x7FFFF;
	_ =	strace $0x90000046  }
0xb4: {  	s29 =	simm.s32 $0x9;
	_ =	strace $0x80000048  }
0xb5: {  	_ =	swait.ge [sflag:s29], $0x1  }
0xb6: {  	[sflag:s29] =	ssyncadd.s32 $0xFFFFFFFF  }
0xb7: {  	_ =	strace $0x90000048  }
0xb8: {  	_ =	sfence  }
0xb9: {  	s30 =	sld [smem:$0x0];
	_ =	sdelay $0x2  }
0xba: {  	s31 =	sshll.u32 s1, $0xD;
	s1 =	sshrl.u32 s1, $0x2  }
0xbb: {  	s3 =	sand.u32 $0x4000, s31;
	s1 =	sadd.s32 s1, s30  }
0xbc: {  	s0 =	sor.u32 s3, s0;
	s1 =	sshll.u32 s1, $0x11  }
0xbd: {  	s0 =	sor.u32 s1, s0  }
0xbe: {  	s0 =	sadd.s32 $0x8F2B, s0  }
0xbf: {  	[sflag:s0] =	ssyncadd.remote.s32 $0x1  }
0xc0: {  	_ =	sfence.sel $0xFFFF  }
0xc1: {  	[dreg:$0x0] =	wrdreg $0xFFFFFFFF;
	(pc) =	sbr.abs _section_cstart, $3  }
0xc2: {  	[dreg:$0x1] =	wrdreg $0xFFFFFFFF  }
0xc3: {  	_ =	task.clear_ibuf [dreg:s6], $0x2FFFF;
	_ =	strace $0x9FFFFFFF  }
0xc4: {  	(tm) =	ssettm $0x7FFFFFFF  }
0xc5: {  	_ =	shalt  }
tec
execute0_lowered:
.L_overlay_start_1:
0x0: {  	(tag) =	ssettag $0x1  }
0x1: {  	s7 =	rddreg [dreg:$0x0]  }
0x2: {  	s1 =	rddreg [dreg:$0x1]  }
0x3: {  	s3 =	rddreg [dreg:$0x2]  }
0x4: {  	s0 =	srdreg.scid;
	s4 =	rddreg [dreg:$0x3]  }
0x5: {  	s5 =	simm.s32 $0x0;
	s18 =	simm.s32 $0x9080;
	s8 =	sand.u32 $0x1, s0  }
0x6: {  	s19 =	simm.s32 $0x80;
	s0 =	stileid.u32;
	s10 =	smul.u32 $0x28000, s8  }
0x7: {  	s20 =	simm.s32 $0x1;
	s28 =	simm.s32 $0x20;
	s11 =	smul.u32 $0x50000, s0  }
0x8: {  	s29 =	simm.s32 $0x10;
	[smem:$0x7FF] =	sst s5;
	s13 =	smul.u32 $0x280, s0  }
0x9: {  	s9 =	sshll.u32 s8, $0x4;
	_ =	strace $0x80000047;
	s21 =	smul.u32 $0x2800, s0  }
0xa: {  	s8 =	ssub.s32 $0x2, s8;
	s24 =	smul.u32 $0xA0, s0;
	s6 =	sor.u32 s0, s9  }
0xb: {  	s16 =	sadd.s32 s9, s7;
	s31 =	sshrl.u32 s8, $0x1;
	s6 =	smul.u32 $0x500, s6  }
0xc: {  	s15 =	sadd.s32 s10, s7;
	s30 =	sshrl.u32 s11, $0x2;
	s17 =	ssub.s32 s8, s31  }
0xd: {  	s12 =	sadd.s32 s13, s3;
	s13 =	sadd.s32 s13, s4;
	s23 =	sadd.s32 $0x34000, s16  }
0xe: {  	s25 =	sadd.s32 $0x34A00, s16;
	s16 =	simm.s32 $0x5000;
	s22 =	sadd.s32 $0x35400, s15  }
0xf: {  	s15 =	smax.u32 s17, $0x1;
	s17 =	simm.s32 $0x2;
	s23 =	sadd.s32 s24, s23  }
0x10: {  	s24 =	sadd.s32 s24, s25;
	s25 =	simm.s32 $0x4F80;
	s14 =	sadd.s32 s6, s7  }
0x11: {  	s6 =	sadd.s32 $0xC000, s7;
	s7 =	sadd.s32 s30, s1;
	s21 =	sadd.s32 s21, s22  }
0x12: {  	s22 =	simm.s32 $0x9000;
	s8 =	sadd.s32 $0x4000, s7;
	s9 =	sadd.s32 $0x8000, s7  }
0x13: {  	v0 =	vimm.f32 $0.0e+00;
	v1 =	vimm.f32 $1.000000000e+00;
	s10 =	sadd.s32 $0xC000, s7;
	s11 =	sadd.s32 $0x10000, s7;
	s14 =	sadd.s32 $0x2000, s14  }
.LBB2_1:
0x14: {  	s30 =	simm.s32 $0x0;
	s31 =	simm.s32 $0x200  }
.LBB2_2:
0x15: {  	p0 =	sne.s32 s31, $0xFE00;
	[tilespmem:s30+$0x5070] =	vst v0  }
0x16: {  	[tilespmem:s30+$0x5000] =	vst v0  }
0x17: {  	[tilespmem:s30+$0x5010] =	vst v0  }
.Ltmp0:
0x18: {  	[tilespmem:s30+$0x5020] =	vst v0;
	(pc) =	sbr.rel @p0 .LBB2_2-.Ltmp0, $4  }
0x19: {  	[tilespmem:s30+$0x5030] =	vst v0  }
0x1a: {  	[tilespmem:s30+$0x5040] =	vst v0  }
0x1b: {  	[tilespmem:s30+$0x5050] =	vst v0  }
0x1c: {  	[tilespmem:s30+$0x5060] =	vst v0;
	s30 =	sshra.s32 s31, $0x2;
	s31 =	sadd.s32 $0x200, s31  }
0x1d: {  	[tilespmem:s30+$0x5070] =	vst v0  }
0x1e: {  	[tilespmem:s30+$0x5000] =	vst v0  }
0x1f: {  	[tilespmem:s30+$0x5010] =	vst v0  }
0x20: {  	[tilespmem:s30+$0x5020] =	vst v0  }
0x21: {  	[tilespmem:s30+$0x5030] =	vst v0  }
0x22: {  	[tilespmem:s30+$0x5040] =	vst v0  }
0x23: {  	[tilespmem:s30+$0x5050] =	vst v0  }
0x24: {  	[tilespmem:s30+$0x5060] =	vst v0  }
0x25: {  	[tilespmem:$0x9080] =	vst v0  }
0x26: {  	[tilespmem:$0x9090] =	vst v0  }
0x27: {  	[tilespmem:$0x90A0] =	vst v0  }
0x28: {  	[tilespmem:$0x90B0] =	vst v0  }
0x29: {  	[tilespmem:$0x90C0] =	vst v0  }
0x2a: {  	[tilespmem:$0x90D0] =	vst v0  }
0x2b: {  	[tilespmem:$0x90E0] =	vst v0  }
0x2c: {  	[tilespmem:$0x90F0] =	vst v0  }
0x2d: {  	[tilespmem:$0x9100] =	vst v0  }
0x2e: {  	[tilespmem:$0x9110] =	vst v0  }
0x2f: {  	[tilespmem:$0x9120] =	vst v0  }
0x30: {  	[tilespmem:$0x9130] =	vst v0  }
0x31: {  	[tilespmem:$0x9140] =	vst v0  }
0x32: {  	[tilespmem:$0x9150] =	vst v0  }
0x33: {  	[tilespmem:$0x9160] =	vst v0  }
0x34: {  	[tilespmem:$0x9170] =	vst v0  }
0x35: {  	[tilespmem:$0x9180] =	vst v0  }
0x36: {  	[tilespmem:$0x9190] =	vst v0  }
0x37: {  	[tilespmem:$0x91A0] =	vst v0  }
0x38: {  	[tilespmem:$0x91B0] =	vst v0  }
0x39: {  	[tilespmem:$0x91C0] =	vst v0  }
0x3a: {  	[tilespmem:$0x91D0] =	vst v0  }
0x3b: {  	[tilespmem:$0x91E0] =	vst v0  }
0x3c: {  	[tilespmem:$0x91F0] =	vst v0  }
0x3d: {  	[tilespmem:$0x9200] =	vst v0  }
0x3e: {  	[tilespmem:$0x9210] =	vst v0  }
0x3f: {  	[tilespmem:$0x9220] =	vst v0  }
0x40: {  	[tilespmem:$0x9230] =	vst v0  }
0x41: {  	[tilespmem:$0x9240] =	vst v0  }
0x42: {  	[tilespmem:$0x9250] =	vst v0  }
0x43: {  	[tilespmem:$0x9260] =	vst v0  }
0x44: {  	[tilespmem:$0x9270] =	vst v0  }
0x45: {  	[tilespmem:$0x9280] =	vst v0  }
0x46: {  	[tilespmem:$0x9290] =	vst v0  }
0x47: {  	[tilespmem:$0x92A0] =	vst v0  }
0x48: {  	[tilespmem:$0x92B0] =	vst v0  }
0x49: {  	[tilespmem:$0x92C0] =	vst v0  }
0x4a: {  	[tilespmem:$0x92D0] =	vst v0  }
0x4b: {  	[tilespmem:$0x92E0] =	vst v0  }
0x4c: {  	[tilespmem:$0x92F0] =	vst v0  }
0x4d: {  	[spmem:s7] =	stream.linear.scatter [tilespmem:s16], [sflag:$0x2], $0x4000, $0x38;
	[tilespmem:$0x1D800] =	vst v63  }
0x4e: {  	_ =	swait.ge [sflag:s17], $0x4000  }
0x4f: {  	[sflag:s17] =	ssyncset.done $0x0  }
0x50: {  	[sflag:s17] =	ssyncadd.s32 $0xFFFFC000  }
0x51: {  	[spmem:s8] =	stream.linear.scatter [tilespmem:s16], [sflag:$0x2], $0x4000, $0x38;
	[tilespmem:$0x1D800] =	vst v63  }
0x52: {  	_ =	swait.ge [sflag:s17], $0x4000  }
0x53: {  	[sflag:s17] =	ssyncset.done $0x0  }
0x54: {  	[sflag:s17] =	ssyncadd.s32 $0xFFFFC000  }
0x55: {  	[spmem:s9] =	stream.linear.scatter [tilespmem:s16], [sflag:$0x2], $0x4000, $0x38;
	[tilespmem:$0x1D800] =	vst v63  }
0x56: {  	_ =	swait.ge [sflag:s17], $0x4000  }
0x57: {  	[sflag:s17] =	ssyncset.done $0x0  }
0x58: {  	[sflag:s17] =	ssyncadd.s32 $0xFFFFC000  }
0x59: {  	[spmem:s10] =	stream.linear.scatter [tilespmem:s16], [sflag:$0x2], $0x4000, $0x38;
	[tilespmem:$0x1D800] =	vst v63  }
0x5a: {  	_ =	swait.ge [sflag:s17], $0x4000  }
0x5b: {  	[sflag:s17] =	ssyncset.done $0x0  }
0x5c: {  	[sflag:s17] =	ssyncadd.s32 $0xFFFFC000  }
0x5d: {  	[spmem:s11] =	stream.linear.scatter [tilespmem:s16], [sflag:$0x2], $0x4000, $0x38;
	[tilespmem:$0x1D800] =	vst v63  }
0x5e: {  	_ =	swait.ge [sflag:s17], $0x4000  }
0x5f: {  	[sflag:s17] =	ssyncset.done $0x0  }
0x60: {  	[sflag:s17] =	ssyncadd.s32 $0xFFFFC000  }
0x61: {  	[spmem:s12] =	stream.linear.scatter [tilespmem:s18], [sflag:$0x2], $0x280, $0x38;
	[tilespmem:$0x1D800] =	vst v63  }
0x62: {  	_ =	swait.ge [sflag:s17], $0x280  }
0x63: {  	[sflag:s17] =	ssyncset.done $0x0  }
0x64: {  	[sflag:s17] =	ssyncadd.s32 $0xFFFFFD80  }
0x65: {  	[spmem:s13] =	stream.linear.scatter [tilespmem:s18], [sflag:$0x2], $0x280, $0x38;
	[tilespmem:$0x1D800] =	vst v63  }
0x66: {  	_ =	swait.ge [sflag:s17], $0x280  }
0x67: {  	[sflag:s17] =	ssyncset.done $0x0  }
0x68: {  	s30 =	simm.s32 $0x0;
	[sflag:s17] =	ssyncadd.s32 $0xFFFFFD80  }
0x69: {  	[tilespmem:s30], [sflag:$0x2] =	stream.linear.gather [hbm4b:s14+s30], $0x2800, $0x38;
	[tilespmem:$0x1D800] =	vst v63  }
0x6a: {  	_ =	swait.ge [sflag:s17], $0x2800  }
0x6b: {  	[sflag:s17] =	ssyncset.done $0x0  }
0x6c: {  	s30 =	simm.s32 $0x0;
	[sflag:s17] =	ssyncadd.s32 $0xFFFFD800  }
0x6d: {  	v2 =	vld [tilespmem:s30+$0x0]  }
0x6e: {  	v8 =	vld [tilespmem:s30+$0x10]  }
0x6f: {  	v7 =	vld [tilespmem:s30+$0x20]  }
0x70: {  	v6 =	vld [tilespmem:s30+$0x30]  }
0x71: {  	v4 =	vld [tilespmem:s30+$0x40]  }
0x72: {  	v5 =	vld [tilespmem:s30+$0x50];
	v3 =	vshra.s32 v2, $0xE  }
0x73: {  	s31 =	simm.s32 $0x200;
	v2 =	vand.u32 $0x3FFF, v2;
	v9 =	vshra.s32 v8, $0xE;
	[tilespmem:s30+$0x0] =	vst v3;
	v3 =	vand.u32 $0x3FFF, v8;
	v8 =	vld [tilespmem:s30+$0x60]  }
.LBB2_4:
0x74: {  	p0 =	sne.s32 s31, $0x9E00;
	[tilespmem:s30+$0x10] =	vst v9;
	v9 =	vand.u32 $0x3FFF, v7;
	v7 =	vshra.s32 v7, $0xE;
	v10 =	vld [tilespmem:s30+$0x70]  }
0x75: {  	[tilespmem:s30+$0x20] =	vst v7;
	v7 =	vand.u32 $0x3FFF, v6;
	v6 =	vshra.s32 v6, $0xE  }
0x76: {  	[tilespmem:s30+$0x30] =	vst v6;
	v6 =	vand.u32 $0x3FFF, v4;
	v4 =	vshra.s32 v4, $0xE  }
0x77: {  	[tilespmem:s30+$0x40] =	vst v4;
	v4 =	vand.u32 $0x3FFF, v5;
	v5 =	vshra.s32 v5, $0xE  }
0x78: {  	[tilespmem:s30+$0x50] =	vst v5;
	v5 =	vand.u32 $0x3FFF, v8;
	v8 =	vshra.s32 v8, $0xE  }
0x79: {  	[tilespmem:s30+$0x60] =	vst v8;
	v8 =	vand.u32 $0x3FFF, v10;
	v10 =	vshra.s32 v10, $0xE  }
0x7a: {  	[tilespmem:s30+$0x70] =	vst v10  }
0x7b: {  	[tilespmem:s30+$0x2800] =	vst v2  }
0x7c: {  	s2 =	sshra.s32 s31, $0x2;
	[tilespmem:s30+$0x2810] =	vst v3  }
0x7d: {  	v3 =	vld [tilespmem:s2+$0x0];
	[tilespmem:s30+$0x2820] =	vst v9  }
0x7e: {  	v9 =	vld [tilespmem:s2+$0x10];
	[tilespmem:s30+$0x2830] =	vst v7  }
.Ltmp1:
0x7f: {  	v7 =	vld [tilespmem:s2+$0x20];
	[tilespmem:s30+$0x2840] =	vst v6;
	(pc) =	sbr.rel @p0 .LBB2_4-.Ltmp1, $4  }
0x80: {  	v6 =	vld [tilespmem:s2+$0x30];
	[tilespmem:s30+$0x2850] =	vst v4  }
0x81: {  	v4 =	vld [tilespmem:s2+$0x40];
	[tilespmem:s30+$0x2860] =	vst v5  }
0x82: {  	v2 =	vand.u32 $0x3FFF, v3;
	v3 =	vshra.s32 v3, $0xE;
	v5 =	vld [tilespmem:s2+$0x50];
	[tilespmem:s30+$0x2870] =	vst v8;
	s30 =	smov.u32 s2  }
0x83: {  	s31 =	sadd.s32 $0x200, s31;
	[tilespmem:s30+$0x0] =	vst v3;
	v3 =	vand.u32 $0x3FFF, v9;
	v9 =	vshra.s32 v9, $0xE;
	v8 =	vld [tilespmem:s30+$0x60]  }
0x84: {  	[tilespmem:s30+$0x10] =	vst v9  }
0x85: {  	[tilespmem:s30+$0x2800] =	vst v2  }
0x86: {  	v58 =	vshra.s32 v7, $0xE;
	[tilespmem:s30+$0x2810] =	vst v3  }
0x87: {  	v2 =	vand.u32 $0x3FFF, v7;
	[tilespmem:s30+$0x20] =	vst v58  }
0x88: {  	v59 =	vshra.s32 v6, $0xE;
	[tilespmem:s30+$0x2820] =	vst v2  }
0x89: {  	v3 =	vand.u32 $0x3FFF, v6;
	[tilespmem:s30+$0x30] =	vst v59  }
0x8a: {  	v60 =	vshra.s32 v4, $0xE;
	[tilespmem:s30+$0x2830] =	vst v3  }
0x8b: {  	v10 =	vld [tilespmem:s30+$0x70];
	v2 =	vand.u32 $0x3FFF, v4;
	[tilespmem:s30+$0x40] =	vst v60  }
0x8c: {  	v61 =	vshra.s32 v5, $0xE;
	[tilespmem:s30+$0x2840] =	vst v2  }
0x8d: {  	v3 =	vand.u32 $0x3FFF, v5;
	[tilespmem:s30+$0x50] =	vst v61  }
0x8e: {  	v62 =	vshra.s32 v8, $0xE;
	[tilespmem:s30+$0x2850] =	vst v3  }
0x8f: {  	v2 =	vand.u32 $0x3FFF, v8;
	[tilespmem:s30+$0x60] =	vst v62  }
0x90: {  	v63 =	vshra.s32 v10, $0xE;
	[tilespmem:s30+$0x2860] =	vst v2  }
0x91: {  	v3 =	vand.u32 $0x3FFF, v10;
	[tilespmem:s30+$0x70] =	vst v63  }
0x92: {  	[tilespmem:s30+$0x2870] =	vst v3  }
0x93: {  	[tilespmem:$0x9000] =	vst v1  }
0x94: {  	[tilespmem:$0x9010] =	vst v1  }
0x95: {  	[tilespmem:$0x9020] =	vst v1  }
0x96: {  	[tilespmem:$0x9030] =	vst v1  }
0x97: {  	[tilespmem:$0x9040] =	vst v1  }
0x98: {  	[tilespmem:$0x9050] =	vst v1  }
0x99: {  	[tilespmem:$0x9060] =	vst v1  }
0x9a: {  	[tilespmem:$0x9070] =	vst v1  }
0x9b: {  	s2 =	simm.s32 $0x0;
	[bflag:$0x0] =	sbarrier.arrive $0xFFFF  }
0x9c: {  	[tilespmem:s16], [sflag:$0x1] =	stream.indirect.gather [hbm4b:s6+s19], $0x80, s2, s19, $0xb8;
	[tilespmem:$0x1D800] =	vst v63  }
0x9d: {  	_ =	swait.ge [sflag:s20], $0x4000  }
0x9e: {  	[sflag:s20] =	ssyncset.done $0x0  }
0x9f: {  	s26 =	simm.s32 $0x2800;
	[sflag:s20] =	ssyncadd.s32 $0xFFFFC000  }
0xa0: {  	[spmem:s1] =	stream.indirect.scatter.add.f32 [tilespmem:s16], [sflag:$0x2], $0x80, s26, s19, $0xb8;
	[tilespmem:$0x1D800] =	vst v63  }
0xa1: {  	_ =	swait.ge [sflag:s17], $0x4000  }
0xa2: {  	[sflag:s17] =	ssyncset.done $0x0  }
0xa3: {  	s30 =	simm.s32 $0x80;
	[sflag:s17] =	ssyncadd.s32 $0xFFFFC000  }
0xa4: {  	[tilespmem:s16], [sflag:$0x1] =	stream.indirect.gather [hbm4b:s6+s19], $0x80, s30, s19, $0xb8;
	[tilespmem:$0x1D800] =	vst v63  }
0xa5: {  	_ = 	snop  }
0xa6: {  	[spmem:s3] =	stream.indirect.scatter.add.f32 [tilespmem:s22], [sflag:$0x2], $0x1, s26, s19, $0xb8;
	[tilespmem:$0x1D800] =	vst v63  }
0xa7: {  	_ =	swait.ge [sflag:s17], $0x80  }
0xa8: {  	[sflag:s17] =	ssyncset.done $0x0  }
0xa9: {  	s31 =	simm.s32 $0x0;
	[sflag:s17] =	ssyncadd.s32 $0xFFFFFF80  }
0xaa: {  	[spmem:s4] =	stream.indirect.scatter.add.f32 [tilespmem:s22], [sflag:$0x2], $0x1, s31, s19, $0xb8;
	[tilespmem:$0x1D800] =	vst v63  }
0xab: {  	_ =	swait.ge [sflag:s17], $0x80  }
0xac: {  	s30 =	simm.s32 $0x200;
	[sflag:s17] =	ssyncset.done $0x0  }
.LBB2_6:
0xad: {  	p0 =	sne.s32 s30, $0x9C00  }
0xae: {  	[sflag:s17] =	ssyncadd.s32 $0xFFFFFF80;
	s2 =	smov.u32 s30;
	s30 =	sadd.s32 $0x200, s30  }
0xaf: {  	_ =	swait.ge [sflag:s20], $0x4000  }
0xb0: {  	s2 =	sshra.s32 s2, $0x2;
	[sflag:s20] =	ssyncset.done $0x0  }
0xb1: {  	s31 =	sadd.s32 $0x2800, s2;
	[sflag:s20] =	ssyncadd.s32 $0xFFFFC000  }
0xb2: {  	[spmem:s1] =	stream.indirect.scatter.add.f32 [tilespmem:s16], [sflag:$0x2], $0x80, s31, s19, $0xb8;
	[tilespmem:$0x1D800] =	vst v63  }
0xb3: {  	_ =	swait.ge [sflag:s17], $0x4000  }
0xb4: {  	[sflag:s17] =	ssyncset.done $0x0  }
0xb5: {  	s26 =	sadd.s32 $0x80, s2;
	[sflag:s17] =	ssyncadd.s32 $0xFFFFC000  }
0xb6: {  	[tilespmem:s16], [sflag:$0x1] =	stream.indirect.gather [hbm4b:s6+s19], $0x80, s26, s19, $0xb8;
	[tilespmem:$0x1D800] =	vst v63  }
0xb7: {  	_ = 	snop  }
0xb8: {  	[spmem:s3] =	stream.indirect.scatter.add.f32 [tilespmem:s22], [sflag:$0x2], $0x1, s31, s19, $0xb8;
	[tilespmem:$0x1D800] =	vst v63  }
0xb9: {  	_ =	swait.ge [sflag:s17], $0x80  }
.Ltmp2:
0xba: {  	[sflag:s17] =	ssyncset.done $0x0;
	(pc) =	sbr.rel @p0 .LBB2_6-.Ltmp2, $4  }
0xbb: {  	[sflag:s17] =	ssyncadd.s32 $0xFFFFFF80  }
0xbc: {  	[spmem:s4] =	stream.indirect.scatter.add.f32 [tilespmem:s22], [sflag:$0x2], $0x1, s2, s19, $0xb8;
	[tilespmem:$0x1D800] =	vst v63  }
0xbd: {  	_ =	swait.ge [sflag:s17], $0x80  }
0xbe: {  	[sflag:s17] =	ssyncset.done $0x0  }
0xbf: {  	[sflag:s17] =	ssyncadd.s32 $0xFFFFFF80  }
0xc0: {  	_ =	swait.ge [sflag:s20], $0x4000  }
0xc1: {  	[sflag:s20] =	ssyncset.done $0x0  }
0xc2: {  	[sflag:s20] =	ssyncadd.s32 $0xFFFFC000  }
0xc3: {  	[spmem:s1] =	stream.indirect.scatter.add.f32 [tilespmem:s16], [sflag:$0x2], $0x80, s25, s19, $0xb8;
	[tilespmem:$0x1D800] =	vst v63  }
0xc4: {  	_ =	swait.ge [sflag:s17], $0x4000  }
0xc5: {  	[sflag:s17] =	ssyncset.done $0x0  }
0xc6: {  	[sflag:s17] =	ssyncadd.s32 $0xFFFFC000  }
0xc7: {  	[spmem:s3] =	stream.indirect.scatter.add.f32 [tilespmem:s22], [sflag:$0x2], $0x1, s25, s19, $0xb8;
	[tilespmem:$0x1D800] =	vst v63  }
0xc8: {  	_ =	swait.ge [sflag:s17], $0x80  }
0xc9: {  	[sflag:s17] =	ssyncset.done $0x0  }
0xca: {  	s2 =	simm.s32 $0x2780;
	[sflag:s17] =	ssyncadd.s32 $0xFFFFFF80  }
0xcb: {  	[spmem:s4] =	stream.indirect.scatter.add.f32 [tilespmem:s22], [sflag:$0x2], $0x1, s2, s19, $0xb8;
	[tilespmem:$0x1D800] =	vst v63  }
0xcc: {  	_ =	swait.ge [sflag:s17], $0x80  }
0xcd: {  	[sflag:s17] =	ssyncset.done $0x0  }
0xce: {  	s26 =	sshll.u32 s0, $0x6;
	[sflag:s17] =	ssyncadd.s32 $0xFFFFFF80  }
0xcf: {  	s2 =	sor.u32 $0x1C02, s26;
	s26 =	sshrl.u32 s7, $0x3;
	[bflag:$0x0] =	sbarrier.arrive $0xFFFF  }
0xd0: {  	[hbm:s21], [sflag:s2] =	dma.local [spmem:s26], $0x2800  }
0xd1: {  	_ =	swait.ge [sflag:s17], $0x2800  }
0xd2: {  	[sflag:s17] =	ssyncset.done $0x0  }
0xd3: {  	s30 =	sshrl.u32 s12, $0x3;
	[sflag:s17] =	ssyncadd.s32 $0xFFFFD800  }
0xd4: {  	[hbm:s23@s28], [sflag:s2] =	dma.strided [spmem:s30@s29], $0x50, s20, $0x10   }
0xd5: {  	s5 =	sadd.s32 $0x1, s5;
	_ =	swait.ge [sflag:s17], $0x50  }
0xd6: {  	p0 =	sne.s32 s5, s15;
	[sflag:s17] =	ssyncset.done $0x0  }
.Ltmp3:
0xd7: {  	s31 =	sshrl.u32 s13, $0x3;
	[sflag:s17] =	ssyncadd.s32 $0xFFFFFFB0;
	(pc) =	sbr.rel @p0 .LBB2_1-.Ltmp3, $4  }
0xd8: {  	[hbm:s24@s28], [sflag:s2] =	dma.strided [spmem:s31@s29], $0x50, s20, $0x10   }
0xd9: {  	_ =	swait.ge [sflag:s17], $0x50  }
0xda: {  	[sflag:s17] =	ssyncset.done $0x0  }
0xdb: {  	[sflag:s17] =	ssyncadd.s32 $0xFFFFFFB0  }
0xdc: {  	_ =	sfence.sel $0x180000  }
0xdd: {  	[bflag:$0x0] =	sbarrier.arrive $0xFFFF  }
0xde: {  	_ =	strace $0x90000047  }
0xdf: {  	[bflag:$0x2] =	sbarrier.arrive $0xFFFF  }
0xe0: {  	p0 =	sne.s32 s0, $0x0;
	s0 =	rddreg [dreg:$0x4]  }
0xe1: {  	s0 =	sadd.s32 @!p0 $0x100000, s0  }
0xe2: {  	[sflag:s0] =	ssyncadd.tile.s32 @!p0 $0x1;
	_ =	shalt  }
.Lfunc_end2:
_tile_overlayer_lowered:
.L_overlay_start_2:
0xe3: {  	(tag) =	ssettag $0x2  }
0xe4: {  	s0 =	rddreg [dreg:$0x0];
	s2 =	stileid.u32  }
0xe5: {  	s1 =	rddreg [dreg:$0x1];
	p0 =	sne.s32 s2, $0x0  }
0xe6: {  	s3 =	rddreg [dreg:$0x2];
	[bflag:$0x3] =	sbarrier.arrive $0xFFFF;
	s2 =	simm.s32 @!p0 $0x1C02  }
0xe7: {  	[timem:s3], [sflag:s2] =	dma.local @!p0 [hbm:s0], s1  }
0xe8: {  	s0 =	simm.s32 @!p0 $0x2  }
0xe9: {  	_ =	swait.ge @!p0 [sflag:s0], s1  }
0xea: {  	s1 =	ssub.s32 @!p0 $0x0, s1;
	[sflag:s0] =	ssyncset.done @!p0 $0x0  }
0xeb: {  	[sflag:s0] =	ssyncadd.s32 @!p0 s1  }
0xec: {  	[bflag:$0x3] =	sbarrier.arrive $0xFFFF  }
0xed: {  	_ =	shalt  }

// kernel: kernel.9.cloned.1.call-start
scs
__scs_entry_jumppad:
0x0: {  	(pc) =	sbr.rel $0x88, $3  }
0x1: {  	(tag) =	ssettag $0x0;
	lr =	simm.s32 $0x1  }
0x2: {  	[smem:$0x3F98] =	sst lr;
	_ =	strace $0xD0000000  }
0x3: {  	_ = 	snop  }
0x4: {  	_ = 	snop  }
0x5: {  	_ = 	snop  }
0x6: {  	_ = 	snop  }
0x7: {  	_ = 	snop  }
__scs_overlays_trampoline_lowered:
0x8: {  	[smem:$0x3FA7] =	sst s0  }
0x9: {  	[smem:$0x3FA8] =	sst s1  }
0xa: {  	[smem:$0x3FA9] =	sst s2  }
0xb: {  	[smem:$0x3FAA] =	sst s3  }
0xc: {  	[smem:$0x3FAB] =	sst s4  }
0xd: {  	[smem:$0x3FAC] =	sst s5  }
0xe: {  	[smem:$0x3FAD] =	sst s6  }
0xf: {  	[smem:$0x3FAE] =	sst s7  }
0x10: {  	[smem:$0x3FAF] =	sst s8  }
0x11: {  	[smem:$0x3FB0] =	sst s9;
	s0 =	simm.s32 @!p0 $0x0  }
0x12: {  	s1 =	sld [smem:$0x3F96];
	s0 =	simm.s32 @p0 $0x1  }
0x13: {  	[smem:$0x3FB1] =	sst s0;
	s0 =	simm.s32 @!p1 $0x0  }
0x14: {  	s2 =	sld [smem:$0x3F95];
	s0 =	simm.s32 @p1 $0x1  }
0x15: {  	[smem:$0x3FB2] =	sst s0;
	s0 =	simm.s32 @!p2 $0x0  }
0x16: {  	s3 =	sld [smem:$0x3FDB];
	s0 =	simm.s32 @p2 $0x1  }
0x17: {  	s4 =	simm.s32 $0x1BF5;
	[smem:$0x3FB4] =	sst s0  }
0x18: {  	s0 =	sld [smem:$0x3F97];
	_ =	swait.ge [sflag:s4], $0x0  }
0x19: {  	s7 =	sld [smem:$0x3F98]  }
0x1a: {  	s8 =	sadd.s32 $0xFFFFE003, lr  }
0x1b: {  	s9 =	sadd.s32 $0xFFFFFEF7, lr;
	s5 =	simm.s32 $0xFFFFFFFF;
	p2 =	slt.u32 s8, $0xFFFFF086  }
0x1c: {  	p1 =	slt.u32 s9, $0xF7A;
	s5 =	simm.s32 @!p2 $0x0  }
0x1d: {  	s5 =	simm.s32 @p1 $0x1;
	p0 =	seq.s32 s7, s2  }
0x1e: {  	s7 =	smul.u32 @!p0 $0xF7A, s2;
	p2 =	seq.s32 @!p0 s5, $0x0  }
0x1f: {  	s9 =	smul.u32 $0xF7A, s1;
	s8 =	simm.s32 @!p0 $0x1BF5;
	p2 =	por !p2, p0  }
0x20: {  	[sflag:s8] =	ssyncset.s32 @!p0 $0xFFFFF086;
	s6 =	sadd.s32 @!p0 s3, s7;
	s7 =	simm.s32 @!p0 $0x108  }
0x21: {  	s3 =	sadd.s32 s3, s9;
	s6 =	sadd.s32 @!p0 $0x88, s6;
	s7 =	simm.s32 @p2 $0x1082  }
0x22: {  	[simem:s7], [sflag:s8] =	dma.local @!p0 [hbm:s6], $0xF7A  }
0x23: {  	s9 =	sor.u32 $0xD0000000, s2;
	s6 =	simm.s32 $0x108;
	_ =	swait.ge @!p0 [sflag:s8], $0x0  }
0x24: {  	s3 =	sadd.s32 $0x88, s3;
	s6 =	simm.s32 @!p1 $0x1082;
	[sflag:s4] =	ssyncset.s32 $0xFFFFF086  }
0x25: {  	[simem:s6], [sflag:s4] =	dma.local [hbm:s3], $0xF7A  }
0x26: {  	[smem:$0x3F98] =	sst s1;
	(tag) =	ssettag s2;
	_ =	strace s9  }
0x27: {  	s1 =	sld [smem:$0x3FA8]  }
0x28: {  	s2 =	sld [smem:$0x3FA9]  }
0x29: {  	s4 =	sld [smem:$0x3FAB]  }
0x2a: {  	p0 =	seq.s32 s5, $0x0;
	s5 =	sld [smem:$0x3FAC]  }
0x2b: {  	s6 =	sld [smem:$0x3FAD]  }
0x2c: {  	s7 =	sld [smem:$0x3FAE]  }
0x2d: {  	s3 =	simm.s32 $0x108;
	s8 =	sld [smem:$0x3FAF]  }
0x2e: {  	s3 =	simm.s32 @!p0 $0x1082;
	s9 =	sld [smem:$0x3FB0]  }
0x2f: {  	lr =	sadd.s32 s0, s3;
	s0 =	sld [smem:$0x3FA7]  }
0x30: {  	s3 =	sld [smem:$0x3FAA]  }
0x31: {  	[smem:$0x3FB3] =	sst s10  }
0x32: {  	s10 =	sld [smem:$0x3FB1];
	_ =	sdelay $0x3  }
0x33: {  	p0 =	seq.s32 s10, $0x1;
	s10 =	sld [smem:$0x3FB3];
	_ =	sdelay $0x3  }
0x34: {  	[smem:$0x3FB3] =	sst s10  }
0x35: {  	s10 =	sld [smem:$0x3FB2];
	_ =	sdelay $0x3  }
0x36: {  	p1 =	seq.s32 s10, $0x1;
	s10 =	sld [smem:$0x3FB3];
	_ =	sdelay $0x3  }
0x37: {  	[smem:$0x3FB3] =	sst s10  }
0x38: {  	s10 =	sld [smem:$0x3FB4]  }
0x39: {  	_ = 	snop;
	(pc) =	sbr.ind lr, $3  }
0x3a: {  	_ = 	snop  }
0x3b: {  	_ = 	snop  }
0x3c: {  	p2 =	seq.s32 s10, $0x1;
	s10 =	sld [smem:$0x3FB3]  }
0x3d: {  	_ =	shalt  }
0x3e: {  	_ =	shalt  }
0x3f: {  	_ =	shalt  }
0x40: {  	_ =	shalt  }
0x41: {  	_ =	shalt  }
0x42: {  	_ =	shalt  }
0x43: {  	_ =	shalt  }
0x44: {  	_ =	shalt  }
0x45: {  	_ =	shalt  }
0x46: {  	_ =	shalt  }
0x47: {  	_ =	shalt  }
0x48: {  	_ =	shalt  }
0x49: {  	_ =	shalt  }
0x4a: {  	_ =	shalt  }
0x4b: {  	_ =	shalt  }
0x4c: {  	_ =	shalt  }
0x4d: {  	_ =	shalt  }
0x4e: {  	_ =	shalt  }
0x4f: {  	_ =	shalt  }
0x50: {  	_ =	shalt  }
0x51: {  	_ =	shalt  }
0x52: {  	_ =	shalt  }
0x53: {  	_ =	shalt  }
0x54: {  	_ =	shalt  }
0x55: {  	_ =	shalt  }
0x56: {  	_ =	shalt  }
0x57: {  	_ =	shalt  }
0x58: {  	_ =	shalt  }
0x59: {  	_ =	shalt  }
0x5a: {  	_ =	shalt  }
0x5b: {  	_ =	shalt  }
0x5c: {  	_ =	shalt  }
0x5d: {  	_ =	shalt  }
0x5e: {  	_ =	shalt  }
0x5f: {  	_ =	shalt  }
0x60: {  	_ =	shalt  }
0x61: {  	_ =	shalt  }
0x62: {  	_ =	shalt  }
0x63: {  	_ =	shalt  }
0x64: {  	_ =	shalt  }
0x65: {  	_ =	shalt  }
0x66: {  	_ =	shalt  }
0x67: {  	_ =	shalt  }
0x68: {  	_ =	shalt  }
0x69: {  	_ =	shalt  }
0x6a: {  	_ =	shalt  }
0x6b: {  	_ =	shalt  }
0x6c: {  	_ =	shalt  }
0x6d: {  	_ =	shalt  }
0x6e: {  	_ =	shalt  }
0x6f: {  	_ =	shalt  }
0x70: {  	_ =	shalt  }
0x71: {  	_ =	shalt  }
0x72: {  	_ =	shalt  }
0x73: {  	_ =	shalt  }
0x74: {  	_ =	shalt  }
0x75: {  	_ =	shalt  }
0x76: {  	_ =	shalt  }
0x77: {  	_ =	shalt  }
0x78: {  	_ =	shalt  }
0x79: {  	_ =	shalt  }
0x7a: {  	_ =	shalt  }
0x7b: {  	_ =	shalt  }
0x7c: {  	_ =	shalt  }
0x7d: {  	_ =	shalt  }
0x7e: {  	_ =	shalt  }
0x7f: {  	_ =	shalt  }
0x80: {  	_ =	shalt  }
0x81: {  	_ =	shalt  }
0x82: {  	_ =	shalt  }
0x83: {  	_ =	shalt  }
0x84: {  	_ =	shalt  }
0x85: {  	_ =	shalt  }
0x86: {  	_ =	shalt  }
0x87: {  	_ =	shalt  }
.Lfunc_end0:
.L_simem_size_0:
called_computation.1_lowered:
.L_overlay_start_0:
0x88: {  	s2 =	sld [smem:$0x3FD9]  }
0x89: {  	s3 =	sld [smem:$0x3FFE];
	_ =	sdelay $0x1  }
0x8a: {  	s1 =	srdreg.scid  }
0x8b: {  	s0 =	sand.u32 $0x1, s1  }
0x8c: {  	s16 =	sshll.u32 s0, $0xA;
	s2 =	sadd.s32 s3, s2  }
0x8d: {  	s2 =	sadd.s32 s2, s16  }
0x8e: {  	[smem:$0x3FBF] =	sst s2  }
0x8f: {  	_ = 	snop  }
0x90: {  	(tm) =	ssettm $0x1  }
0x91: {  	s17 =	sld [smem:$0x3FFB];
	_ =	sdelay $0x3  }
0x92: {  	_ =	strace s17  }
0x93: {  	s2 =	sld [smem:$0x3FFC];
	_ =	sdelay $0x3  }
0x94: {  	_ =	strace s2  }
0x95: {  	s2 =	sld [smem:$0x3FFD];
	_ =	sdelay $0x3  }
0x96: {  	_ =	strace s2  }
0x97: {  	_ =	strace $0x8FFFFFFF  }
0x98: {  	s18 =	sld [smem:$0x3FDB];
	_ =	sdelay $0x1  }
0x99: {  	s19 =	simm.s32 $_scs_section_size  }
0x9a: {  	s4 =	simm.s32 $_size__tile_overlayer_lowered;
	s5 =	simm.s32 $_tile_overlayer_lowered  }
0x9b: {  	s22 =	simm.s32 $0x1BFF;
	s21 =	sshll.u32 s5, $0x1;
	s2 =	sadd.s32 s19, s18  }
0x9c: {  	s6 =	simm.s32 $0x0;
	s20 =	sshll.u32 s4, $0x1;
	s4 =	sadd.s32 s21, s2  }
0x9d: {  	[timem:s6], [sflag:s22] =	dma.local [hbm:s4], s20  }
0x9e: {  	_ =	swait.ge [sflag:s22], s20  }
0x9f: {  	s3 =	ssub.s32 $0x0, s20;
	[sflag:s22] =	ssyncset.done $0x0  }
0xa0: {  	[sflag:s22] =	ssyncadd.s32 s3;
	_ =	sdelay $0x1  }
0xa1: {  	s23 =	simm.s32 $0x1B8B  }
0xa2: {  	_ =	swait.ge [sflag:s23], $0x1  }
0xa3: {  	[sflag:s23] =	ssyncset.done $0x0  }
0xa4: {  	s25 =	simm.s32 $0x1B8E;
	s24 =	sld [smem:$0x3FFE];
	[sflag:s23] =	ssyncadd.s32 $0xFFFFFFFF  }
0xa5: {  	s26 =	simm.s32 $execute0_lowered;
	[smem:$0x3FD2] =	sst s25  }
0xa6: {  	s4 =	sshll.u32 s26, $0x1;
	_ =	strace $0x80000049;
	[dreg:$0x1] =	wrdreg $0xFFFFFFFF  }
0xa7: {  	s28 =	simm.s32 $_size_execute0_lowered;
	s2 =	sadd.s32 s2, s4;
	[dreg:$0x0] =	wrdreg $0x0  }
0xa8: {  	s4 =	sshll.u32 s28, $0x1;
	[dreg:$0x2] =	wrdreg s2  }
0xa9: {  	[dreg:$0x3] =	wrdreg s4  }
0xaa: {  	[dreg:$0x4] =	wrdreg $0xC0  }
0xab: {  	_ =	task [dreg:s6], $0x5FFFF  }
0xac: {  	[dreg:$0x1] =	wrdreg $0xFFFFFFFF  }
0xad: {  	[dreg:$0x0] =	wrdreg $0x60  }
0xae: {  	[dreg:$0x2] =	wrdreg s24  }
0xaf: {  	[dreg:$0x3] =	wrdreg $0x93000  }
0xb0: {  	[dreg:$0x4] =	wrdreg $0x1D3000  }
0xb1: {  	[dreg:$0x5] =	wrdreg $0x9  }
0xb2: {  	_ =	task.clear_ibuf [dreg:s6], $0x6FFFF;
	_ =	strace $0x90000049  }
0xb3: {  	s29 =	simm.s32 $0x9;
	_ =	strace $0x8000004B  }
0xb4: {  	_ =	swait.ge [sflag:s29], $0x1  }
0xb5: {  	[sflag:s29] =	ssyncadd.s32 $0xFFFFFFFF  }
0xb6: {  	_ =	strace $0x9000004B  }
0xb7: {  	_ =	sfence  }
0xb8: {  	s30 =	sld [smem:$0x0];
	_ =	sdelay $0x2  }
0xb9: {  	s31 =	sshll.u32 s1, $0xD;
	s1 =	sshrl.u32 s1, $0x2  }
0xba: {  	s3 =	sand.u32 $0x4000, s31;
	s1 =	sadd.s32 s1, s30  }
0xbb: {  	s0 =	sor.u32 s3, s0;
	s1 =	sshll.u32 s1, $0x11  }
0xbc: {  	s0 =	sor.u32 s1, s0  }
0xbd: {  	s0 =	sadd.s32 $0x8F2B, s0  }
0xbe: {  	[sflag:s0] =	ssyncadd.remote.s32 $0x1  }
0xbf: {  	_ =	sfence.sel $0xFFFF  }
0xc0: {  	[dreg:$0x0] =	wrdreg $0xFFFFFFFF;
	(pc) =	sbr.abs _section_cstart, $3  }
0xc1: {  	[dreg:$0x1] =	wrdreg $0xFFFFFFFF  }
0xc2: {  	_ =	task.clear_ibuf [dreg:s6], $0x2FFFF;
	_ =	strace $0x9FFFFFFF  }
0xc3: {  	(tm) =	ssettm $0x7FFFFFFF  }
tec
execute0_lowered:
.L_overlay_start_1:
0x0: {  	(tag) =	ssettag $0x1  }
0x1: {  	s1 =	rddreg [dreg:$0x0]  }
0x2: {  	s2 =	rddreg [dreg:$0x1]  }
0x3: {  	s0 =	srdreg.scid;
	s3 =	rddreg [dreg:$0x2]  }
0x4: {  	s4 =	simm.s32 $0x0;
	s17 =	simm.s32 $0x3;
	s19 =	simm.s32 $0x80  }
0x5: {  	s20 =	simm.s32 $0x1;
	s22 =	simm.s32 $0x9000;
	s8 =	sand.u32 $0x1, s0  }
0x6: {  	s26 =	simm.s32 $0x4F80;
	s0 =	stileid.u32;
	s10 =	smul.u32 $0x28000, s8  }
0x7: {  	[smem:$0x7FF] =	sst s4;
	s6 =	sadd.s32 $0xC000, s1;
	s11 =	smul.u32 $0x50000, s0  }
0x8: {  	s7 =	sadd.s32 $0x5C000, s1;
	s9 =	sshll.u32 s8, $0x4;
	s12 =	smul.u32 $0xA00, s0  }
0x9: {  	_ =	strace $0x8000004A;
	s8 =	ssub.s32 $0x2, s8;
	s24 =	smul.u32 $0x2800, s0  }
0xa: {  	s21 =	smul.u32 $0xA0, s0;
	s5 =	sor.u32 s0, s9;
	s31 =	sshrl.u32 s8, $0x1  }
0xb: {  	s5 =	smul.u32 $0x500, s5;
	s15 =	sadd.s32 s10, s1;
	s11 =	sshrl.u32 s11, $0x2  }
0xc: {  	s16 =	ssub.s32 s8, s31;
	s13 =	sshrl.u32 s12, $0x2;
	s8 =	sadd.s32 s11, s2  }
0xd: {  	s13 =	sadd.s32 s13, s3;
	s18 =	sadd.s32 $0x5D000, s15;
	s25 =	sadd.s32 $0xAD000, s15  }
0xe: {  	s15 =	smax.u32 s16, $0x1;
	s16 =	simm.s32 $0x5000;
	s14 =	sadd.s32 s5, s1  }
0xf: {  	s5 =	sadd.s32 $0x34000, s1;
	s1 =	sadd.s32 s9, s1;
	s9 =	sadd.s32 $0x4000, s8  }
0x10: {  	s10 =	sadd.s32 $0x8000, s8;
	s11 =	sadd.s32 $0xC000, s8;
	s12 =	sadd.s32 $0x10000, s8  }
0x11: {  	s23 =	sadd.s32 s24, s18;
	s24 =	sadd.s32 s24, s25;
	s1 =	sadd.s32 $0x5C600, s1  }
0x12: {  	v0 =	vimm.f32 $0.0e+00;
	s25 =	simm.s32 $0x2;
	s14 =	sadd.s32 $0x2000, s14;
	s21 =	sadd.s32 s21, s1  }
.LBB2_1:
0x13: {  	s1 =	simm.s32 $0x0;
	s18 =	simm.s32 $0x200  }
.LBB2_2:
0x14: {  	p0 =	sne.s32 s18, $0xFE00;
	[tilespmem:s1+$0x5070] =	vst v0  }
0x15: {  	[tilespmem:s1+$0x5000] =	vst v0  }
0x16: {  	[tilespmem:s1+$0x5010] =	vst v0  }
.Ltmp0:
0x17: {  	[tilespmem:s1+$0x5020] =	vst v0;
	(pc) =	sbr.rel @p0 .LBB2_2-.Ltmp0, $4  }
0x18: {  	[tilespmem:s1+$0x5030] =	vst v0  }
0x19: {  	[tilespmem:s1+$0x5040] =	vst v0  }
0x1a: {  	[tilespmem:s1+$0x5050] =	vst v0  }
0x1b: {  	[tilespmem:s1+$0x5060] =	vst v0;
	s1 =	sshra.s32 s18, $0x2;
	s18 =	sadd.s32 $0x200, s18  }
0x1c: {  	[tilespmem:s1+$0x5070] =	vst v0  }
0x1d: {  	[tilespmem:s1+$0x5000] =	vst v0  }
0x1e: {  	[tilespmem:s1+$0x5010] =	vst v0  }
0x1f: {  	[tilespmem:s1+$0x5020] =	vst v0  }
0x20: {  	[tilespmem:s1+$0x5030] =	vst v0  }
0x21: {  	[tilespmem:s1+$0x5040] =	vst v0  }
0x22: {  	[tilespmem:s1+$0x5050] =	vst v0  }
0x23: {  	[tilespmem:s1+$0x5060] =	vst v0  }
0x24: {  	[tilespmem:$0x9080] =	vst v0  }
0x25: {  	[tilespmem:$0x9090] =	vst v0  }
0x26: {  	[tilespmem:$0x90A0] =	vst v0  }
0x27: {  	[tilespmem:$0x90B0] =	vst v0  }
0x28: {  	[tilespmem:$0x90C0] =	vst v0  }
0x29: {  	[tilespmem:$0x90D0] =	vst v0  }
0x2a: {  	[tilespmem:$0x90E0] =	vst v0  }
0x2b: {  	[tilespmem:$0x90F0] =	vst v0  }
0x2c: {  	[tilespmem:$0x9100] =	vst v0  }
0x2d: {  	[tilespmem:$0x9110] =	vst v0  }
0x2e: {  	[tilespmem:$0x9120] =	vst v0  }
0x2f: {  	[tilespmem:$0x9130] =	vst v0  }
0x30: {  	[tilespmem:$0x9140] =	vst v0  }
0x31: {  	[tilespmem:$0x9150] =	vst v0  }
0x32: {  	[tilespmem:$0x9160] =	vst v0  }
0x33: {  	[tilespmem:$0x9170] =	vst v0  }
0x34: {  	[tilespmem:$0x9180] =	vst v0  }
0x35: {  	[tilespmem:$0x9190] =	vst v0  }
0x36: {  	[tilespmem:$0x91A0] =	vst v0  }
0x37: {  	[tilespmem:$0x91B0] =	vst v0  }
0x38: {  	[tilespmem:$0x91C0] =	vst v0  }
0x39: {  	[tilespmem:$0x91D0] =	vst v0  }
0x3a: {  	[tilespmem:$0x91E0] =	vst v0  }
0x3b: {  	[tilespmem:$0x91F0] =	vst v0  }
0x3c: {  	[tilespmem:$0x9200] =	vst v0  }
0x3d: {  	[tilespmem:$0x9210] =	vst v0  }
0x3e: {  	[tilespmem:$0x9220] =	vst v0  }
0x3f: {  	[tilespmem:$0x9230] =	vst v0  }
0x40: {  	[tilespmem:$0x9240] =	vst v0  }
0x41: {  	[tilespmem:$0x9250] =	vst v0  }
0x42: {  	[tilespmem:$0x9260] =	vst v0  }
0x43: {  	[tilespmem:$0x9270] =	vst v0  }
0x44: {  	[tilespmem:$0x9280] =	vst v0  }
0x45: {  	[tilespmem:$0x9290] =	vst v0  }
0x46: {  	[tilespmem:$0x92A0] =	vst v0  }
0x47: {  	[tilespmem:$0x92B0] =	vst v0  }
0x48: {  	[tilespmem:$0x92C0] =	vst v0  }
0x49: {  	[tilespmem:$0x92D0] =	vst v0  }
0x4a: {  	[tilespmem:$0x92E0] =	vst v0  }
0x4b: {  	[tilespmem:$0x92F0] =	vst v0  }
0x4c: {  	[spmem:s8] =	stream.linear.scatter [tilespmem:s16], [sflag:$0x3], $0x4000, $0x38;
	[tilespmem:$0x1D580] =	vst v63  }
0x4d: {  	_ =	swait.ge [sflag:s17], $0x4000  }
0x4e: {  	[sflag:s17] =	ssyncset.done $0x0  }
0x4f: {  	[sflag:s17] =	ssyncadd.s32 $0xFFFFC000  }
0x50: {  	[spmem:s9] =	stream.linear.scatter [tilespmem:s16], [sflag:$0x3], $0x4000, $0x38;
	[tilespmem:$0x1D580] =	vst v63  }
0x51: {  	_ =	swait.ge [sflag:s17], $0x4000  }
0x52: {  	[sflag:s17] =	ssyncset.done $0x0  }
0x53: {  	[sflag:s17] =	ssyncadd.s32 $0xFFFFC000  }
0x54: {  	[spmem:s10] =	stream.linear.scatter [tilespmem:s16], [sflag:$0x3], $0x4000, $0x38;
	[tilespmem:$0x1D580] =	vst v63  }
0x55: {  	_ =	swait.ge [sflag:s17], $0x4000  }
0x56: {  	[sflag:s17] =	ssyncset.done $0x0  }
0x57: {  	[sflag:s17] =	ssyncadd.s32 $0xFFFFC000  }
0x58: {  	[spmem:s11] =	stream.linear.scatter [tilespmem:s16], [sflag:$0x3], $0x4000, $0x38;
	[tilespmem:$0x1D580] =	vst v63  }
0x59: {  	_ =	swait.ge [sflag:s17], $0x4000  }
0x5a: {  	[sflag:s17] =	ssyncset.done $0x0  }
0x5b: {  	[sflag:s17] =	ssyncadd.s32 $0xFFFFC000  }
0x5c: {  	[spmem:s12] =	stream.linear.scatter [tilespmem:s16], [sflag:$0x3], $0x4000, $0x38;
	[tilespmem:$0x1D580] =	vst v63  }
0x5d: {  	_ =	swait.ge [sflag:s17], $0x4000  }
0x5e: {  	[sflag:s17] =	ssyncset.done $0x0  }
0x5f: {  	s29 =	simm.s32 $0x9080;
	[sflag:s17] =	ssyncadd.s32 $0xFFFFC000  }
0x60: {  	[spmem:s13] =	stream.linear.scatter [tilespmem:s29], [sflag:$0x3], $0x280, $0x38;
	[tilespmem:$0x1D580] =	vst v63  }
0x61: {  	_ =	swait.ge [sflag:s17], $0x280  }
0x62: {  	[sflag:s17] =	ssyncset.done $0x0  }
0x63: {  	s30 =	simm.s32 $0x0;
	[sflag:s17] =	ssyncadd.s32 $0xFFFFFD80  }
0x64: {  	[tilespmem:s30], [sflag:$0x3] =	stream.linear.gather [hbm4b:s14+s30], $0x2800, $0x38;
	[tilespmem:$0x1D580] =	vst v63  }
0x65: {  	_ =	swait.ge [sflag:s17], $0x2800  }
0x66: {  	[sflag:s17] =	ssyncset.done $0x0  }
0x67: {  	s1 =	simm.s32 $0x0;
	[sflag:s17] =	ssyncadd.s32 $0xFFFFD800  }
0x68: {  	v1 =	vld [tilespmem:s1+$0x0]  }
0x69: {  	v7 =	vld [tilespmem:s1+$0x10]  }
0x6a: {  	v6 =	vld [tilespmem:s1+$0x20]  }
0x6b: {  	v5 =	vld [tilespmem:s1+$0x30]  }
0x6c: {  	v3 =	vld [tilespmem:s1+$0x40]  }
0x6d: {  	v4 =	vld [tilespmem:s1+$0x50];
	v2 =	vshra.s32 v1, $0xE  }
0x6e: {  	s31 =	simm.s32 $0x200;
	v1 =	vand.u32 $0x3FFF, v1;
	v8 =	vshra.s32 v7, $0xE;
	[tilespmem:s1+$0x0] =	vst v2;
	v2 =	vand.u32 $0x3FFF, v7;
	v7 =	vld [tilespmem:s1+$0x60]  }
.LBB2_4:
0x6f: {  	p0 =	sne.s32 s31, $0x9E00;
	[tilespmem:s1+$0x10] =	vst v8;
	v8 =	vand.u32 $0x3FFF, v6;
	v6 =	vshra.s32 v6, $0xE;
	v9 =	vld [tilespmem:s1+$0x70]  }
0x70: {  	[tilespmem:s1+$0x20] =	vst v6;
	v6 =	vand.u32 $0x3FFF, v5;
	v5 =	vshra.s32 v5, $0xE  }
0x71: {  	[tilespmem:s1+$0x30] =	vst v5;
	v5 =	vand.u32 $0x3FFF, v3;
	v3 =	vshra.s32 v3, $0xE  }
0x72: {  	[tilespmem:s1+$0x40] =	vst v3;
	v3 =	vand.u32 $0x3FFF, v4;
	v4 =	vshra.s32 v4, $0xE  }
0x73: {  	[tilespmem:s1+$0x50] =	vst v4;
	v4 =	vand.u32 $0x3FFF, v7;
	v7 =	vshra.s32 v7, $0xE  }
0x74: {  	[tilespmem:s1+$0x60] =	vst v7;
	v7 =	vand.u32 $0x3FFF, v9;
	v9 =	vshra.s32 v9, $0xE  }
0x75: {  	[tilespmem:s1+$0x70] =	vst v9  }
0x76: {  	[tilespmem:s1+$0x2800] =	vst v1  }
0x77: {  	s18 =	sshra.s32 s31, $0x2;
	[tilespmem:s1+$0x2810] =	vst v2  }
0x78: {  	v2 =	vld [tilespmem:s18+$0x0];
	[tilespmem:s1+$0x2820] =	vst v8  }
0x79: {  	v8 =	vld [tilespmem:s18+$0x10];
	[tilespmem:s1+$0x2830] =	vst v6  }
.Ltmp1:
0x7a: {  	v6 =	vld [tilespmem:s18+$0x20];
	[tilespmem:s1+$0x2840] =	vst v5;
	(pc) =	sbr.rel @p0 .LBB2_4-.Ltmp1, $4  }
0x7b: {  	v5 =	vld [tilespmem:s18+$0x30];
	[tilespmem:s1+$0x2850] =	vst v3  }
0x7c: {  	v3 =	vld [tilespmem:s18+$0x40];
	[tilespmem:s1+$0x2860] =	vst v4  }
0x7d: {  	v1 =	vand.u32 $0x3FFF, v2;
	v2 =	vshra.s32 v2, $0xE;
	v4 =	vld [tilespmem:s18+$0x50];
	[tilespmem:s1+$0x2870] =	vst v7;
	s1 =	smov.u32 s18  }
0x7e: {  	s31 =	sadd.s32 $0x200, s31;
	[tilespmem:s1+$0x0] =	vst v2;
	v2 =	vand.u32 $0x3FFF, v8;
	v8 =	vshra.s32 v8, $0xE;
	v7 =	vld [tilespmem:s1+$0x60]  }
0x7f: {  	[tilespmem:s1+$0x10] =	vst v8  }
0x80: {  	[tilespmem:s1+$0x2800] =	vst v1  }
0x81: {  	v58 =	vshra.s32 v6, $0xE;
	[tilespmem:s1+$0x2810] =	vst v2  }
0x82: {  	v1 =	vand.u32 $0x3FFF, v6;
	[tilespmem:s1+$0x20] =	vst v58  }
0x83: {  	v59 =	vshra.s32 v5, $0xE;
	[tilespmem:s1+$0x2820] =	vst v1  }
0x84: {  	v2 =	vand.u32 $0x3FFF, v5;
	[tilespmem:s1+$0x30] =	vst v59  }
0x85: {  	v60 =	vshra.s32 v3, $0xE;
	[tilespmem:s1+$0x2830] =	vst v2  }
0x86: {  	v9 =	vld [tilespmem:s1+$0x70];
	v1 =	vand.u32 $0x3FFF, v3;
	[tilespmem:s1+$0x40] =	vst v60  }
0x87: {  	v61 =	vshra.s32 v4, $0xE;
	[tilespmem:s1+$0x2840] =	vst v1  }
0x88: {  	v2 =	vand.u32 $0x3FFF, v4;
	[tilespmem:s1+$0x50] =	vst v61  }
0x89: {  	v62 =	vshra.s32 v7, $0xE;
	[tilespmem:s1+$0x2850] =	vst v2  }
0x8a: {  	v1 =	vand.u32 $0x3FFF, v7;
	[tilespmem:s1+$0x60] =	vst v62  }
0x8b: {  	v63 =	vshra.s32 v9, $0xE;
	[tilespmem:s1+$0x2860] =	vst v1  }
0x8c: {  	v2 =	vand.u32 $0x3FFF, v9;
	[tilespmem:s1+$0x70] =	vst v63  }
0x8d: {  	[tilespmem:s1+$0x2870] =	vst v2  }
0x8e: {  	s29 =	simm.s32 $0x0;
	[bflag:$0x0] =	sbarrier.arrive $0xFFFF  }
0x8f: {  	[tilespmem:s16], [sflag:$0x1] =	stream.indirect.gather [hbm4b:s5+s19], $0x80, s29, s19, $0xb8;
	[tilespmem:$0x1D580] =	vst v63  }
0x90: {  	_ =	swait.ge [sflag:s20], $0x4000  }
0x91: {  	[sflag:s20] =	ssyncset.done $0x0  }
0x92: {  	s30 =	simm.s32 $0x2800;
	[sflag:s20] =	ssyncadd.s32 $0xFFFFC000  }
0x93: {  	[spmem:s2] =	stream.indirect.scatter.add.f32 [tilespmem:s16], [sflag:$0x3], $0x80, s30, s19, $0xb8;
	[tilespmem:$0x1D580] =	vst v63  }
0x94: {  	_ =	swait.ge [sflag:s17], $0x4000  }
0x95: {  	[sflag:s17] =	ssyncset.done $0x0  }
0x96: {  	s18 =	simm.s32 $0x80;
	[sflag:s17] =	ssyncadd.s32 $0xFFFFC000  }
0x97: {  	[tilespmem:s16], [sflag:$0x1] =	stream.indirect.gather [hbm4b:s5+s19], $0x80, s18, s19, $0xb8;
	[tilespmem:$0x1D580] =	vst v63  }
0x98: {  	_ = 	snop  }
0x99: {  	[tilespmem:s22], [sflag:$0x2] =	stream.indirect.gather [hbm4b:s7+s19], $0x1, s30, s19, $0xb8;
	[tilespmem:$0x1D580] =	vst v63  }
0x9a: {  	_ =	swait.ge [sflag:s25], $0x80  }
0x9b: {  	[sflag:s25] =	ssyncset.done $0x0  }
0x9c: {  	s31 =	simm.s32 $0x0;
	[sflag:s25] =	ssyncadd.s32 $0xFFFFFF80  }
0x9d: {  	[spmem:s3] =	stream.indirect.scatter.add.f32 [tilespmem:s22], [sflag:$0x3], $0x1, s31, s19, $0xb8;
	[tilespmem:$0x1D580] =	vst v63  }
0x9e: {  	_ =	swait.ge [sflag:s17], $0x80  }
0x9f: {  	s1 =	simm.s32 $0x200;
	[sflag:s17] =	ssyncset.done $0x0  }
.LBB2_6:
0xa0: {  	p0 =	sne.s32 s1, $0x9C00  }
0xa1: {  	[sflag:s17] =	ssyncadd.s32 $0xFFFFFF80;
	s18 =	smov.u32 s1;
	s1 =	sadd.s32 $0x200, s1  }
0xa2: {  	_ =	swait.ge [sflag:s20], $0x4000  }
0xa3: {  	s18 =	sshra.s32 s18, $0x2;
	[sflag:s20] =	ssyncset.done $0x0  }
0xa4: {  	s28 =	sadd.s32 $0x2800, s18;
	[sflag:s20] =	ssyncadd.s32 $0xFFFFC000  }
0xa5: {  	[spmem:s2] =	stream.indirect.scatter.add.f32 [tilespmem:s16], [sflag:$0x3], $0x80, s28, s19, $0xb8;
	[tilespmem:$0x1D580] =	vst v63  }
0xa6: {  	_ =	swait.ge [sflag:s17], $0x4000  }
0xa7: {  	[sflag:s17] =	ssyncset.done $0x0  }
0xa8: {  	s31 =	sadd.s32 $0x80, s18;
	[sflag:s17] =	ssyncadd.s32 $0xFFFFC000  }
0xa9: {  	[tilespmem:s16], [sflag:$0x1] =	stream.indirect.gather [hbm4b:s5+s19], $0x80, s31, s19, $0xb8;
	[tilespmem:$0x1D580] =	vst v63  }
0xaa: {  	_ = 	snop  }
0xab: {  	[tilespmem:s22], [sflag:$0x2] =	stream.indirect.gather [hbm4b:s7+s19], $0x1, s28, s19, $0xb8;
	[tilespmem:$0x1D580] =	vst v63  }
0xac: {  	_ =	swait.ge [sflag:s25], $0x80  }
.Ltmp2:
0xad: {  	[sflag:s25] =	ssyncset.done $0x0;
	(pc) =	sbr.rel @p0 .LBB2_6-.Ltmp2, $4  }
0xae: {  	[sflag:s25] =	ssyncadd.s32 $0xFFFFFF80  }
0xaf: {  	[spmem:s3] =	stream.indirect.scatter.add.f32 [tilespmem:s22], [sflag:$0x3], $0x1, s18, s19, $0xb8;
	[tilespmem:$0x1D580] =	vst v63  }
0xb0: {  	_ =	swait.ge [sflag:s17], $0x80  }
0xb1: {  	[sflag:s17] =	ssyncset.done $0x0  }
0xb2: {  	[sflag:s17] =	ssyncadd.s32 $0xFFFFFF80  }
0xb3: {  	_ =	swait.ge [sflag:s20], $0x4000  }
0xb4: {  	[sflag:s20] =	ssyncset.done $0x0  }
0xb5: {  	[sflag:s20] =	ssyncadd.s32 $0xFFFFC000  }
0xb6: {  	[spmem:s2] =	stream.indirect.scatter.add.f32 [tilespmem:s16], [sflag:$0x3], $0x80, s26, s19, $0xb8;
	[tilespmem:$0x1D580] =	vst v63  }
0xb7: {  	_ =	swait.ge [sflag:s17], $0x4000  }
0xb8: {  	[sflag:s17] =	ssyncset.done $0x0  }
0xb9: {  	[sflag:s17] =	ssyncadd.s32 $0xFFFFC000  }
0xba: {  	[tilespmem:s22], [sflag:$0x2] =	stream.indirect.gather [hbm4b:s7+s19], $0x1, s26, s19, $0xb8;
	[tilespmem:$0x1D580] =	vst v63  }
0xbb: {  	_ =	swait.ge [sflag:s25], $0x80  }
0xbc: {  	[sflag:s25] =	ssyncset.done $0x0  }
0xbd: {  	s1 =	simm.s32 $0x2780;
	[sflag:s25] =	ssyncadd.s32 $0xFFFFFF80  }
0xbe: {  	[spmem:s3] =	stream.indirect.scatter.add.f32 [tilespmem:s22], [sflag:$0x3], $0x1, s1, s19, $0xb8;
	[tilespmem:$0x1D580] =	vst v63  }
0xbf: {  	_ =	swait.ge [sflag:s17], $0x80  }
0xc0: {  	[sflag:s17] =	ssyncset.done $0x0  }
0xc1: {  	s30 =	sshll.u32 s0, $0x6;
	[sflag:s17] =	ssyncadd.s32 $0xFFFFFF80  }
0xc2: {  	s31 =	sor.u32 $0x1C03, s30;
	s1 =	sshrl.u32 s8, $0x3;
	[bflag:$0x0] =	sbarrier.arrive $0xFFFF  }
0xc3: {  	[hbm:s23], [sflag:s31] =	dma.local [spmem:s1], $0x2800  }
0xc4: {  	_ =	swait.ge [sflag:s17], $0x2800  }
0xc5: {  	s18 =	sshrl.u32 s13, $0x3;
	[sflag:s17] =	ssyncset.done $0x0  }
0xc6: {  	s28 =	simm.s32 $0x20;
	s29 =	simm.s32 $0x10;
	[sflag:s17] =	ssyncadd.s32 $0xFFFFD800  }
0xc7: {  	[hbm:s21@s28], [sflag:s31] =	dma.strided [spmem:s18@s29], $0x50, s20, $0x10   }
0xc8: {  	_ =	swait.ge [sflag:s17], $0x50  }
0xc9: {  	[sflag:s17] =	ssyncset.done $0x0  }
0xca: {  	s18 =	simm.s32 $0x0;
	s28 =	simm.s32 $0x200;
	[sflag:s17] =	ssyncadd.s32 $0xFFFFFFB0  }
.LBB2_8:
0xcb: {  	p0 =	sne.s32 s28, $0xFE00;
	[tilespmem:s18+$0x5070] =	vst v0  }
0xcc: {  	[tilespmem:s18+$0x5000] =	vst v0  }
0xcd: {  	[tilespmem:s18+$0x5010] =	vst v0  }
.Ltmp3:
0xce: {  	[tilespmem:s18+$0x5020] =	vst v0;
	(pc) =	sbr.rel @p0 .LBB2_8-.Ltmp3, $4  }
0xcf: {  	[tilespmem:s18+$0x5030] =	vst v0  }
0xd0: {  	[tilespmem:s18+$0x5040] =	vst v0  }
0xd1: {  	[tilespmem:s18+$0x5050] =	vst v0  }
0xd2: {  	[tilespmem:s18+$0x5060] =	vst v0;
	s18 =	sshra.s32 s28, $0x2;
	s28 =	sadd.s32 $0x200, s28  }
0xd3: {  	[tilespmem:s18+$0x5070] =	vst v0  }
0xd4: {  	[tilespmem:s18+$0x5000] =	vst v0  }
0xd5: {  	[tilespmem:s18+$0x5010] =	vst v0  }
0xd6: {  	[tilespmem:s18+$0x5020] =	vst v0  }
0xd7: {  	[tilespmem:s18+$0x5030] =	vst v0  }
0xd8: {  	[tilespmem:s18+$0x5040] =	vst v0  }
0xd9: {  	[tilespmem:s18+$0x5050] =	vst v0  }
0xda: {  	[tilespmem:s18+$0x5060] =	vst v0  }
0xdb: {  	[tilespmem:$0x9080] =	vst v0  }
0xdc: {  	[tilespmem:$0x9090] =	vst v0  }
0xdd: {  	[tilespmem:$0x90A0] =	vst v0  }
0xde: {  	[tilespmem:$0x90B0] =	vst v0  }
0xdf: {  	[tilespmem:$0x90C0] =	vst v0  }
0xe0: {  	[tilespmem:$0x90D0] =	vst v0  }
0xe1: {  	[tilespmem:$0x90E0] =	vst v0  }
0xe2: {  	[tilespmem:$0x90F0] =	vst v0  }
0xe3: {  	[tilespmem:$0x9100] =	vst v0  }
0xe4: {  	[tilespmem:$0x9110] =	vst v0  }
0xe5: {  	[tilespmem:$0x9120] =	vst v0  }
0xe6: {  	[tilespmem:$0x9130] =	vst v0  }
0xe7: {  	[tilespmem:$0x9140] =	vst v0  }
0xe8: {  	[tilespmem:$0x9150] =	vst v0  }
0xe9: {  	[tilespmem:$0x9160] =	vst v0  }
0xea: {  	[tilespmem:$0x9170] =	vst v0  }
0xeb: {  	[tilespmem:$0x9180] =	vst v0  }
0xec: {  	[tilespmem:$0x9190] =	vst v0  }
0xed: {  	[tilespmem:$0x91A0] =	vst v0  }
0xee: {  	[tilespmem:$0x91B0] =	vst v0  }
0xef: {  	[tilespmem:$0x91C0] =	vst v0  }
0xf0: {  	[tilespmem:$0x91D0] =	vst v0  }
0xf1: {  	[tilespmem:$0x91E0] =	vst v0  }
0xf2: {  	[tilespmem:$0x91F0] =	vst v0  }
0xf3: {  	[tilespmem:$0x9200] =	vst v0  }
0xf4: {  	[tilespmem:$0x9210] =	vst v0  }
0xf5: {  	[tilespmem:$0x9220] =	vst v0  }
0xf6: {  	[tilespmem:$0x9230] =	vst v0  }
0xf7: {  	[tilespmem:$0x9240] =	vst v0  }
0xf8: {  	[tilespmem:$0x9250] =	vst v0  }
0xf9: {  	[tilespmem:$0x9260] =	vst v0  }
0xfa: {  	[tilespmem:$0x9270] =	vst v0  }
0xfb: {  	[tilespmem:$0x9280] =	vst v0  }
0xfc: {  	[tilespmem:$0x9290] =	vst v0  }
0xfd: {  	[tilespmem:$0x92A0] =	vst v0  }
0xfe: {  	[tilespmem:$0x92B0] =	vst v0  }
0xff: {  	[tilespmem:$0x92C0] =	vst v0  }
0x100: {  	[tilespmem:$0x92D0] =	vst v0  }
0x101: {  	[tilespmem:$0x92E0] =	vst v0  }
0x102: {  	[tilespmem:$0x92F0] =	vst v0  }
0x103: {  	[spmem:s8] =	stream.linear.scatter [tilespmem:s16], [sflag:$0x3], $0x4000, $0x38;
	[tilespmem:$0x1D580] =	vst v63  }
0x104: {  	_ =	swait.ge [sflag:s17], $0x4000  }
0x105: {  	[sflag:s17] =	ssyncset.done $0x0  }
0x106: {  	[sflag:s17] =	ssyncadd.s32 $0xFFFFC000  }
0x107: {  	[spmem:s9] =	stream.linear.scatter [tilespmem:s16], [sflag:$0x3], $0x4000, $0x38;
	[tilespmem:$0x1D580] =	vst v63  }
0x108: {  	_ =	swait.ge [sflag:s17], $0x4000  }
0x109: {  	[sflag:s17] =	ssyncset.done $0x0  }
0x10a: {  	[sflag:s17] =	ssyncadd.s32 $0xFFFFC000  }
0x10b: {  	[spmem:s10] =	stream.linear.scatter [tilespmem:s16], [sflag:$0x3], $0x4000, $0x38;
	[tilespmem:$0x1D580] =	vst v63  }
0x10c: {  	_ =	swait.ge [sflag:s17], $0x4000  }
0x10d: {  	[sflag:s17] =	ssyncset.done $0x0  }
0x10e: {  	[sflag:s17] =	ssyncadd.s32 $0xFFFFC000  }
0x10f: {  	[spmem:s11] =	stream.linear.scatter [tilespmem:s16], [sflag:$0x3], $0x4000, $0x38;
	[tilespmem:$0x1D580] =	vst v63  }
0x110: {  	_ =	swait.ge [sflag:s17], $0x4000  }
0x111: {  	[sflag:s17] =	ssyncset.done $0x0  }
0x112: {  	[sflag:s17] =	ssyncadd.s32 $0xFFFFC000  }
0x113: {  	[spmem:s12] =	stream.linear.scatter [tilespmem:s16], [sflag:$0x3], $0x4000, $0x38;
	[tilespmem:$0x1D580] =	vst v63  }
0x114: {  	_ =	swait.ge [sflag:s17], $0x4000  }
0x115: {  	[sflag:s17] =	ssyncset.done $0x0  }
0x116: {  	[sflag:s17] =	ssyncadd.s32 $0xFFFFC000  }
0x117: {  	s29 =	simm.s32 $0x0;
	[bflag:$0x0] =	sbarrier.arrive $0xFFFF  }
0x118: {  	[tilespmem:s16], [sflag:$0x1] =	stream.indirect.gather [hbm4b:s6+s19], $0x80, s29, s19, $0xb8;
	[tilespmem:$0x1D580] =	vst v63  }
0x119: {  	_ =	swait.ge [sflag:s20], $0x4000  }
0x11a: {  	[sflag:s20] =	ssyncset.done $0x0  }
0x11b: {  	s30 =	simm.s32 $0x2800;
	[sflag:s20] =	ssyncadd.s32 $0xFFFFC000  }
0x11c: {  	[spmem:s2] =	stream.indirect.scatter.add.f32 [tilespmem:s16], [sflag:$0x3], $0x80, s30, s19, $0xb8;
	[tilespmem:$0x1D580] =	vst v63  }
0x11d: {  	_ =	swait.ge [sflag:s17], $0x4000  }
0x11e: {  	s18 =	simm.s32 $0x200;
	s28 =	simm.s32 $0x400;
	[sflag:s17] =	ssyncset.done $0x0  }
.LBB2_10:
0x11f: {  	s29 =	sshra.s32 s18, $0x2  }
0x120: {  	[sflag:s17] =	ssyncadd.s32 $0xFFFFC000;
	s18 =	smov.u32 s28;
	s30 =	sadd.s32 $0x200, s28  }
0x121: {  	[tilespmem:s16], [sflag:$0x1] =	stream.indirect.gather [hbm4b:s6+s19], $0x80, s29, s19, $0xb8;
	[tilespmem:$0x1D580] =	vst v63  }
0x122: {  	p0 =	sne.s32 s28, $0x9E00;
	_ =	swait.ge [sflag:s20], $0x4000  }
.Ltmp4:
0x123: {  	[sflag:s20] =	ssyncset.done $0x0;
	(pc) =	sbr.rel @p0 .LBB2_10-.Ltmp4, $4  }
0x124: {  	s28 =	sadd.s32 $0x2800, s29;
	[sflag:s20] =	ssyncadd.s32 $0xFFFFC000  }
0x125: {  	[spmem:s2] =	stream.indirect.scatter.add.f32 [tilespmem:s16], [sflag:$0x3], $0x80, s28, s19, $0xb8;
	[tilespmem:$0x1D580] =	vst v63  }
0x126: {  	_ =	swait.ge [sflag:s17], $0x4000  }
0x127: {  	s28 =	smov.u32 s30;
	[sflag:s17] =	ssyncset.done $0x0  }
0x128: {  	s18 =	sshra.s32 s18, $0x2;
	[sflag:s17] =	ssyncadd.s32 $0xFFFFC000  }
0x129: {  	[tilespmem:s16], [sflag:$0x1] =	stream.indirect.gather [hbm4b:s6+s19], $0x80, s18, s19, $0xb8;
	[tilespmem:$0x1D580] =	vst v63  }
0x12a: {  	_ =	swait.ge [sflag:s20], $0x4000  }
0x12b: {  	[sflag:s20] =	ssyncset.done $0x0  }
0x12c: {  	s18 =	sadd.s32 $0x2800, s18;
	[sflag:s20] =	ssyncadd.s32 $0xFFFFC000  }
0x12d: {  	[spmem:s2] =	stream.indirect.scatter.add.f32 [tilespmem:s16], [sflag:$0x3], $0x80, s18, s19, $0xb8;
	[tilespmem:$0x1D580] =	vst v63  }
0x12e: {  	_ =	swait.ge [sflag:s17], $0x4000  }
0x12f: {  	s4 =	sadd.s32 $0x1, s4;
	[sflag:s17] =	ssyncset.done $0x0  }
0x130: {  	p0 =	sne.s32 s4, s15;
	[sflag:s17] =	ssyncadd.s32 $0xFFFFC000  }
.Ltmp5:
0x131: {  	[bflag:$0x0] =	sbarrier.arrive $0xFFFF;
	(pc) =	sbr.rel @p0 .LBB2_1-.Ltmp5, $4  }
0x132: {  	[hbm:s24], [sflag:s31] =	dma.local [spmem:s1], $0x2800  }
0x133: {  	_ =	swait.ge [sflag:s17], $0x2800  }
0x134: {  	[sflag:s17] =	ssyncset.done $0x0  }
0x135: {  	[sflag:s17] =	ssyncadd.s32 $0xFFFFD800  }
0x136: {  	_ =	sfence.sel $0x180000  }
0x137: {  	[bflag:$0x0] =	sbarrier.arrive $0xFFFF  }
0x138: {  	_ =	strace $0x9000004A  }
0x139: {  	[bflag:$0x2] =	sbarrier.arrive $0xFFFF  }
0x13a: {  	p0 =	sne.s32 s0, $0x0;
	s0 =	rddreg [dreg:$0x3]  }
0x13b: {  	s0 =	sadd.s32 @!p0 $0x100000, s0  }
0x13c: {  	[sflag:s0] =	ssyncadd.tile.s32 @!p0 $0x1;
	_ =	shalt  }
.Lfunc_end2:
_tile_overlayer_lowered:
.L_overlay_start_2:
0x13d: {  	(tag) =	ssettag $0x2  }
0x13e: {  	s0 =	rddreg [dreg:$0x0];
	s2 =	stileid.u32  }
0x13f: {  	s1 =	rddreg [dreg:$0x1];
	p0 =	sne.s32 s2, $0x0  }
0x140: {  	s3 =	rddreg [dreg:$0x2];
	[bflag:$0x3] =	sbarrier.arrive $0xFFFF;
	s2 =	simm.s32 @!p0 $0x1C03  }
0x141: {  	[timem:s3], [sflag:s2] =	dma.local @!p0 [hbm:s0], s1  }
0x142: {  	s0 =	simm.s32 @!p0 $0x3  }
0x143: {  	_ =	swait.ge @!p0 [sflag:s0], s1  }
0x144: {  	s1 =	ssub.s32 @!p0 $0x0, s1;
	[sflag:s0] =	ssyncset.done @!p0 $0x0  }
0x145: {  	[sflag:s0] =	ssyncadd.s32 @!p0 s1  }
0x146: {  	[bflag:$0x3] =	sbarrier.arrive $0xFFFF  }
0x147: {  	_ =	shalt  }

</sc_bundles>
